<compile_context>
chip_gen: v7x
topology: tpu7x:2x2x1
jax: 0.10.2.dev20260603
libtpu: 0.0.44.dev20260713+nightly
codegen_flags: <defaults>
</compile_context>

<pallas_src>
import functools

import numpy as np
import jax
import jax.numpy as jnp
from jax import lax
from jax.experimental import pallas as pl
from jax.experimental.pallas import tpu as pltpu
from jax.experimental.pallas import tpu_sc as plsc

NC = 37
NCP = 40
VEC = 142
NROW = 51
NF = 71
BB = 64
PR = 56
PV = 256

NWK = 32
RPW = 10 * 4096 // NWK
RCH = 128

_S = np.zeros((23, NF), np.float32)
_R = np.zeros((NF,), np.float32)
_MSK = np.zeros((NF,), np.float32)
for _k in range(3):
    for _r in range(3):
        _j = 1 + 3 * _k + _r
        _S[1 + _k, _j] = 1.0
        _R[_j] = _r
        _MSK[_j] = 1.0
for _k in range(7):
    for _r in range(7):
        _j = 10 + 7 * _k + _r
        _S[4 + _k, _j] = 1.0
        _R[_j] = _r
        _MSK[_j] = 1.0
for _j in range(12):
    _S[11 + _j, 59 + _j] = 1.0
_E0 = np.zeros((NF,), np.float32)
_E0[0] = 1.0


def _body(ch_ref, sc_ref, tr_ref, s_ref, aux_ref, m_ref, w1_ref, b1_ref,
          w2_ref, b2_ref, out_ref):
    f32 = jnp.float32
    ch2 = ch_ref[...]
    G = jnp.dot(ch2, s_ref[...], preferred_element_type=f32)
    msk = aux_ref[1, :][None, :] != 0.0
    F = jnp.where(msk, (G == aux_ref[0, :][None, :]).astype(f32), G) + aux_ref[2, :][None, :]
    rows = jnp.dot(F, m_ref[...], preferred_element_type=f32)
    out_ref[:, 0:NC, 0:VEC] = rows.reshape(BB, NCP, VEC)[:, 0:NC, :]

    x = jnp.clip(sc_ref[...], 0.0, 200.0) * ((VEC - 1) / 200.0)
    low = jnp.floor(x)
    frac = (x - low)[..., None]
    lowb = low[..., None]
    high = jnp.minimum(lowb + 1.0, float(VEC - 1))
    p = lax.broadcasted_iota(jnp.int32, (BB, 3, VEC), 2).astype(f32)
    enc = jnp.where(p == lowb, 1.0 - frac, 0.0) + jnp.where(p == high, frac, 0.0)
    out_ref[:, NC:NC + 3, 0:VEC] = enc

    h = jnp.maximum(
        jnp.dot(tr_ref[...], w1_ref[...], preferred_element_type=f32) + b1_ref[0, :], 0.0)
    y = jnp.dot(h, w2_ref[...], preferred_element_type=f32) + b2_ref[0, :]
    out_ref[:, NC + 13:NROW, 0:VEC] = y[:, None, :]


def _sc_bench(out2d, idxs, dests, btab, tok_out, idx_v, dest_v, rows_v0,
              rows_v1, tok_v, sem_g, sem_s):
    wid = lax.axis_index("s") * 2 + lax.axis_index("c")
    nt = RPW // RCH
    pltpu.sync_copy(idxs.at[wid], idx_v)
    pltpu.sync_copy(dests.at[wid], dest_v)
    bufs = (rows_v0, rows_v1)
    gathers = [None] * nt
    scatters = [None] * nt
    gathers[0] = pltpu.async_copy(btab.at[idx_v.at[0]], bufs[0], sem_g)
    for t in range(nt):
        gathers[t].wait()
        scatters[t] = pltpu.async_copy(bufs[t % 2], out2d.at[dest_v.at[t]], sem_s)
        if t + 1 < nt:
            if t >= 1:
                scatters[t - 1].wait()
            gathers[t + 1] = pltpu.async_copy(btab.at[idx_v.at[t + 1]],
                                              bufs[(t + 1) % 2], sem_g)
    if nt >= 2:
        scatters[nt - 2].wait()
    scatters[nt - 1].wait()
    tok_v[...] = jnp.full((16,), wid, jnp.int32)
    pltpu.sync_copy(tok_v, tok_out.at[wid])


def kernel(champions, scalars, items, traits, champ_table, item_table, trait_table,
           bench_table, W1, b1, W2, b2):
    B = champions.shape[0]
    f32 = jnp.float32
    M = jnp.zeros((NF, VEC), f32)
    M = M.at[0, 0:30].set(champ_table[0])
    for k in range(3):
        M = M.at[1 + 3 * k:4 + 3 * k, 30 + 10 * k:40 + 10 * k].set(item_table)
    for k in range(7):
        M = M.at[10 + 7 * k:17 + 7 * k, 60 + 10 * k:70 + 10 * k].set(trait_table)
    M = M.at[59:NF, 130:VEC].set(jnp.eye(12, dtype=f32))

    ch40 = jnp.pad(champions, ((0, 0), (0, NCP - NC), (0, 0))).reshape(B * NCP, 23)

    full = lambda shp: pl.BlockSpec(shp, lambda i: (0,) * len(shp))
    padded = pl.pallas_call(
        _body,
        grid=(B // BB,),
        in_specs=[
            pl.BlockSpec((BB * NCP, 23), lambda i: (i, 0)),
            pl.BlockSpec((BB, 3), lambda i: (i, 0)),
            pl.BlockSpec((BB, 26), lambda i: (i, 0)),
            full((23, NF)), full((3, NF)), full((NF, VEC)),
            full((26, 26)), full((1, 26)), full((26, VEC)), full((1, VEC)),
        ],
        out_specs=pl.BlockSpec((BB, PR, PV), lambda i: (i, 0, 0)),
        out_shape=jax.ShapeDtypeStruct((B, PR, PV), jnp.float32),
    )(ch40, scalars, traits,
      jnp.asarray(_S), jnp.asarray(np.stack([_R, _MSK, _E0])), M,
      W1, b1.reshape(1, 26), W2, b2.reshape(1, VEC))

    padded2d = padded.reshape(B * PR, PV)
    nt = RPW // RCH
    idx_3d = items.astype(jnp.int32).reshape(NWK, nt, RCH)
    dest_3d = (jnp.arange(B, dtype=jnp.int32)[:, None] * PR + 40
               + jnp.arange(10, dtype=jnp.int32)[None, :]).reshape(NWK, nt, RCH)
    btab256 = jnp.pad(bench_table, ((0, 0), (0, PV - VEC)))

    sc_call = functools.partial(
        pl.kernel,
        out_type=jax.ShapeDtypeStruct((NWK, 16), jnp.int32),
        mesh=plsc.VectorSubcoreMesh(core_axis_name="c", subcore_axis_name="s"),
        scratch_types=[
            pltpu.VMEM((nt, RCH), jnp.int32),
            pltpu.VMEM((nt, RCH), jnp.int32),
            pltpu.VMEM((RCH, PV), jnp.float32),
            pltpu.VMEM((RCH, PV), jnp.float32),
            pltpu.VMEM((16,), jnp.int32),
            pltpu.SemaphoreType.DMA,
            pltpu.SemaphoreType.DMA,
        ],
        compiler_params=pltpu.CompilerParams(has_side_effects=True),
    )(_sc_bench)
    token = sc_call(padded2d, idx_3d, dest_3d, btab256)

    p2, _ = lax.optimization_barrier((padded2d, token))
    return p2.reshape(B, PR, PV)[:, 0:NROW, 0:VEC]

# --- scband reference (transcript-rebuilt; emitter-appended) ---
"""Pipeline reference for scband-player-embedding-53137335386225 (READ-ONLY COPY).

The authoritative reference and input builder live on the scoring server;
editing this copy changes nothing except your own understanding.
"""

import jax, jax.numpy as jnp
import numpy as np

B = 4096
NUM_CHAMPS = 37
NUM_SCALARS = 3
NUM_ITEMS = 10
CE, IE, TE, STATS = 30, 10, 10, 12
VEC = CE + IE * 3 + TE * 7 + STATS  # 142
SC_MIN, SC_MAX = 0.0, 200.0


def scalar_encode(x, min_value=SC_MIN, max_value=SC_MAX, num_steps=VEC):
    # MuZero-style two-hot encoding of each scalar into num_steps bins
    x = jnp.clip(x, min_value, max_value)
    x = (x - min_value) / (max_value - min_value) * (num_steps - 1)
    low = jnp.floor(x)
    frac = x - low
    low_i = low.astype(jnp.int32)
    high_i = jnp.minimum(low_i + 1, num_steps - 1)
    low_oh = jax.nn.one_hot(low_i, num_steps, dtype=x.dtype)
    high_oh = jax.nn.one_hot(high_i, num_steps, dtype=x.dtype)
    return low_oh * (1.0 - frac)[..., None] + high_oh * frac[..., None]


def setup_inputs(seed: int = 0) -> dict:
    key = jax.random.key(seed)
    ks = jax.random.split(key, 12)
    # champion vector: [championID(1), itemIDs(3), traitIDs(7), stats(12)]
    champ_ids = jnp.zeros((B, NUM_CHAMPS, 1), jnp.float32)  # only 1 champion embedding row
    item_ids = jax.random.randint(ks[0], (B, NUM_CHAMPS, 3), 0, 3).astype(jnp.float32)
    trait_ids = jax.random.randint(ks[1], (B, NUM_CHAMPS, 7), 0, 7).astype(jnp.float32)
    stats = jax.random.normal(ks[2], (B, NUM_CHAMPS, STATS), jnp.float32)
    champions = jnp.concatenate([champ_ids, item_ids, trait_ids, stats], axis=-1)
    scalars = jax.random.uniform(ks[3], (B, NUM_SCALARS), jnp.float32) * 200.0
    items = jax.random.randint(ks[4], (B, NUM_ITEMS), 0, 10)
    traits = jax.random.normal(ks[5], (B, 26), jnp.float32)
    # learned parameters
    champ_table = jax.random.normal(ks[6], (1, CE), jnp.float32) * 0.02
    item_table = jax.random.normal(ks[7], (3, IE), jnp.float32) * 0.02
    trait_table = jax.random.normal(ks[8], (7, TE), jnp.float32) * 0.02
    bench_table = jax.random.normal(ks[9], (10, VEC), jnp.float32) * 0.02
    W1 = jax.random.normal(ks[10], (26, 26), jnp.float32) * 0.1
    b1 = jnp.zeros((26,), jnp.float32)
    W2 = jax.random.normal(ks[11], (26, VEC), jnp.float32) * 0.1
    b2 = jnp.zeros((VEC,), jnp.float32)
    return {"champions": champions, "scalars": scalars, "items": items, "traits": traits,
            "champ_table": champ_table, "item_table": item_table, "trait_table": trait_table,
            "bench_table": bench_table, "W1": W1, "b1": b1, "W2": W2, "b2": b2}


def reference(champions, scalars, items, traits, champ_table, item_table, trait_table,
              bench_table, W1, b1, W2, b2):
    # ChampionEmbedding
    ids = champions[..., :11].astype(jnp.int16)
    stats_vector = champions[..., 11:]
    championID = ids[..., 0].astype(jnp.int32)
    itemIDs = ids[..., 1:4].astype(jnp.int32)
    traitIDs = ids[..., 4:11].astype(jnp.int32)
    champion_embedding = jnp.take(champ_table, championID, axis=0)
    item_embedding = jnp.take(item_table, itemIDs, axis=0)
    trait_embedding = jnp.take(trait_table, traitIDs, axis=0)
    batch_shape = item_embedding.shape[:-2]
    item_embedding = jnp.reshape(item_embedding, (*batch_shape, IE * 3))
    trait_embedding = jnp.reshape(trait_embedding, (*batch_shape, TE * 7))
    champion_embeddings = jnp.concatenate(
        [champion_embedding, item_embedding, trait_embedding, stats_vector], axis=-1)
    # ScalarEncoder.encode
    scalar_embeddings = scalar_encode(scalars)  # [B, NUM_SCALARS, VEC]
    # ItemBenchEmbedding
    item_bench_embeddings = jnp.take(bench_table, items.astype(jnp.int32), axis=0)
    # TraitEmbedding: MLP(features=[26, VEC])
    h = jax.nn.relu(traits @ W1 + b1)
    trait_embeddings = h @ W2 + b2
    trait_embeddings = jnp.expand_dims(trait_embeddings, axis=-2)
    return jnp.concatenate(
        [champion_embeddings, scalar_embeddings, item_bench_embeddings, trait_embeddings], axis=-2)

if __name__ == "__main__":
    import jax
    _d = setup_inputs()
    print(jax.jit(kernel)(*tuple(_d.values())))

</pallas_src>

<mosaic_0001>
#map = affine_map<(d0, d1) -> (0, 0)>
#map1 = affine_map<(d0, d1) -> (0, 0, 0)>
module attributes {stable_mosaic.version = 14 : i64} {
  func.func @_sc_bench(%arg0: i32, %arg1: i32, %arg2: memref<229376x256xf32, #tpu.memory_space<hbm>>, %arg3: memref<32x10x128xi32, #tpu.memory_space<hbm>>, %arg4: memref<32x10x128xi32, #tpu.memory_space<hbm>>, %arg5: memref<10x256xf32, #tpu.memory_space<hbm>>, %arg6: memref<32x16xi32, #tpu.memory_space<hbm>>, %arg7: memref<10x128xi32, #tpu.memory_space<vmem>>, %arg8: memref<10x128xi32, #tpu.memory_space<vmem>>, %arg9: memref<128x256xf32, #tpu.memory_space<vmem>>, %arg10: memref<128x256xf32, #tpu.memory_space<vmem>>, %arg11: memref<16xi32, #tpu.memory_space<vmem>>, %arg12: memref<!tpu.dma_semaphore, #tpu.memory_space<semaphore_mem>>, %arg13: memref<!tpu.dma_semaphore, #tpu.memory_space<semaphore_mem>>) attributes {dimension_semantics = [#tpu.dimension_semantics<core_parallel>, #tpu.dimension_semantics<subcore_parallel>], iteration_bounds = array<i64: 2, 16>, scalar_prefetch = 0 : i64, scratch_operands = 7 : i64, tpu.core_type = #tpu.core_type<sc_vector_subcore>, window_params = [{transform_indices = #map}, {transform_indices = #map1}, {transform_indices = #map1}, {transform_indices = #map}, {transform_indices = #map}]} {
    %mul3A = arith.constant 2 : i32
    %mul3A_0 = arith.muli %arg1, %mul3A : i32
    %add3A = arith.addi %mul3A_0, %arg0 : i32
    "tpu.region"() ({
      %run_scoped3A = tpu.sem_alloc : memref<!tpu.dma_semaphore, #tpu.memory_space<semaphore_mem>>
      %dma_start3A_282 = arith.constant 0 : i32
      %dma_start3A_283 = arith.constant 0 : i32
      %dma_start3A_284 = tpu.memref_slice %arg3[%add3A, %dma_start3A_282, %dma_start3A_283] : memref<32x10x128xi32, #tpu.memory_space<hbm>> -> memref<1x10x128xi32, #tpu.memory_space<hbm>>
      %dma_start3A_285 = tpu.memref_squeeze %dma_start3A_284 : memref<1x10x128xi32, #tpu.memory_space<hbm>> -> memref<10x128xi32, #tpu.memory_space<hbm>>
      %dma_start3A_286 = arith.constant 0 : i32
      %dma_start3A_287 = arith.constant 0 : i32
      %dma_start3A_288 = tpu.memref_slice %arg3[%add3A, %dma_start3A_286, %dma_start3A_287] : memref<32x10x128xi32, #tpu.memory_space<hbm>> -> memref<1x10x128xi32, #tpu.memory_space<hbm>>
      %dma_start3A_289 = tpu.memref_squeeze %dma_start3A_288 : memref<1x10x128xi32, #tpu.memory_space<hbm>> -> memref<10x128xi32, #tpu.memory_space<hbm>>
      tpu.enqueue_dma source(%dma_start3A_289 : memref<10x128xi32, #tpu.memory_space<hbm>>) target(%arg7 : memref<10x128xi32, #tpu.memory_space<vmem>>) target_semaphore(%run_scoped3A : memref<!tpu.dma_semaphore, #tpu.memory_space<semaphore_mem>>)
      %dma_wait3A_290 = arith.constant 0 : i32
      %dma_wait3A_291 = arith.constant 0 : i32
      %dma_wait3A_292 = tpu.memref_slice %arg3[%add3A, %dma_wait3A_290, %dma_wait3A_291] : memref<32x10x128xi32, #tpu.memory_space<hbm>> -> memref<1x10x128xi32, #tpu.memory_space<hbm>>
      %dma_wait3A_293 = tpu.memref_squeeze %dma_wait3A_292 : memref<1x10x128xi32, #tpu.memory_space<hbm>> -> memref<10x128xi32, #tpu.memory_space<hbm>>
      %dma_wait3A_294 = arith.constant 0 : i32
      %dma_wait3A_295 = arith.constant 0 : i32
      %dma_wait3A_296 = tpu.memref_slice %arg3[%add3A, %dma_wait3A_294, %dma_wait3A_295] : memref<32x10x128xi32, #tpu.memory_space<hbm>> -> memref<1x10x128xi32, #tpu.memory_space<hbm>>
      %dma_wait3A_297 = tpu.memref_squeeze %dma_wait3A_296 : memref<1x10x128xi32, #tpu.memory_space<hbm>> -> memref<10x128xi32, #tpu.memory_space<hbm>>
      tpu.wait_dma2 semaphore(%run_scoped3A : memref<!tpu.dma_semaphore, #tpu.memory_space<semaphore_mem>>) src(%dma_wait3A_297 : memref<10x128xi32, #tpu.memory_space<hbm>>) dst(%arg7 : memref<10x128xi32, #tpu.memory_space<vmem>>)
      tpu.yield
    }) : () -> ()
    "tpu.region"() ({
      %run_scoped3A = tpu.sem_alloc : memref<!tpu.dma_semaphore, #tpu.memory_space<semaphore_mem>>
      %dma_start3A_282 = arith.constant 0 : i32
      %dma_start3A_283 = arith.constant 0 : i32
      %dma_start3A_284 = tpu.memref_slice %arg4[%add3A, %dma_start3A_282, %dma_start3A_283] : memref<32x10x128xi32, #tpu.memory_space<hbm>> -> memref<1x10x128xi32, #tpu.memory_space<hbm>>
      %dma_start3A_285 = tpu.memref_squeeze %dma_start3A_284 : memref<1x10x128xi32, #tpu.memory_space<hbm>> -> memref<10x128xi32, #tpu.memory_space<hbm>>
      %dma_start3A_286 = arith.constant 0 : i32
      %dma_start3A_287 = arith.constant 0 : i32
      %dma_start3A_288 = tpu.memref_slice %arg4[%add3A, %dma_start3A_286, %dma_start3A_287] : memref<32x10x128xi32, #tpu.memory_space<hbm>> -> memref<1x10x128xi32, #tpu.memory_space<hbm>>
      %dma_start3A_289 = tpu.memref_squeeze %dma_start3A_288 : memref<1x10x128xi32, #tpu.memory_space<hbm>> -> memref<10x128xi32, #tpu.memory_space<hbm>>
      tpu.enqueue_dma source(%dma_start3A_289 : memref<10x128xi32, #tpu.memory_space<hbm>>) target(%arg8 : memref<10x128xi32, #tpu.memory_space<vmem>>) target_semaphore(%run_scoped3A : memref<!tpu.dma_semaphore, #tpu.memory_space<semaphore_mem>>)
      %dma_wait3A_290 = arith.constant 0 : i32
      %dma_wait3A_291 = arith.constant 0 : i32
      %dma_wait3A_292 = tpu.memref_slice %arg4[%add3A, %dma_wait3A_290, %dma_wait3A_291] : memref<32x10x128xi32, #tpu.memory_space<hbm>> -> memref<1x10x128xi32, #tpu.memory_space<hbm>>
      %dma_wait3A_293 = tpu.memref_squeeze %dma_wait3A_292 : memref<1x10x128xi32, #tpu.memory_space<hbm>> -> memref<10x128xi32, #tpu.memory_space<hbm>>
      %dma_wait3A_294 = arith.constant 0 : i32
      %dma_wait3A_295 = arith.constant 0 : i32
      %dma_wait3A_296 = tpu.memref_slice %arg4[%add3A, %dma_wait3A_294, %dma_wait3A_295] : memref<32x10x128xi32, #tpu.memory_space<hbm>> -> memref<1x10x128xi32, #tpu.memory_space<hbm>>
      %dma_wait3A_297 = tpu.memref_squeeze %dma_wait3A_296 : memref<1x10x128xi32, #tpu.memory_space<hbm>> -> memref<10x128xi32, #tpu.memory_space<hbm>>
      tpu.wait_dma2 semaphore(%run_scoped3A : memref<!tpu.dma_semaphore, #tpu.memory_space<semaphore_mem>>) src(%dma_wait3A_297 : memref<10x128xi32, #tpu.memory_space<hbm>>) dst(%arg8 : memref<10x128xi32, #tpu.memory_space<vmem>>)
      tpu.yield
    }) : () -> ()
    %dma_start3A = arith.constant 0 : i32
    %dma_start3A_1 = arith.constant 0 : i32
    %dma_start3A_2 = tpu.memref_slice %arg7[%dma_start3A, %dma_start3A_1] : memref<10x128xi32, #tpu.memory_space<vmem>> -> memref<1x128xi32, #tpu.memory_space<vmem>>
    %dma_start3A_3 = tpu.memref_squeeze %dma_start3A_2 : memref<1x128xi32, #tpu.memory_space<vmem>> -> memref<128xi32, #tpu.memory_space<vmem>>
    %dma_start3A_4 = arith.constant 0 : i32
    %dma_start3A_5 = arith.constant 0 : i32
    %dma_start3A_6 = tpu.memref_slice %arg5[%dma_start3A_4, %dma_start3A_5] : memref<10x256xf32, #tpu.memory_space<hbm>> -> memref<10x256xf32, #tpu.memory_space<hbm>>
    tpu.enqueue_indirect_dma source(%dma_start3A_6 : memref<10x256xf32, #tpu.memory_space<hbm>>) target(%arg9 : memref<128x256xf32, #tpu.memory_space<vmem>>) offsets(%dma_start3A_3 : memref<128xi32, #tpu.memory_space<vmem>>) semaphore(%arg12 : memref<!tpu.dma_semaphore, #tpu.memory_space<semaphore_mem>>)
    %dma_wait3A = arith.constant 0 : i32
    %dma_wait3A_7 = arith.constant 0 : i32
    %dma_wait3A_8 = tpu.memref_slice %arg7[%dma_wait3A, %dma_wait3A_7] : memref<10x128xi32, #tpu.memory_space<vmem>> -> memref<1x128xi32, #tpu.memory_space<vmem>>
    %dma_wait3A_9 = tpu.memref_squeeze %dma_wait3A_8 : memref<1x128xi32, #tpu.memory_space<vmem>> -> memref<128xi32, #tpu.memory_space<vmem>>
    %dma_wait3A_10 = arith.constant 0 : i32
    %dma_wait3A_11 = arith.constant 0 : i32
    %dma_wait3A_12 = tpu.memref_slice %arg5[%dma_wait3A_10, %dma_wait3A_11] : memref<10x256xf32, #tpu.memory_space<hbm>> -> memref<10x256xf32, #tpu.memory_space<hbm>>
    tpu.wait_indirect_dma semaphore(%arg12 : memref<!tpu.dma_semaphore, #tpu.memory_space<semaphore_mem>>) src(%dma_wait3A_12 : memref<10x256xf32, #tpu.memory_space<hbm>>) dst(%arg9 : memref<128x256xf32, #tpu.memory_space<vmem>>)
    %dma_start3A_13 = arith.constant 0 : i32
    %dma_start3A_14 = arith.constant 0 : i32
    %dma_start3A_15 = tpu.memref_slice %arg8[%dma_start3A_13, %dma_start3A_14] : memref<10x128xi32, #tpu.memory_space<vmem>> -> memref<1x128xi32, #tpu.memory_space<vmem>>
    %dma_start3A_16 = tpu.memref_squeeze %dma_start3A_15 : memref<1x128xi32, #tpu.memory_space<vmem>> -> memref<128xi32, #tpu.memory_space<vmem>>
    %dma_start3A_17 = arith.constant 0 : i32
    %dma_start3A_18 = arith.constant 0 : i32
    %dma_start3A_19 = tpu.memref_slice %arg2[%dma_start3A_17, %dma_start3A_18] : memref<229376x256xf32, #tpu.memory_space<hbm>> -> memref<229376x256xf32, #tpu.memory_space<hbm>>
    tpu.enqueue_indirect_dma source(%arg9 : memref<128x256xf32, #tpu.memory_space<vmem>>) target(%dma_start3A_19 : memref<229376x256xf32, #tpu.memory_space<hbm>>) offsets(%dma_start3A_16 : memref<128xi32, #tpu.memory_space<vmem>>) semaphore(%arg13 : memref<!tpu.dma_semaphore, #tpu.memory_space<semaphore_mem>>)
    %dma_start3A_20 = arith.constant 1 : i32
    %dma_start3A_21 = arith.constant 0 : i32
    %dma_start3A_22 = tpu.memref_slice %arg7[%dma_start3A_20, %dma_start3A_21] : memref<10x128xi32, #tpu.memory_space<vmem>> -> memref<1x128xi32, #tpu.memory_space<vmem>>
    %dma_start3A_23 = tpu.memref_squeeze %dma_start3A_22 : memref<1x128xi32, #tpu.memory_space<vmem>> -> memref<128xi32, #tpu.memory_space<vmem>>
    %dma_start3A_24 = arith.constant 0 : i32
    %dma_start3A_25 = arith.constant 0 : i32
    %dma_start3A_26 = tpu.memref_slice %arg5[%dma_start3A_24, %dma_start3A_25] : memref<10x256xf32, #tpu.memory_space<hbm>> -> memref<10x256xf32, #tpu.memory_space<hbm>>
    tpu.enqueue_indirect_dma source(%dma_start3A_26 : memref<10x256xf32, #tpu.memory_space<hbm>>) target(%arg10 : memref<128x256xf32, #tpu.memory_space<vmem>>) offsets(%dma_start3A_23 : memref<128xi32, #tpu.memory_space<vmem>>) semaphore(%arg12 : memref<!tpu.dma_semaphore, #tpu.memory_space<semaphore_mem>>)
    %dma_wait3A_27 = arith.constant 1 : i32
    %dma_wait3A_28 = arith.constant 0 : i32
    %dma_wait3A_29 = tpu.memref_slice %arg7[%dma_wait3A_27, %dma_wait3A_28] : memref<10x128xi32, #tpu.memory_space<vmem>> -> memref<1x128xi32, #tpu.memory_space<vmem>>
    %dma_wait3A_30 = tpu.memref_squeeze %dma_wait3A_29 : memref<1x128xi32, #tpu.memory_space<vmem>> -> memref<128xi32, #tpu.memory_space<vmem>>
    %dma_wait3A_31 = arith.constant 0 : i32
    %dma_wait3A_32 = arith.constant 0 : i32
    %dma_wait3A_33 = tpu.memref_slice %arg5[%dma_wait3A_31, %dma_wait3A_32] : memref<10x256xf32, #tpu.memory_space<hbm>> -> memref<10x256xf32, #tpu.memory_space<hbm>>
    tpu.wait_indirect_dma semaphore(%arg12 : memref<!tpu.dma_semaphore, #tpu.memory_space<semaphore_mem>>) src(%dma_wait3A_33 : memref<10x256xf32, #tpu.memory_space<hbm>>) dst(%arg10 : memref<128x256xf32, #tpu.memory_space<vmem>>)
    %dma_start3A_34 = arith.constant 1 : i32
    %dma_start3A_35 = arith.constant 0 : i32
    %dma_start3A_36 = tpu.memref_slice %arg8[%dma_start3A_34, %dma_start3A_35] : memref<10x128xi32, #tpu.memory_space<vmem>> -> memref<1x128xi32, #tpu.memory_space<vmem>>
    %dma_start3A_37 = tpu.memref_squeeze %dma_start3A_36 : memref<1x128xi32, #tpu.memory_space<vmem>> -> memref<128xi32, #tpu.memory_space<vmem>>
    %dma_start3A_38 = arith.constant 0 : i32
    %dma_start3A_39 = arith.constant 0 : i32
    %dma_start3A_40 = tpu.memref_slice %arg2[%dma_start3A_38, %dma_start3A_39] : memref<229376x256xf32, #tpu.memory_space<hbm>> -> memref<229376x256xf32, #tpu.memory_space<hbm>>
    tpu.enqueue_indirect_dma source(%arg10 : memref<128x256xf32, #tpu.memory_space<vmem>>) target(%dma_start3A_40 : memref<229376x256xf32, #tpu.memory_space<hbm>>) offsets(%dma_start3A_37 : memref<128xi32, #tpu.memory_space<vmem>>) semaphore(%arg13 : memref<!tpu.dma_semaphore, #tpu.memory_space<semaphore_mem>>)
    %dma_wait3A_41 = arith.constant 0 : i32
    %dma_wait3A_42 = arith.constant 0 : i32
    %dma_wait3A_43 = tpu.memref_slice %arg8[%dma_wait3A_41, %dma_wait3A_42] : memref<10x128xi32, #tpu.memory_space<vmem>> -> memref<1x128xi32, #tpu.memory_space<vmem>>
    %dma_wait3A_44 = tpu.memref_squeeze %dma_wait3A_43 : memref<1x128xi32, #tpu.memory_space<vmem>> -> memref<128xi32, #tpu.memory_space<vmem>>
    %dma_wait3A_45 = arith.constant 0 : i32
    %dma_wait3A_46 = arith.constant 0 : i32
    %dma_wait3A_47 = tpu.memref_slice %arg2[%dma_wait3A_45, %dma_wait3A_46] : memref<229376x256xf32, #tpu.memory_space<hbm>> -> memref<229376x256xf32, #tpu.memory_space<hbm>>
    tpu.wait_indirect_dma semaphore(%arg13 : memref<!tpu.dma_semaphore, #tpu.memory_space<semaphore_mem>>) src(%arg9 : memref<128x256xf32, #tpu.memory_space<vmem>>) dst(%dma_wait3A_47 : memref<229376x256xf32, #tpu.memory_space<hbm>>)
    %dma_start3A_48 = arith.constant 2 : i32
    %dma_start3A_49 = arith.constant 0 : i32
    %dma_start3A_50 = tpu.memref_slice %arg7[%dma_start3A_48, %dma_start3A_49] : memref<10x128xi32, #tpu.memory_space<vmem>> -> memref<1x128xi32, #tpu.memory_space<vmem>>
    %dma_start3A_51 = tpu.memref_squeeze %dma_start3A_50 : memref<1x128xi32, #tpu.memory_space<vmem>> -> memref<128xi32, #tpu.memory_space<vmem>>
    %dma_start3A_52 = arith.constant 0 : i32
    %dma_start3A_53 = arith.constant 0 : i32
    %dma_start3A_54 = tpu.memref_slice %arg5[%dma_start3A_52, %dma_start3A_53] : memref<10x256xf32, #tpu.memory_space<hbm>> -> memref<10x256xf32, #tpu.memory_space<hbm>>
    tpu.enqueue_indirect_dma source(%dma_start3A_54 : memref<10x256xf32, #tpu.memory_space<hbm>>) target(%arg9 : memref<128x256xf32, #tpu.memory_space<vmem>>) offsets(%dma_start3A_51 : memref<128xi32, #tpu.memory_space<vmem>>) semaphore(%arg12 : memref<!tpu.dma_semaphore, #tpu.memory_space<semaphore_mem>>)
    %dma_wait3A_55 = arith.constant 2 : i32
    %dma_wait3A_56 = arith.constant 0 : i32
    %dma_wait3A_57 = tpu.memref_slice %arg7[%dma_wait3A_55, %dma_wait3A_56] : memref<10x128xi32, #tpu.memory_space<vmem>> -> memref<1x128xi32, #tpu.memory_space<vmem>>
    %dma_wait3A_58 = tpu.memref_squeeze %dma_wait3A_57 : memref<1x128xi32, #tpu.memory_space<vmem>> -> memref<128xi32, #tpu.memory_space<vmem>>
    %dma_wait3A_59 = arith.constant 0 : i32
    %dma_wait3A_60 = arith.constant 0 : i32
    %dma_wait3A_61 = tpu.memref_slice %arg5[%dma_wait3A_59, %dma_wait3A_60] : memref<10x256xf32, #tpu.memory_space<hbm>> -> memref<10x256xf32, #tpu.memory_space<hbm>>
    tpu.wait_indirect_dma semaphore(%arg12 : memref<!tpu.dma_semaphore, #tpu.memory_space<semaphore_mem>>) src(%dma_wait3A_61 : memref<10x256xf32, #tpu.memory_space<hbm>>) dst(%arg9 : memref<128x256xf32, #tpu.memory_space<vmem>>)
    %dma_start3A_62 = arith.constant 2 : i32
    %dma_start3A_63 = arith.constant 0 : i32
    %dma_start3A_64 = tpu.memref_slice %arg8[%dma_start3A_62, %dma_start3A_63] : memref<10x128xi32, #tpu.memory_space<vmem>> -> memref<1x128xi32, #tpu.memory_space<vmem>>
    %dma_start3A_65 = tpu.memref_squeeze %dma_start3A_64 : memref<1x128xi32, #tpu.memory_space<vmem>> -> memref<128xi32, #tpu.memory_space<vmem>>
    %dma_start3A_66 = arith.constant 0 : i32
    %dma_start3A_67 = arith.constant 0 : i32
    %dma_start3A_68 = tpu.memref_slice %arg2[%dma_start3A_66, %dma_start3A_67] : memref<229376x256xf32, #tpu.memory_space<hbm>> -> memref<229376x256xf32, #tpu.memory_space<hbm>>
    tpu.enqueue_indirect_dma source(%arg9 : memref<128x256xf32, #tpu.memory_space<vmem>>) target(%dma_start3A_68 : memref<229376x256xf32, #tpu.memory_space<hbm>>) offsets(%dma_start3A_65 : memref<128xi32, #tpu.memory_space<vmem>>) semaphore(%arg13 : memref<!tpu.dma_semaphore, #tpu.memory_space<semaphore_mem>>)
    %dma_wait3A_69 = arith.constant 1 : i32
    %dma_wait3A_70 = arith.constant 0 : i32
    %dma_wait3A_71 = tpu.memref_slice %arg8[%dma_wait3A_69, %dma_wait3A_70] : memref<10x128xi32, #tpu.memory_space<vmem>> -> memref<1x128xi32, #tpu.memory_space<vmem>>
    %dma_wait3A_72 = tpu.memref_squeeze %dma_wait3A_71 : memref<1x128xi32, #tpu.memory_space<vmem>> -> memref<128xi32, #tpu.memory_space<vmem>>
    %dma_wait3A_73 = arith.constant 0 : i32
    %dma_wait3A_74 = arith.constant 0 : i32
    %dma_wait3A_75 = tpu.memref_slice %arg2[%dma_wait3A_73, %dma_wait3A_74] : memref<229376x256xf32, #tpu.memory_space<hbm>> -> memref<229376x256xf32, #tpu.memory_space<hbm>>
    tpu.wait_indirect_dma semaphore(%arg13 : memref<!tpu.dma_semaphore, #tpu.memory_space<semaphore_mem>>) src(%arg10 : memref<128x256xf32, #tpu.memory_space<vmem>>) dst(%dma_wait3A_75 : memref<229376x256xf32, #tpu.memory_space<hbm>>)
    %dma_start3A_76 = arith.constant 3 : i32
    %dma_start3A_77 = arith.constant 0 : i32
    %dma_start3A_78 = tpu.memref_slice %arg7[%dma_start3A_76, %dma_start3A_77] : memref<10x128xi32, #tpu.memory_space<vmem>> -> memref<1x128xi32, #tpu.memory_space<vmem>>
    %dma_start3A_79 = tpu.memref_squeeze %dma_start3A_78 : memref<1x128xi32, #tpu.memory_space<vmem>> -> memref<128xi32, #tpu.memory_space<vmem>>
    %dma_start3A_80 = arith.constant 0 : i32
    %dma_start3A_81 = arith.constant 0 : i32
    %dma_start3A_82 = tpu.memref_slice %arg5[%dma_start3A_80, %dma_start3A_81] : memref<10x256xf32, #tpu.memory_space<hbm>> -> memref<10x256xf32, #tpu.memory_space<hbm>>
    tpu.enqueue_indirect_dma source(%dma_start3A_82 : memref<10x256xf32, #tpu.memory_space<hbm>>) target(%arg10 : memref<128x256xf32, #tpu.memory_space<vmem>>) offsets(%dma_start3A_79 : memref<128xi32, #tpu.memory_space<vmem>>) semaphore(%arg12 : memref<!tpu.dma_semaphore, #tpu.memory_space<semaphore_mem>>)
    %dma_wait3A_83 = arith.constant 3 : i32
    %dma_wait3A_84 = arith.constant 0 : i32
    %dma_wait3A_85 = tpu.memref_slice %arg7[%dma_wait3A_83, %dma_wait3A_84] : memref<10x128xi32, #tpu.memory_space<vmem>> -> memref<1x128xi32, #tpu.memory_space<vmem>>
    %dma_wait3A_86 = tpu.memref_squeeze %dma_wait3A_85 : memref<1x128xi32, #tpu.memory_space<vmem>> -> memref<128xi32, #tpu.memory_space<vmem>>
    %dma_wait3A_87 = arith.constant 0 : i32
    %dma_wait3A_88 = arith.constant 0 : i32
    %dma_wait3A_89 = tpu.memref_slice %arg5[%dma_wait3A_87, %dma_wait3A_88] : memref<10x256xf32, #tpu.memory_space<hbm>> -> memref<10x256xf32, #tpu.memory_space<hbm>>
    tpu.wait_indirect_dma semaphore(%arg12 : memref<!tpu.dma_semaphore, #tpu.memory_space<semaphore_mem>>) src(%dma_wait3A_89 : memref<10x256xf32, #tpu.memory_space<hbm>>) dst(%arg10 : memref<128x256xf32, #tpu.memory_space<vmem>>)
    %dma_start3A_90 = arith.constant 3 : i32
    %dma_start3A_91 = arith.constant 0 : i32
    %dma_start3A_92 = tpu.memref_slice %arg8[%dma_start3A_90, %dma_start3A_91] : memref<10x128xi32, #tpu.memory_space<vmem>> -> memref<1x128xi32, #tpu.memory_space<vmem>>
    %dma_start3A_93 = tpu.memref_squeeze %dma_start3A_92 : memref<1x128xi32, #tpu.memory_space<vmem>> -> memref<128xi32, #tpu.memory_space<vmem>>
    %dma_start3A_94 = arith.constant 0 : i32
    %dma_start3A_95 = arith.constant 0 : i32
    %dma_start3A_96 = tpu.memref_slice %arg2[%dma_start3A_94, %dma_start3A_95] : memref<229376x256xf32, #tpu.memory_space<hbm>> -> memref<229376x256xf32, #tpu.memory_space<hbm>>
    tpu.enqueue_indirect_dma source(%arg10 : memref<128x256xf32, #tpu.memory_space<vmem>>) target(%dma_start3A_96 : memref<229376x256xf32, #tpu.memory_space<hbm>>) offsets(%dma_start3A_93 : memref<128xi32, #tpu.memory_space<vmem>>) semaphore(%arg13 : memref<!tpu.dma_semaphore, #tpu.memory_space<semaphore_mem>>)
    %dma_wait3A_97 = arith.constant 2 : i32
    %dma_wait3A_98 = arith.constant 0 : i32
    %dma_wait3A_99 = tpu.memref_slice %arg8[%dma_wait3A_97, %dma_wait3A_98] : memref<10x128xi32, #tpu.memory_space<vmem>> -> memref<1x128xi32, #tpu.memory_space<vmem>>
    %dma_wait3A_100 = tpu.memref_squeeze %dma_wait3A_99 : memref<1x128xi32, #tpu.memory_space<vmem>> -> memref<128xi32, #tpu.memory_space<vmem>>
    %dma_wait3A_101 = arith.constant 0 : i32
    %dma_wait3A_102 = arith.constant 0 : i32
    %dma_wait3A_103 = tpu.memref_slice %arg2[%dma_wait3A_101, %dma_wait3A_102] : memref<229376x256xf32, #tpu.memory_space<hbm>> -> memref<229376x256xf32, #tpu.memory_space<hbm>>
    tpu.wait_indirect_dma semaphore(%arg13 : memref<!tpu.dma_semaphore, #tpu.memory_space<semaphore_mem>>) src(%arg9 : memref<128x256xf32, #tpu.memory_space<vmem>>) dst(%dma_wait3A_103 : memref<229376x256xf32, #tpu.memory_space<hbm>>)
    %dma_start3A_104 = arith.constant 4 : i32
    %dma_start3A_105 = arith.constant 0 : i32
    %dma_start3A_106 = tpu.memref_slice %arg7[%dma_start3A_104, %dma_start3A_105] : memref<10x128xi32, #tpu.memory_space<vmem>> -> memref<1x128xi32, #tpu.memory_space<vmem>>
    %dma_start3A_107 = tpu.memref_squeeze %dma_start3A_106 : memref<1x128xi32, #tpu.memory_space<vmem>> -> memref<128xi32, #tpu.memory_space<vmem>>
    %dma_start3A_108 = arith.constant 0 : i32
    %dma_start3A_109 = arith.constant 0 : i32
    %dma_start3A_110 = tpu.memref_slice %arg5[%dma_start3A_108, %dma_start3A_109] : memref<10x256xf32, #tpu.memory_space<hbm>> -> memref<10x256xf32, #tpu.memory_space<hbm>>
    tpu.enqueue_indirect_dma source(%dma_start3A_110 : memref<10x256xf32, #tpu.memory_space<hbm>>) target(%arg9 : memref<128x256xf32, #tpu.memory_space<vmem>>) offsets(%dma_start3A_107 : memref<128xi32, #tpu.memory_space<vmem>>) semaphore(%arg12 : memref<!tpu.dma_semaphore, #tpu.memory_space<semaphore_mem>>)
    %dma_wait3A_111 = arith.constant 4 : i32
    %dma_wait3A_112 = arith.constant 0 : i32
    %dma_wait3A_113 = tpu.memref_slice %arg7[%dma_wait3A_111, %dma_wait3A_112] : memref<10x128xi32, #tpu.memory_space<vmem>> -> memref<1x128xi32, #tpu.memory_space<vmem>>
    %dma_wait3A_114 = tpu.memref_squeeze %dma_wait3A_113 : memref<1x128xi32, #tpu.memory_space<vmem>> -> memref<128xi32, #tpu.memory_space<vmem>>
    %dma_wait3A_115 = arith.constant 0 : i32
    %dma_wait3A_116 = arith.constant 0 : i32
    %dma_wait3A_117 = tpu.memref_slice %arg5[%dma_wait3A_115, %dma_wait3A_116] : memref<10x256xf32, #tpu.memory_space<hbm>> -> memref<10x256xf32, #tpu.memory_space<hbm>>
    tpu.wait_indirect_dma semaphore(%arg12 : memref<!tpu.dma_semaphore, #tpu.memory_space<semaphore_mem>>) src(%dma_wait3A_117 : memref<10x256xf32, #tpu.memory_space<hbm>>) dst(%arg9 : memref<128x256xf32, #tpu.memory_space<vmem>>)
    %dma_start3A_118 = arith.constant 4 : i32
    %dma_start3A_119 = arith.constant 0 : i32
    %dma_start3A_120 = tpu.memref_slice %arg8[%dma_start3A_118, %dma_start3A_119] : memref<10x128xi32, #tpu.memory_space<vmem>> -> memref<1x128xi32, #tpu.memory_space<vmem>>
    %dma_start3A_121 = tpu.memref_squeeze %dma_start3A_120 : memref<1x128xi32, #tpu.memory_space<vmem>> -> memref<128xi32, #tpu.memory_space<vmem>>
    %dma_start3A_122 = arith.constant 0 : i32
    %dma_start3A_123 = arith.constant 0 : i32
    %dma_start3A_124 = tpu.memref_slice %arg2[%dma_start3A_122, %dma_start3A_123] : memref<229376x256xf32, #tpu.memory_space<hbm>> -> memref<229376x256xf32, #tpu.memory_space<hbm>>
    tpu.enqueue_indirect_dma source(%arg9 : memref<128x256xf32, #tpu.memory_space<vmem>>) target(%dma_start3A_124 : memref<229376x256xf32, #tpu.memory_space<hbm>>) offsets(%dma_start3A_121 : memref<128xi32, #tpu.memory_space<vmem>>) semaphore(%arg13 : memref<!tpu.dma_semaphore, #tpu.memory_space<semaphore_mem>>)
    %dma_wait3A_125 = arith.constant 3 : i32
    %dma_wait3A_126 = arith.constant 0 : i32
    %dma_wait3A_127 = tpu.memref_slice %arg8[%dma_wait3A_125, %dma_wait3A_126] : memref<10x128xi32, #tpu.memory_space<vmem>> -> memref<1x128xi32, #tpu.memory_space<vmem>>
    %dma_wait3A_128 = tpu.memref_squeeze %dma_wait3A_127 : memref<1x128xi32, #tpu.memory_space<vmem>> -> memref<128xi32, #tpu.memory_space<vmem>>
    %dma_wait3A_129 = arith.constant 0 : i32
    %dma_wait3A_130 = arith.constant 0 : i32
    %dma_wait3A_131 = tpu.memref_slice %arg2[%dma_wait3A_129, %dma_wait3A_130] : memref<229376x256xf32, #tpu.memory_space<hbm>> -> memref<229376x256xf32, #tpu.memory_space<hbm>>
    tpu.wait_indirect_dma semaphore(%arg13 : memref<!tpu.dma_semaphore, #tpu.memory_space<semaphore_mem>>) src(%arg10 : memref<128x256xf32, #tpu.memory_space<vmem>>) dst(%dma_wait3A_131 : memref<229376x256xf32, #tpu.memory_space<hbm>>)
    %dma_start3A_132 = arith.constant 5 : i32
    %dma_start3A_133 = arith.constant 0 : i32
    %dma_start3A_134 = tpu.memref_slice %arg7[%dma_start3A_132, %dma_start3A_133] : memref<10x128xi32, #tpu.memory_space<vmem>> -> memref<1x128xi32, #tpu.memory_space<vmem>>
    %dma_start3A_135 = tpu.memref_squeeze %dma_start3A_134 : memref<1x128xi32, #tpu.memory_space<vmem>> -> memref<128xi32, #tpu.memory_space<vmem>>
    %dma_start3A_136 = arith.constant 0 : i32
    %dma_start3A_137 = arith.constant 0 : i32
    %dma_start3A_138 = tpu.memref_slice %arg5[%dma_start3A_136, %dma_start3A_137] : memref<10x256xf32, #tpu.memory_space<hbm>> -> memref<10x256xf32, #tpu.memory_space<hbm>>
    tpu.enqueue_indirect_dma source(%dma_start3A_138 : memref<10x256xf32, #tpu.memory_space<hbm>>) target(%arg10 : memref<128x256xf32, #tpu.memory_space<vmem>>) offsets(%dma_start3A_135 : memref<128xi32, #tpu.memory_space<vmem>>) semaphore(%arg12 : memref<!tpu.dma_semaphore, #tpu.memory_space<semaphore_mem>>)
    %dma_wait3A_139 = arith.constant 5 : i32
    %dma_wait3A_140 = arith.constant 0 : i32
    %dma_wait3A_141 = tpu.memref_slice %arg7[%dma_wait3A_139, %dma_wait3A_140] : memref<10x128xi32, #tpu.memory_space<vmem>> -> memref<1x128xi32, #tpu.memory_space<vmem>>
    %dma_wait3A_142 = tpu.memref_squeeze %dma_wait3A_141 : memref<1x128xi32, #tpu.memory_space<vmem>> -> memref<128xi32, #tpu.memory_space<vmem>>
    %dma_wait3A_143 = arith.constant 0 : i32
    %dma_wait3A_144 = arith.constant 0 : i32
    %dma_wait3A_145 = tpu.memref_slice %arg5[%dma_wait3A_143, %dma_wait3A_144] : memref<10x256xf32, #tpu.memory_space<hbm>> -> memref<10x256xf32, #tpu.memory_space<hbm>>
    tpu.wait_indirect_dma semaphore(%arg12 : memref<!tpu.dma_semaphore, #tpu.memory_space<semaphore_mem>>) src(%dma_wait3A_145 : memref<10x256xf32, #tpu.memory_space<hbm>>) dst(%arg10 : memref<128x256xf32, #tpu.memory_space<vmem>>)
    %dma_start3A_146 = arith.constant 5 : i32
    %dma_start3A_147 = arith.constant 0 : i32
    %dma_start3A_148 = tpu.memref_slice %arg8[%dma_start3A_146, %dma_start3A_147] : memref<10x128xi32, #tpu.memory_space<vmem>> -> memref<1x128xi32, #tpu.memory_space<vmem>>
    %dma_start3A_149 = tpu.memref_squeeze %dma_start3A_148 : memref<1x128xi32, #tpu.memory_space<vmem>> -> memref<128xi32, #tpu.memory_space<vmem>>
    %dma_start3A_150 = arith.constant 0 : i32
    %dma_start3A_151 = arith.constant 0 : i32
    %dma_start3A_152 = tpu.memref_slice %arg2[%dma_start3A_150, %dma_start3A_151] : memref<229376x256xf32, #tpu.memory_space<hbm>> -> memref<229376x256xf32, #tpu.memory_space<hbm>>
    tpu.enqueue_indirect_dma source(%arg10 : memref<128x256xf32, #tpu.memory_space<vmem>>) target(%dma_start3A_152 : memref<229376x256xf32, #tpu.memory_space<hbm>>) offsets(%dma_start3A_149 : memref<128xi32, #tpu.memory_space<vmem>>) semaphore(%arg13 : memref<!tpu.dma_semaphore, #tpu.memory_space<semaphore_mem>>)
    %dma_wait3A_153 = arith.constant 4 : i32
    %dma_wait3A_154 = arith.constant 0 : i32
    %dma_wait3A_155 = tpu.memref_slice %arg8[%dma_wait3A_153, %dma_wait3A_154] : memref<10x128xi32, #tpu.memory_space<vmem>> -> memref<1x128xi32, #tpu.memory_space<vmem>>
    %dma_wait3A_156 = tpu.memref_squeeze %dma_wait3A_155 : memref<1x128xi32, #tpu.memory_space<vmem>> -> memref<128xi32, #tpu.memory_space<vmem>>
    %dma_wait3A_157 = arith.constant 0 : i32
    %dma_wait3A_158 = arith.constant 0 : i32
    %dma_wait3A_159 = tpu.memref_slice %arg2[%dma_wait3A_157, %dma_wait3A_158] : memref<229376x256xf32, #tpu.memory_space<hbm>> -> memref<229376x256xf32, #tpu.memory_space<hbm>>
    tpu.wait_indirect_dma semaphore(%arg13 : memref<!tpu.dma_semaphore, #tpu.memory_space<semaphore_mem>>) src(%arg9 : memref<128x256xf32, #tpu.memory_space<vmem>>) dst(%dma_wait3A_159 : memref<229376x256xf32, #tpu.memory_space<hbm>>)
    %dma_start3A_160 = arith.constant 6 : i32
    %dma_start3A_161 = arith.constant 0 : i32
    %dma_start3A_162 = tpu.memref_slice %arg7[%dma_start3A_160, %dma_start3A_161] : memref<10x128xi32, #tpu.memory_space<vmem>> -> memref<1x128xi32, #tpu.memory_space<vmem>>
    %dma_start3A_163 = tpu.memref_squeeze %dma_start3A_162 : memref<1x128xi32, #tpu.memory_space<vmem>> -> memref<128xi32, #tpu.memory_space<vmem>>
    %dma_start3A_164 = arith.constant 0 : i32
    %dma_start3A_165 = arith.constant 0 : i32
    %dma_start3A_166 = tpu.memref_slice %arg5[%dma_start3A_164, %dma_start3A_165] : memref<10x256xf32, #tpu.memory_space<hbm>> -> memref<10x256xf32, #tpu.memory_space<hbm>>
    tpu.enqueue_indirect_dma source(%dma_start3A_166 : memref<10x256xf32, #tpu.memory_space<hbm>>) target(%arg9 : memref<128x256xf32, #tpu.memory_space<vmem>>) offsets(%dma_start3A_163 : memref<128xi32, #tpu.memory_space<vmem>>) semaphore(%arg12 : memref<!tpu.dma_semaphore, #tpu.memory_space<semaphore_mem>>)
    %dma_wait3A_167 = arith.constant 6 : i32
    %dma_wait3A_168 = arith.constant 0 : i32
    %dma_wait3A_169 = tpu.memref_slice %arg7[%dma_wait3A_167, %dma_wait3A_168] : memref<10x128xi32, #tpu.memory_space<vmem>> -> memref<1x128xi32, #tpu.memory_space<vmem>>
    %dma_wait3A_170 = tpu.memref_squeeze %dma_wait3A_169 : memref<1x128xi32, #tpu.memory_space<vmem>> -> memref<128xi32, #tpu.memory_space<vmem>>
    %dma_wait3A_171 = arith.constant 0 : i32
    %dma_wait3A_172 = arith.constant 0 : i32
    %dma_wait3A_173 = tpu.memref_slice %arg5[%dma_wait3A_171, %dma_wait3A_172] : memref<10x256xf32, #tpu.memory_space<hbm>> -> memref<10x256xf32, #tpu.memory_space<hbm>>
    tpu.wait_indirect_dma semaphore(%arg12 : memref<!tpu.dma_semaphore, #tpu.memory_space<semaphore_mem>>) src(%dma_wait3A_173 : memref<10x256xf32, #tpu.memory_space<hbm>>) dst(%arg9 : memref<128x256xf32, #tpu.memory_space<vmem>>)
    %dma_start3A_174 = arith.constant 6 : i32
    %dma_start3A_175 = arith.constant 0 : i32
    %dma_start3A_176 = tpu.memref_slice %arg8[%dma_start3A_174, %dma_start3A_175] : memref<10x128xi32, #tpu.memory_space<vmem>> -> memref<1x128xi32, #tpu.memory_space<vmem>>
    %dma_start3A_177 = tpu.memref_squeeze %dma_start3A_176 : memref<1x128xi32, #tpu.memory_space<vmem>> -> memref<128xi32, #tpu.memory_space<vmem>>
    %dma_start3A_178 = arith.constant 0 : i32
    %dma_start3A_179 = arith.constant 0 : i32
    %dma_start3A_180 = tpu.memref_slice %arg2[%dma_start3A_178, %dma_start3A_179] : memref<229376x256xf32, #tpu.memory_space<hbm>> -> memref<229376x256xf32, #tpu.memory_space<hbm>>
    tpu.enqueue_indirect_dma source(%arg9 : memref<128x256xf32, #tpu.memory_space<vmem>>) target(%dma_start3A_180 : memref<229376x256xf32, #tpu.memory_space<hbm>>) offsets(%dma_start3A_177 : memref<128xi32, #tpu.memory_space<vmem>>) semaphore(%arg13 : memref<!tpu.dma_semaphore, #tpu.memory_space<semaphore_mem>>)
    %dma_wait3A_181 = arith.constant 5 : i32
    %dma_wait3A_182 = arith.constant 0 : i32
    %dma_wait3A_183 = tpu.memref_slice %arg8[%dma_wait3A_181, %dma_wait3A_182] : memref<10x128xi32, #tpu.memory_space<vmem>> -> memref<1x128xi32, #tpu.memory_space<vmem>>
    %dma_wait3A_184 = tpu.memref_squeeze %dma_wait3A_183 : memref<1x128xi32, #tpu.memory_space<vmem>> -> memref<128xi32, #tpu.memory_space<vmem>>
    %dma_wait3A_185 = arith.constant 0 : i32
    %dma_wait3A_186 = arith.constant 0 : i32
    %dma_wait3A_187 = tpu.memref_slice %arg2[%dma_wait3A_185, %dma_wait3A_186] : memref<229376x256xf32, #tpu.memory_space<hbm>> -> memref<229376x256xf32, #tpu.memory_space<hbm>>
    tpu.wait_indirect_dma semaphore(%arg13 : memref<!tpu.dma_semaphore, #tpu.memory_space<semaphore_mem>>) src(%arg10 : memref<128x256xf32, #tpu.memory_space<vmem>>) dst(%dma_wait3A_187 : memref<229376x256xf32, #tpu.memory_space<hbm>>)
    %dma_start3A_188 = arith.constant 7 : i32
    %dma_start3A_189 = arith.constant 0 : i32
    %dma_start3A_190 = tpu.memref_slice %arg7[%dma_start3A_188, %dma_start3A_189] : memref<10x128xi32, #tpu.memory_space<vmem>> -> memref<1x128xi32, #tpu.memory_space<vmem>>
    %dma_start3A_191 = tpu.memref_squeeze %dma_start3A_190 : memref<1x128xi32, #tpu.memory_space<vmem>> -> memref<128xi32, #tpu.memory_space<vmem>>
    %dma_start3A_192 = arith.constant 0 : i32
    %dma_start3A_193 = arith.constant 0 : i32
    %dma_start3A_194 = tpu.memref_slice %arg5[%dma_start3A_192, %dma_start3A_193] : memref<10x256xf32, #tpu.memory_space<hbm>> -> memref<10x256xf32, #tpu.memory_space<hbm>>
    tpu.enqueue_indirect_dma source(%dma_start3A_194 : memref<10x256xf32, #tpu.memory_space<hbm>>) target(%arg10 : memref<128x256xf32, #tpu.memory_space<vmem>>) offsets(%dma_start3A_191 : memref<128xi32, #tpu.memory_space<vmem>>) semaphore(%arg12 : memref<!tpu.dma_semaphore, #tpu.memory_space<semaphore_mem>>)
    %dma_wait3A_195 = arith.constant 7 : i32
    %dma_wait3A_196 = arith.constant 0 : i32
    %dma_wait3A_197 = tpu.memref_slice %arg7[%dma_wait3A_195, %dma_wait3A_196] : memref<10x128xi32, #tpu.memory_space<vmem>> -> memref<1x128xi32, #tpu.memory_space<vmem>>
    %dma_wait3A_198 = tpu.memref_squeeze %dma_wait3A_197 : memref<1x128xi32, #tpu.memory_space<vmem>> -> memref<128xi32, #tpu.memory_space<vmem>>
    %dma_wait3A_199 = arith.constant 0 : i32
    %dma_wait3A_200 = arith.constant 0 : i32
    %dma_wait3A_201 = tpu.memref_slice %arg5[%dma_wait3A_199, %dma_wait3A_200] : memref<10x256xf32, #tpu.memory_space<hbm>> -> memref<10x256xf32, #tpu.memory_space<hbm>>
    tpu.wait_indirect_dma semaphore(%arg12 : memref<!tpu.dma_semaphore, #tpu.memory_space<semaphore_mem>>) src(%dma_wait3A_201 : memref<10x256xf32, #tpu.memory_space<hbm>>) dst(%arg10 : memref<128x256xf32, #tpu.memory_space<vmem>>)
    %dma_start3A_202 = arith.constant 7 : i32
    %dma_start3A_203 = arith.constant 0 : i32
    %dma_start3A_204 = tpu.memref_slice %arg8[%dma_start3A_202, %dma_start3A_203] : memref<10x128xi32, #tpu.memory_space<vmem>> -> memref<1x128xi32, #tpu.memory_space<vmem>>
    %dma_start3A_205 = tpu.memref_squeeze %dma_start3A_204 : memref<1x128xi32, #tpu.memory_space<vmem>> -> memref<128xi32, #tpu.memory_space<vmem>>
    %dma_start3A_206 = arith.constant 0 : i32
    %dma_start3A_207 = arith.constant 0 : i32
    %dma_start3A_208 = tpu.memref_slice %arg2[%dma_start3A_206, %dma_start3A_207] : memref<229376x256xf32, #tpu.memory_space<hbm>> -> memref<229376x256xf32, #tpu.memory_space<hbm>>
    tpu.enqueue_indirect_dma source(%arg10 : memref<128x256xf32, #tpu.memory_space<vmem>>) target(%dma_start3A_208 : memref<229376x256xf32, #tpu.memory_space<hbm>>) offsets(%dma_start3A_205 : memref<128xi32, #tpu.memory_space<vmem>>) semaphore(%arg13 : memref<!tpu.dma_semaphore, #tpu.memory_space<semaphore_mem>>)
    %dma_wait3A_209 = arith.constant 6 : i32
    %dma_wait3A_210 = arith.constant 0 : i32
    %dma_wait3A_211 = tpu.memref_slice %arg8[%dma_wait3A_209, %dma_wait3A_210] : memref<10x128xi32, #tpu.memory_space<vmem>> -> memref<1x128xi32, #tpu.memory_space<vmem>>
    %dma_wait3A_212 = tpu.memref_squeeze %dma_wait3A_211 : memref<1x128xi32, #tpu.memory_space<vmem>> -> memref<128xi32, #tpu.memory_space<vmem>>
    %dma_wait3A_213 = arith.constant 0 : i32
    %dma_wait3A_214 = arith.constant 0 : i32
    %dma_wait3A_215 = tpu.memref_slice %arg2[%dma_wait3A_213, %dma_wait3A_214] : memref<229376x256xf32, #tpu.memory_space<hbm>> -> memref<229376x256xf32, #tpu.memory_space<hbm>>
    tpu.wait_indirect_dma semaphore(%arg13 : memref<!tpu.dma_semaphore, #tpu.memory_space<semaphore_mem>>) src(%arg9 : memref<128x256xf32, #tpu.memory_space<vmem>>) dst(%dma_wait3A_215 : memref<229376x256xf32, #tpu.memory_space<hbm>>)
    %dma_start3A_216 = arith.constant 8 : i32
    %dma_start3A_217 = arith.constant 0 : i32
    %dma_start3A_218 = tpu.memref_slice %arg7[%dma_start3A_216, %dma_start3A_217] : memref<10x128xi32, #tpu.memory_space<vmem>> -> memref<1x128xi32, #tpu.memory_space<vmem>>
    %dma_start3A_219 = tpu.memref_squeeze %dma_start3A_218 : memref<1x128xi32, #tpu.memory_space<vmem>> -> memref<128xi32, #tpu.memory_space<vmem>>
    %dma_start3A_220 = arith.constant 0 : i32
    %dma_start3A_221 = arith.constant 0 : i32
    %dma_start3A_222 = tpu.memref_slice %arg5[%dma_start3A_220, %dma_start3A_221] : memref<10x256xf32, #tpu.memory_space<hbm>> -> memref<10x256xf32, #tpu.memory_space<hbm>>
    tpu.enqueue_indirect_dma source(%dma_start3A_222 : memref<10x256xf32, #tpu.memory_space<hbm>>) target(%arg9 : memref<128x256xf32, #tpu.memory_space<vmem>>) offsets(%dma_start3A_219 : memref<128xi32, #tpu.memory_space<vmem>>) semaphore(%arg12 : memref<!tpu.dma_semaphore, #tpu.memory_space<semaphore_mem>>)
    %dma_wait3A_223 = arith.constant 8 : i32
    %dma_wait3A_224 = arith.constant 0 : i32
    %dma_wait3A_225 = tpu.memref_slice %arg7[%dma_wait3A_223, %dma_wait3A_224] : memref<10x128xi32, #tpu.memory_space<vmem>> -> memref<1x128xi32, #tpu.memory_space<vmem>>
    %dma_wait3A_226 = tpu.memref_squeeze %dma_wait3A_225 : memref<1x128xi32, #tpu.memory_space<vmem>> -> memref<128xi32, #tpu.memory_space<vmem>>
    %dma_wait3A_227 = arith.constant 0 : i32
    %dma_wait3A_228 = arith.constant 0 : i32
    %dma_wait3A_229 = tpu.memref_slice %arg5[%dma_wait3A_227, %dma_wait3A_228] : memref<10x256xf32, #tpu.memory_space<hbm>> -> memref<10x256xf32, #tpu.memory_space<hbm>>
    tpu.wait_indirect_dma semaphore(%arg12 : memref<!tpu.dma_semaphore, #tpu.memory_space<semaphore_mem>>) src(%dma_wait3A_229 : memref<10x256xf32, #tpu.memory_space<hbm>>) dst(%arg9 : memref<128x256xf32, #tpu.memory_space<vmem>>)
    %dma_start3A_230 = arith.constant 8 : i32
    %dma_start3A_231 = arith.constant 0 : i32
    %dma_start3A_232 = tpu.memref_slice %arg8[%dma_start3A_230, %dma_start3A_231] : memref<10x128xi32, #tpu.memory_space<vmem>> -> memref<1x128xi32, #tpu.memory_space<vmem>>
    %dma_start3A_233 = tpu.memref_squeeze %dma_start3A_232 : memref<1x128xi32, #tpu.memory_space<vmem>> -> memref<128xi32, #tpu.memory_space<vmem>>
    %dma_start3A_234 = arith.constant 0 : i32
    %dma_start3A_235 = arith.constant 0 : i32
    %dma_start3A_236 = tpu.memref_slice %arg2[%dma_start3A_234, %dma_start3A_235] : memref<229376x256xf32, #tpu.memory_space<hbm>> -> memref<229376x256xf32, #tpu.memory_space<hbm>>
    tpu.enqueue_indirect_dma source(%arg9 : memref<128x256xf32, #tpu.memory_space<vmem>>) target(%dma_start3A_236 : memref<229376x256xf32, #tpu.memory_space<hbm>>) offsets(%dma_start3A_233 : memref<128xi32, #tpu.memory_space<vmem>>) semaphore(%arg13 : memref<!tpu.dma_semaphore, #tpu.memory_space<semaphore_mem>>)
    %dma_wait3A_237 = arith.constant 7 : i32
    %dma_wait3A_238 = arith.constant 0 : i32
    %dma_wait3A_239 = tpu.memref_slice %arg8[%dma_wait3A_237, %dma_wait3A_238] : memref<10x128xi32, #tpu.memory_space<vmem>> -> memref<1x128xi32, #tpu.memory_space<vmem>>
    %dma_wait3A_240 = tpu.memref_squeeze %dma_wait3A_239 : memref<1x128xi32, #tpu.memory_space<vmem>> -> memref<128xi32, #tpu.memory_space<vmem>>
    %dma_wait3A_241 = arith.constant 0 : i32
    %dma_wait3A_242 = arith.constant 0 : i32
    %dma_wait3A_243 = tpu.memref_slice %arg2[%dma_wait3A_241, %dma_wait3A_242] : memref<229376x256xf32, #tpu.memory_space<hbm>> -> memref<229376x256xf32, #tpu.memory_space<hbm>>
    tpu.wait_indirect_dma semaphore(%arg13 : memref<!tpu.dma_semaphore, #tpu.memory_space<semaphore_mem>>) src(%arg10 : memref<128x256xf32, #tpu.memory_space<vmem>>) dst(%dma_wait3A_243 : memref<229376x256xf32, #tpu.memory_space<hbm>>)
    %dma_start3A_244 = arith.constant 9 : i32
    %dma_start3A_245 = arith.constant 0 : i32
    %dma_start3A_246 = tpu.memref_slice %arg7[%dma_start3A_244, %dma_start3A_245] : memref<10x128xi32, #tpu.memory_space<vmem>> -> memref<1x128xi32, #tpu.memory_space<vmem>>
    %dma_start3A_247 = tpu.memref_squeeze %dma_start3A_246 : memref<1x128xi32, #tpu.memory_space<vmem>> -> memref<128xi32, #tpu.memory_space<vmem>>
    %dma_start3A_248 = arith.constant 0 : i32
    %dma_start3A_249 = arith.constant 0 : i32
    %dma_start3A_250 = tpu.memref_slice %arg5[%dma_start3A_248, %dma_start3A_249] : memref<10x256xf32, #tpu.memory_space<hbm>> -> memref<10x256xf32, #tpu.memory_space<hbm>>
    tpu.enqueue_indirect_dma source(%dma_start3A_250 : memref<10x256xf32, #tpu.memory_space<hbm>>) target(%arg10 : memref<128x256xf32, #tpu.memory_space<vmem>>) offsets(%dma_start3A_247 : memref<128xi32, #tpu.memory_space<vmem>>) semaphore(%arg12 : memref<!tpu.dma_semaphore, #tpu.memory_space<semaphore_mem>>)
    %dma_wait3A_251 = arith.constant 9 : i32
    %dma_wait3A_252 = arith.constant 0 : i32
    %dma_wait3A_253 = tpu.memref_slice %arg7[%dma_wait3A_251, %dma_wait3A_252] : memref<10x128xi32, #tpu.memory_space<vmem>> -> memref<1x128xi32, #tpu.memory_space<vmem>>
    %dma_wait3A_254 = tpu.memref_squeeze %dma_wait3A_253 : memref<1x128xi32, #tpu.memory_space<vmem>> -> memref<128xi32, #tpu.memory_space<vmem>>
    %dma_wait3A_255 = arith.constant 0 : i32
    %dma_wait3A_256 = arith.constant 0 : i32
    %dma_wait3A_257 = tpu.memref_slice %arg5[%dma_wait3A_255, %dma_wait3A_256] : memref<10x256xf32, #tpu.memory_space<hbm>> -> memref<10x256xf32, #tpu.memory_space<hbm>>
    tpu.wait_indirect_dma semaphore(%arg12 : memref<!tpu.dma_semaphore, #tpu.memory_space<semaphore_mem>>) src(%dma_wait3A_257 : memref<10x256xf32, #tpu.memory_space<hbm>>) dst(%arg10 : memref<128x256xf32, #tpu.memory_space<vmem>>)
    %dma_start3A_258 = arith.constant 9 : i32
    %dma_start3A_259 = arith.constant 0 : i32
    %dma_start3A_260 = tpu.memref_slice %arg8[%dma_start3A_258, %dma_start3A_259] : memref<10x128xi32, #tpu.memory_space<vmem>> -> memref<1x128xi32, #tpu.memory_space<vmem>>
    %dma_start3A_261 = tpu.memref_squeeze %dma_start3A_260 : memref<1x128xi32, #tpu.memory_space<vmem>> -> memref<128xi32, #tpu.memory_space<vmem>>
    %dma_start3A_262 = arith.constant 0 : i32
    %dma_start3A_263 = arith.constant 0 : i32
    %dma_start3A_264 = tpu.memref_slice %arg2[%dma_start3A_262, %dma_start3A_263] : memref<229376x256xf32, #tpu.memory_space<hbm>> -> memref<229376x256xf32, #tpu.memory_space<hbm>>
    tpu.enqueue_indirect_dma source(%arg10 : memref<128x256xf32, #tpu.memory_space<vmem>>) target(%dma_start3A_264 : memref<229376x256xf32, #tpu.memory_space<hbm>>) offsets(%dma_start3A_261 : memref<128xi32, #tpu.memory_space<vmem>>) semaphore(%arg13 : memref<!tpu.dma_semaphore, #tpu.memory_space<semaphore_mem>>)
    %dma_wait3A_265 = arith.constant 8 : i32
    %dma_wait3A_266 = arith.constant 0 : i32
    %dma_wait3A_267 = tpu.memref_slice %arg8[%dma_wait3A_265, %dma_wait3A_266] : memref<10x128xi32, #tpu.memory_space<vmem>> -> memref<1x128xi32, #tpu.memory_space<vmem>>
    %dma_wait3A_268 = tpu.memref_squeeze %dma_wait3A_267 : memref<1x128xi32, #tpu.memory_space<vmem>> -> memref<128xi32, #tpu.memory_space<vmem>>
    %dma_wait3A_269 = arith.constant 0 : i32
    %dma_wait3A_270 = arith.constant 0 : i32
    %dma_wait3A_271 = tpu.memref_slice %arg2[%dma_wait3A_269, %dma_wait3A_270] : memref<229376x256xf32, #tpu.memory_space<hbm>> -> memref<229376x256xf32, #tpu.memory_space<hbm>>
    tpu.wait_indirect_dma semaphore(%arg13 : memref<!tpu.dma_semaphore, #tpu.memory_space<semaphore_mem>>) src(%arg9 : memref<128x256xf32, #tpu.memory_space<vmem>>) dst(%dma_wait3A_271 : memref<229376x256xf32, #tpu.memory_space<hbm>>)
    %dma_wait3A_272 = arith.constant 9 : i32
    %dma_wait3A_273 = arith.constant 0 : i32
    %dma_wait3A_274 = tpu.memref_slice %arg8[%dma_wait3A_272, %dma_wait3A_273] : memref<10x128xi32, #tpu.memory_space<vmem>> -> memref<1x128xi32, #tpu.memory_space<vmem>>
    %dma_wait3A_275 = tpu.memref_squeeze %dma_wait3A_274 : memref<1x128xi32, #tpu.memory_space<vmem>> -> memref<128xi32, #tpu.memory_space<vmem>>
    %dma_wait3A_276 = arith.constant 0 : i32
    %dma_wait3A_277 = arith.constant 0 : i32
    %dma_wait3A_278 = tpu.memref_slice %arg2[%dma_wait3A_276, %dma_wait3A_277] : memref<229376x256xf32, #tpu.memory_space<hbm>> -> memref<229376x256xf32, #tpu.memory_space<hbm>>
    tpu.wait_indirect_dma semaphore(%arg13 : memref<!tpu.dma_semaphore, #tpu.memory_space<semaphore_mem>>) src(%arg10 : memref<128x256xf32, #tpu.memory_space<vmem>>) dst(%dma_wait3A_278 : memref<229376x256xf32, #tpu.memory_space<hbm>>)
    %broadcast_in_dim3A = vector.broadcast %add3A : i32 to vector<16xi32>
    %swap3A = arith.constant 0 : index
    %swap3A_279 = tpu.vector_load %arg11[%swap3A] {strides = array<i32>} : memref<16xi32, #tpu.memory_space<vmem>>, vector<16xi32>,
    %swap3A_280 = vector.shape_cast %swap3A_279 : vector<16xi32> to vector<16xi32>
    %swap3A_281 = vector.shape_cast %broadcast_in_dim3A : vector<16xi32> to vector<16xi32>
    tpu.vector_store %arg11[%swap3A], %swap3A_281 {strides = array<i32>} : memref<16xi32, #tpu.memory_space<vmem>>, vector<16xi32>,
    "tpu.region"() ({
      %run_scoped3A = tpu.sem_alloc : memref<!tpu.dma_semaphore, #tpu.memory_space<semaphore_mem>>
      %dma_start3A_282 = arith.constant 0 : i32
      %dma_start3A_283 = tpu.memref_slice %arg6[%add3A, %dma_start3A_282] : memref<32x16xi32, #tpu.memory_space<hbm>> -> memref<1x16xi32, #tpu.memory_space<hbm>>
      %dma_start3A_284 = tpu.memref_squeeze %dma_start3A_283 : memref<1x16xi32, #tpu.memory_space<hbm>> -> memref<16xi32, #tpu.memory_space<hbm>>
      %dma_start3A_285 = arith.constant 0 : i32
      %dma_start3A_286 = tpu.memref_slice %arg6[%add3A, %dma_start3A_285] : memref<32x16xi32, #tpu.memory_space<hbm>> -> memref<1x16xi32, #tpu.memory_space<hbm>>
      %dma_start3A_287 = tpu.memref_squeeze %dma_start3A_286 : memref<1x16xi32, #tpu.memory_space<hbm>> -> memref<16xi32, #tpu.memory_space<hbm>>
      tpu.enqueue_dma source(%arg11 : memref<16xi32, #tpu.memory_space<vmem>>) target(%dma_start3A_287 : memref<16xi32, #tpu.memory_space<hbm>>) target_semaphore(%run_scoped3A : memref<!tpu.dma_semaphore, #tpu.memory_space<semaphore_mem>>)
      %dma_wait3A_288 = arith.constant 0 : i32
      %dma_wait3A_289 = tpu.memref_slice %arg6[%add3A, %dma_wait3A_288] : memref<32x16xi32, #tpu.memory_space<hbm>> -> memref<1x16xi32, #tpu.memory_space<hbm>>
      %dma_wait3A_290 = tpu.memref_squeeze %dma_wait3A_289 : memref<1x16xi32, #tpu.memory_space<hbm>> -> memref<16xi32, #tpu.memory_space<hbm>>
      %dma_wait3A_291 = arith.constant 0 : i32
      %dma_wait3A_292 = tpu.memref_slice %arg6[%add3A, %dma_wait3A_291] : memref<32x16xi32, #tpu.memory_space<hbm>> -> memref<1x16xi32, #tpu.memory_space<hbm>>
      %dma_wait3A_293 = tpu.memref_squeeze %dma_wait3A_292 : memref<1x16xi32, #tpu.memory_space<hbm>> -> memref<16xi32, #tpu.memory_space<hbm>>
      tpu.wait_dma2 semaphore(%run_scoped3A : memref<!tpu.dma_semaphore, #tpu.memory_space<semaphore_mem>>) src(%arg11 : memref<16xi32, #tpu.memory_space<vmem>>) dst(%dma_wait3A_293 : memref<16xi32, #tpu.memory_space<hbm>>)
      tpu.yield
    }) : () -> ()
    return
  }
}

module attributes {stable_mosaic.version = 14 : i64} {
  func.func @_body(%arg0: i32, %arg1: memref<2560x23xf32, #tpu.memory_space<vmem>>, %arg2: memref<64x3xf32, #tpu.memory_space<vmem>>, %arg3: memref<64x26xf32, #tpu.memory_space<vmem>>, %arg4: memref<23x71xf32, #tpu.memory_space<vmem>>, %arg5: memref<3x71xf32, #tpu.memory_space<vmem>>, %arg6: memref<71x142xf32, #tpu.memory_space<vmem>>, %arg7: memref<26x26xf32, #tpu.memory_space<vmem>>, %arg8: memref<1x26xf32, #tpu.memory_space<vmem>>, %arg9: memref<26x142xf32, #tpu.memory_space<vmem>>, %arg10: memref<1x142xf32, #tpu.memory_space<vmem>>, %arg11: memref<64x56x256xf32, #tpu.memory_space<vmem>>) attributes {dimension_semantics = [#tpu.dimension_semantics<arbitrary>], iteration_bounds = array<i64: 64>, scalar_prefetch = 0 : i64, scratch_operands = 0 : i64, tpu.core_type = #tpu.core_type<tc>, window_params = [{transform_indices = @transform_0, window_bounds = array<i64: 2560, 23>}, {transform_indices = @transform_1, window_bounds = array<i64: 64, 3>}, {transform_indices = @transform_2, window_bounds = array<i64: 64, 26>}, {pipeline_mode = #tpu.pipeline_mode<synchronous>, transform_indices = @transform_3, window_bounds = array<i64: 23, 71>}, {pipeline_mode = #tpu.pipeline_mode<synchronous>, transform_indices = @transform_4, window_bounds = array<i64: 3, 71>}, {pipeline_mode = #tpu.pipeline_mode<synchronous>, transform_indices = @transform_5, window_bounds = array<i64: 71, 142>}, {pipeline_mode = #tpu.pipeline_mode<synchronous>, transform_indices = @transform_6, window_bounds = array<i64: 26, 26>}, {pipeline_mode = #tpu.pipeline_mode<synchronous>, transform_indices = @transform_7, window_bounds = array<i64: 1, 26>}, {pipeline_mode = #tpu.pipeline_mode<synchronous>, transform_indices = @transform_8, window_bounds = array<i64: 26, 142>}, {pipeline_mode = #tpu.pipeline_mode<synchronous>, transform_indices = @transform_9, window_bounds = array<i64: 1, 142>}, {transform_indices = @transform_10, window_bounds = array<i64: 64, 56, 256>}]} {
    %get3A = arith.constant 0 : index
    %get3A_0 = arith.constant 0 : index
    %get3A_1 = vector.load %arg1[%get3A, %get3A_0] : memref<2560x23xf32, #tpu.memory_space<vmem>>, vector<2560x23xf32>
    %get3A_2 = arith.constant 0 : index
    %get3A_3 = arith.constant 0 : index
    %get3A_4 = vector.load %arg4[%get3A_2, %get3A_3] : memref<23x71xf32, #tpu.memory_space<vmem>>, vector<23x71xf32>
    %dot_general3A = arith.constant dense<0.000000e+00> : vector<2560x71xf32>
    %dot_general3A_5 = tpu.matmul %get3A_1, %get3A_4, %dot_general3A {dimension_numbers = #tpu.dot_dimension_numbers<[1], [0], [0], [1], [0, 0, 1, 1], [], []>, transpose_lhs_hint = false} : vector<2560x23xf32>, vector<23x71xf32>, vector<2560x71xf32> -> vector<2560x71xf32>
    %get3A_6 = arith.constant 1 : index
    %get3A_7 = arith.constant 0 : index
    %get3A_8 = vector.load %arg5[%get3A_6, %get3A_7] : memref<3x71xf32, #tpu.memory_space<vmem>>, vector<1x71xf32>
    %get3A_9 = vector.shape_cast %get3A_8 : vector<1x71xf32> to vector<71xf32>
    %broadcast_in_dim3A = vector.shape_cast %get3A_9 : vector<71xf32> to vector<1x71xf32>
    %ne3A = arith.constant 0.000000e+00 : f32
    %ne3A_10 = vector.broadcast %ne3A : f32 to vector<1x71xf32>
    %ne3A_11 = arith.cmpf one, %broadcast_in_dim3A, %ne3A_10 : vector<1x71xf32>
    %get3A_12 = arith.constant 0 : index
    %get3A_13 = arith.constant 0 : index
    %get3A_14 = vector.load %arg5[%get3A_12, %get3A_13] : memref<3x71xf32, #tpu.memory_space<vmem>>, vector<1x71xf32>
    %get3A_15 = vector.shape_cast %get3A_14 : vector<1x71xf32> to vector<71xf32>
    %broadcast_in_dim3A_16 = vector.shape_cast %get3A_15 : vector<71xf32> to vector<1x71xf32>
    %eq3A = vector.broadcast %broadcast_in_dim3A_16 : vector<1x71xf32> to vector<2560x71xf32>
    %eq3A_17 = arith.cmpf oeq, %dot_general3A_5, %eq3A : vector<2560x71xf32>
    %convert_element_type3A = arith.extui %eq3A_17 : vector<2560x71xi1> to vector<2560x71xi32>
    %convert_element_type3A_18 = arith.sitofp %convert_element_type3A : vector<2560x71xi32> to vector<2560x71xf32>
    %broadcast_in_dim3A_19 = vector.shape_cast %ne3A_11 : vector<1x71xi1> to vector<1x71xi1>
    %broadcast_in_dim3A_20 = vector.broadcast %broadcast_in_dim3A_19 : vector<1x71xi1> to vector<2560x71xi1>
    %select_n3A = arith.select %broadcast_in_dim3A_20, %convert_element_type3A_18, %dot_general3A_5 : vector<2560x71xi1>, vector<2560x71xf32>
    %get3A_21 = arith.constant 2 : index
    %get3A_22 = arith.constant 0 : index
    %get3A_23 = vector.load %arg5[%get3A_21, %get3A_22] : memref<3x71xf32, #tpu.memory_space<vmem>>, vector<1x71xf32>
    %get3A_24 = vector.shape_cast %get3A_23 : vector<1x71xf32> to vector<71xf32>
    %broadcast_in_dim3A_25 = vector.shape_cast %get3A_24 : vector<71xf32> to vector<1x71xf32>
    %add3A = vector.broadcast %broadcast_in_dim3A_25 : vector<1x71xf32> to vector<2560x71xf32>
    %add3A_26 = arith.addf %select_n3A, %add3A : vector<2560x71xf32>
    %get3A_27 = arith.constant 0 : index
    %get3A_28 = arith.constant 0 : index
    %get3A_29 = vector.load %arg6[%get3A_27, %get3A_28] : memref<71x142xf32, #tpu.memory_space<vmem>>, vector<71x142xf32>
    %dot_general3A_30 = arith.constant dense<0.000000e+00> : vector<2560x142xf32>
    %dot_general3A_31 = tpu.matmul %add3A_26, %get3A_29, %dot_general3A_30 {dimension_numbers = #tpu.dot_dimension_numbers<[1], [0], [0], [1], [0, 0, 1, 1], [], []>, transpose_lhs_hint = false} : vector<2560x71xf32>, vector<71x142xf32>, vector<2560x142xf32> -> vector<2560x142xf32>
    %reshape3A = vector.shape_cast %dot_general3A_31 : vector<2560x142xf32> to vector<64x40x142xf32>
    %slice3A = vector.extract_strided_slice %reshape3A {offsets = [0, 0, 0], sizes = [64, 37, 142], strides = [1, 1, 1]} : vector<64x40x142xf32> to vector<64x37x142xf32>
    %swap3A = arith.constant 0 : index
    %swap3A_32 = arith.constant 0 : index
    %swap3A_33 = arith.constant 0 : index
    %swap3A_34 = vector.load %arg11[%swap3A, %swap3A_32, %swap3A_33] : memref<64x56x256xf32, #tpu.memory_space<vmem>>, vector<64x37x142xf32>
    tpu.vector_store %arg11[%swap3A, %swap3A_32, %swap3A_33], %slice3A {strides = array<i32>} : memref<64x56x256xf32, #tpu.memory_space<vmem>>, vector<64x37x142xf32>,
    %get3A_35 = arith.constant 0 : index
    %get3A_36 = arith.constant 0 : index
    %get3A_37 = vector.load %arg2[%get3A_35, %get3A_36] : memref<64x3xf32, #tpu.memory_space<vmem>>, vector<64x3xf32>
    %jit3A = arith.constant 0.000000e+00 : f32
    %jit3A_38 = arith.constant 2.000000e+02 : f32
    %max3A = vector.broadcast %jit3A : f32 to vector<64x3xf32>
    %max3A_39 = arith.maximumf %max3A, %get3A_37 : vector<64x3xf32>
    %min3A = vector.broadcast %jit3A_38 : f32 to vector<64x3xf32>
    %min3A_40 = arith.minimumf %min3A, %max3A_39 : vector<64x3xf32>
    %mul3A = arith.constant 0.704999983 : f32
    %mul3A_41 = vector.broadcast %mul3A : f32 to vector<64x3xf32>
    %mul3A_42 = arith.mulf %min3A_40, %mul3A_41 : vector<64x3xf32>
    %floor3A = math.floor %mul3A_42 : vector<64x3xf32>
    %sub3A = arith.subf %mul3A_42, %floor3A : vector<64x3xf32>
    %broadcast_in_dim3A_43 = vector.shape_cast %sub3A : vector<64x3xf32> to vector<64x3x1xf32>
    %broadcast_in_dim3A_44 = vector.shape_cast %floor3A : vector<64x3xf32> to vector<64x3x1xf32>
    %add3A_45 = arith.constant 1.000000e+00 : f32
    %add3A_46 = vector.broadcast %add3A_45 : f32 to vector<64x3x1xf32>
    %add3A_47 = arith.addf %broadcast_in_dim3A_44, %add3A_46 : vector<64x3x1xf32>
    %min3A_48 = arith.constant 1.410000e+02 : f32
    %min3A_49 = vector.broadcast %min3A_48 : f32 to vector<64x3x1xf32>
    %min3A_50 = arith.minimumf %add3A_47, %min3A_49 : vector<64x3x1xf32>
    %iota3A = tpu.iota {dimensions = array<i32: 2>} : vector<64x3x142xi32>
    %convert_element_type3A_51 = arith.sitofp %iota3A : vector<64x3x142xi32> to vector<64x3x142xf32>
    %eq3A_52 = vector.broadcast %broadcast_in_dim3A_44 : vector<64x3x1xf32> to vector<64x3x142xf32>
    %eq3A_53 = arith.cmpf oeq, %convert_element_type3A_51, %eq3A_52 : vector<64x3x142xf32>
    %sub3A_54 = arith.constant 1.000000e+00 : f32
    %sub3A_55 = vector.broadcast %sub3A_54 : f32 to vector<64x3x1xf32>
    %sub3A_56 = arith.subf %sub3A_55, %broadcast_in_dim3A_43 : vector<64x3x1xf32>
    %jit3A_57 = arith.constant 0.000000e+00 : f32
    %broadcast_in_dim3A_58 = vector.shape_cast %sub3A_56 : vector<64x3x1xf32> to vector<64x3x1xf32>
    %broadcast_in_dim3A_59 = vector.broadcast %broadcast_in_dim3A_58 : vector<64x3x1xf32> to vector<64x3x142xf32>
    %broadcast_in_dim3A_60 = vector.broadcast %jit3A_57 : f32 to vector<64x3x142xf32>
    %select_n3A_61 = arith.select %eq3A_53, %broadcast_in_dim3A_59, %broadcast_in_dim3A_60 : vector<64x3x142xi1>, vector<64x3x142xf32>
    %eq3A_62 = vector.broadcast %min3A_50 : vector<64x3x1xf32> to vector<64x3x142xf32>
    %eq3A_63 = arith.cmpf oeq, %convert_element_type3A_51, %eq3A_62 : vector<64x3x142xf32>
    %jit3A_64 = arith.constant 0.000000e+00 : f32
    %broadcast_in_dim3A_65 = vector.shape_cast %broadcast_in_dim3A_43 : vector<64x3x1xf32> to vector<64x3x1xf32>
    %broadcast_in_dim3A_66 = vector.broadcast %broadcast_in_dim3A_65 : vector<64x3x1xf32> to vector<64x3x142xf32>
    %broadcast_in_dim3A_67 = vector.broadcast %jit3A_64 : f32 to vector<64x3x142xf32>
    %select_n3A_68 = arith.select %eq3A_63, %broadcast_in_dim3A_66, %broadcast_in_dim3A_67 : vector<64x3x142xi1>, vector<64x3x142xf32>
    %add3A_69 = arith.addf %select_n3A_61, %select_n3A_68 : vector<64x3x142xf32>
    %swap3A_70 = arith.constant 0 : index
    %swap3A_71 = arith.constant 37 : index
    %swap3A_72 = arith.constant 0 : index
    %swap3A_73 = vector.load %arg11[%swap3A_70, %swap3A_71, %swap3A_72] : memref<64x56x256xf32, #tpu.memory_space<vmem>>, vector<64x3x142xf32>
    tpu.vector_store %arg11[%swap3A_70, %swap3A_71, %swap3A_72], %add3A_69 {strides = array<i32>} : memref<64x56x256xf32, #tpu.memory_space<vmem>>, vector<64x3x142xf32>,
    %get3A_74 = arith.constant 0 : index
    %get3A_75 = arith.constant 0 : index
    %get3A_76 = vector.load %arg3[%get3A_74, %get3A_75] : memref<64x26xf32, #tpu.memory_space<vmem>>, vector<64x26xf32>
    %get3A_77 = arith.constant 0 : index
    %get3A_78 = arith.constant 0 : index
    %get3A_79 = vector.load %arg7[%get3A_77, %get3A_78] : memref<26x26xf32, #tpu.memory_space<vmem>>, vector<26x26xf32>
    %dot_general3A_80 = arith.constant dense<0.000000e+00> : vector<64x26xf32>
    %dot_general3A_81 = tpu.matmul %get3A_76, %get3A_79, %dot_general3A_80 {dimension_numbers = #tpu.dot_dimension_numbers<[1], [0], [0], [1], [0, 0, 1, 1], [], []>, transpose_lhs_hint = false} : vector<64x26xf32>, vector<26x26xf32>, vector<64x26xf32> -> vector<64x26xf32>
    %get3A_82 = arith.constant 0 : index
    %get3A_83 = arith.constant 0 : index
    %get3A_84 = vector.load %arg8[%get3A_82, %get3A_83] : memref<1x26xf32, #tpu.memory_space<vmem>>, vector<1x26xf32>
    %get3A_85 = vector.shape_cast %get3A_84 : vector<1x26xf32> to vector<26xf32>
    %broadcast_in_dim3A_86 = vector.shape_cast %get3A_85 : vector<26xf32> to vector<1x26xf32>
    %add3A_87 = vector.broadcast %broadcast_in_dim3A_86 : vector<1x26xf32> to vector<64x26xf32>
    %add3A_88 = arith.addf %dot_general3A_81, %add3A_87 : vector<64x26xf32>
    %max3A_89 = arith.constant 0.000000e+00 : f32
    %max3A_90 = vector.broadcast %max3A_89 : f32 to vector<64x26xf32>
    %max3A_91 = arith.maximumf %add3A_88, %max3A_90 : vector<64x26xf32>
    %get3A_92 = arith.constant 0 : index
    %get3A_93 = arith.constant 0 : index
    %get3A_94 = vector.load %arg9[%get3A_92, %get3A_93] : memref<26x142xf32, #tpu.memory_space<vmem>>, vector<26x142xf32>
    %dot_general3A_95 = arith.constant dense<0.000000e+00> : vector<64x142xf32>
    %dot_general3A_96 = tpu.matmul %max3A_91, %get3A_94, %dot_general3A_95 {dimension_numbers = #tpu.dot_dimension_numbers<[1], [0], [0], [1], [0, 0, 1, 1], [], []>, transpose_lhs_hint = false} : vector<64x26xf32>, vector<26x142xf32>, vector<64x142xf32> -> vector<64x142xf32>
    %get3A_97 = arith.constant 0 : index
    %get3A_98 = arith.constant 0 : index
    %get3A_99 = vector.load %arg10[%get3A_97, %get3A_98] : memref<1x142xf32, #tpu.memory_space<vmem>>, vector<1x142xf32>
    %get3A_100 = vector.shape_cast %get3A_99 : vector<1x142xf32> to vector<142xf32>
    %broadcast_in_dim3A_101 = vector.shape_cast %get3A_100 : vector<142xf32> to vector<1x142xf32>
    %add3A_102 = vector.broadcast %broadcast_in_dim3A_101 : vector<1x142xf32> to vector<64x142xf32>
    %add3A_103 = arith.addf %dot_general3A_96, %add3A_102 : vector<64x142xf32>
    %broadcast_in_dim3A_104 = vector.shape_cast %add3A_103 : vector<64x142xf32> to vector<64x1x142xf32>
    %swap3A_105 = arith.constant 0 : index
    %swap3A_106 = arith.constant 50 : index
    %swap3A_107 = arith.constant 0 : index
    %swap3A_108 = vector.load %arg11[%swap3A_105, %swap3A_106, %swap3A_107] : memref<64x56x256xf32, #tpu.memory_space<vmem>>, vector<64x1x142xf32>
    tpu.vector_store %arg11[%swap3A_105, %swap3A_106, %swap3A_107], %broadcast_in_dim3A_104 {strides = array<i32>} : memref<64x56x256xf32, #tpu.memory_space<vmem>>, vector<64x1x142xf32>,
    return
  }
  func.func @transform_0(%arg0: i32) -> (i32, i32) {
    %c0_i32 = arith.constant 0 : i32
    %c0_i32_0 = arith.constant 0 : i32
    return %arg0, %c0_i32 : i32, i32
  }
  func.func @transform_1(%arg0: i32) -> (i32, i32) {
    %c0_i32 = arith.constant 0 : i32
    %c0_i32_0 = arith.constant 0 : i32
    return %arg0, %c0_i32 : i32, i32
  }
  func.func @transform_2(%arg0: i32) -> (i32, i32) {
    %c0_i32 = arith.constant 0 : i32
    %c0_i32_0 = arith.constant 0 : i32
    return %arg0, %c0_i32 : i32, i32
  }
  func.func @transform_3(%arg0: i32) -> (i32, i32) {
    %c0_i32 = arith.constant 0 : i32
    %c0_i32_0 = arith.constant 0 : i32
    %c0_i32_1 = arith.constant 0 : i32
    return %c0_i32, %c0_i32_0 : i32, i32
  }
  func.func @transform_4(%arg0: i32) -> (i32, i32) {
    %c0_i32 = arith.constant 0 : i32
    %c0_i32_0 = arith.constant 0 : i32
    %c0_i32_1 = arith.constant 0 : i32
    return %c0_i32, %c0_i32_0 : i32, i32
  }
  func.func @transform_5(%arg0: i32) -> (i32, i32) {
    %c0_i32 = arith.constant 0 : i32
    %c0_i32_0 = arith.constant 0 : i32
    %c0_i32_1 = arith.constant 0 : i32
    return %c0_i32, %c0_i32_0 : i32, i32
  }
  func.func @transform_6(%arg0: i32) -> (i32, i32) {
    %c0_i32 = arith.constant 0 : i32
    %c0_i32_0 = arith.constant 0 : i32
    %c0_i32_1 = arith.constant 0 : i32
    return %c0_i32, %c0_i32_0 : i32, i32
  }
  func.func @transform_7(%arg0: i32) -> (i32, i32) {
    %c0_i32 = arith.constant 0 : i32
    %c0_i32_0 = arith.constant 0 : i32
    %c0_i32_1 = arith.constant 0 : i32
    return %c0_i32, %c0_i32_0 : i32, i32
  }
  func.func @transform_8(%arg0: i32) -> (i32, i32) {
    %c0_i32 = arith.constant 0 : i32
    %c0_i32_0 = arith.constant 0 : i32
    %c0_i32_1 = arith.constant 0 : i32
    return %c0_i32, %c0_i32_0 : i32, i32
  }
  func.func @transform_9(%arg0: i32) -> (i32, i32) {
    %c0_i32 = arith.constant 0 : i32
    %c0_i32_0 = arith.constant 0 : i32
    %c0_i32_1 = arith.constant 0 : i32
    return %c0_i32, %c0_i32_0 : i32, i32
  }
  func.func @transform_10(%arg0: i32) -> (i32, i32, i32) {
    %c0_i32 = arith.constant 0 : i32
    %c0_i32_0 = arith.constant 0 : i32
    %c0_i32_1 = arith.constant 0 : i32
    return %arg0, %c0_i32, %c0_i32_0 : i32, i32, i32
  }
}

</mosaic_0001>

<sc_bundles>
// kernel: kernel.4.cloned.1.call-start
scs
__scs_entry_jumppad:
0x0: {  	(pc) =	sbr.rel $0x88, $3  }
0x1: {  	(tag) =	ssettag $0x0;
	lr =	simm.s32 $0x1  }
0x2: {  	[smem:$0x3F95] =	sst lr;
	_ =	strace $0xD0000000  }
0x3: {  	_ = 	snop  }
0x4: {  	_ = 	snop  }
0x5: {  	_ = 	snop  }
0x6: {  	_ = 	snop  }
0x7: {  	_ = 	snop  }
__scs_overlays_trampoline_lowered:
0x8: {  	[smem:$0x3FA4] =	sst s0  }
0x9: {  	[smem:$0x3FA5] =	sst s1  }
0xa: {  	[smem:$0x3FA6] =	sst s2  }
0xb: {  	[smem:$0x3FA7] =	sst s3  }
0xc: {  	[smem:$0x3FA8] =	sst s4  }
0xd: {  	[smem:$0x3FA9] =	sst s5  }
0xe: {  	[smem:$0x3FAA] =	sst s6  }
0xf: {  	[smem:$0x3FAB] =	sst s7  }
0x10: {  	[smem:$0x3FAC] =	sst s8  }
0x11: {  	[smem:$0x3FAD] =	sst s9;
	s0 =	simm.s32 @!p0 $0x0  }
0x12: {  	s1 =	sld [smem:$0x3F93];
	s0 =	simm.s32 @p0 $0x1  }
0x13: {  	[smem:$0x3FAE] =	sst s0;
	s0 =	simm.s32 @!p1 $0x0  }
0x14: {  	s2 =	sld [smem:$0x3F92];
	s0 =	simm.s32 @p1 $0x1  }
0x15: {  	[smem:$0x3FAF] =	sst s0;
	s0 =	simm.s32 @!p2 $0x0  }
0x16: {  	s3 =	sld [smem:$0x3FDB];
	s0 =	simm.s32 @p2 $0x1  }
0x17: {  	s4 =	simm.s32 $0x1BF5;
	[smem:$0x3FB1] =	sst s0  }
0x18: {  	s0 =	sld [smem:$0x3F94];
	_ =	swait.ge [sflag:s4], $0x0  }
0x19: {  	s7 =	sld [smem:$0x3F95]  }
0x1a: {  	s8 =	sadd.s32 $0xFFFFE003, lr  }
0x1b: {  	s9 =	sadd.s32 $0xFFFFFEF7, lr;
	s5 =	simm.s32 $0xFFFFFFFF;
	p2 =	slt.u32 s8, $0xFFFFF086  }
0x1c: {  	p1 =	slt.u32 s9, $0xF7A;
	s5 =	simm.s32 @!p2 $0x0  }
0x1d: {  	s5 =	simm.s32 @p1 $0x1;
	p0 =	seq.s32 s7, s2  }
0x1e: {  	s7 =	smul.u32 @!p0 $0xF7A, s2;
	p2 =	seq.s32 @!p0 s5, $0x0  }
0x1f: {  	s9 =	smul.u32 $0xF7A, s1;
	s8 =	simm.s32 @!p0 $0x1BF5;
	p2 =	por !p2, p0  }
0x20: {  	[sflag:s8] =	ssyncset.s32 @!p0 $0xFFFFF086;
	s6 =	sadd.s32 @!p0 s3, s7;
	s7 =	simm.s32 @!p0 $0x108  }
0x21: {  	s3 =	sadd.s32 s3, s9;
	s6 =	sadd.s32 @!p0 $0x88, s6;
	s7 =	simm.s32 @p2 $0x1082  }
0x22: {  	[simem:s7], [sflag:s8] =	dma.local @!p0 [hbm:s6], $0xF7A  }
0x23: {  	s9 =	sor.u32 $0xD0000000, s2;
	s6 =	simm.s32 $0x108;
	_ =	swait.ge @!p0 [sflag:s8], $0x0  }
0x24: {  	s3 =	sadd.s32 $0x88, s3;
	s6 =	simm.s32 @!p1 $0x1082;
	[sflag:s4] =	ssyncset.s32 $0xFFFFF086  }
0x25: {  	[simem:s6], [sflag:s4] =	dma.local [hbm:s3], $0xF7A  }
0x26: {  	[smem:$0x3F95] =	sst s1;
	(tag) =	ssettag s2;
	_ =	strace s9  }
0x27: {  	s1 =	sld [smem:$0x3FA5]  }
0x28: {  	s2 =	sld [smem:$0x3FA6]  }
0x29: {  	s4 =	sld [smem:$0x3FA8]  }
0x2a: {  	p0 =	seq.s32 s5, $0x0;
	s5 =	sld [smem:$0x3FA9]  }
0x2b: {  	s6 =	sld [smem:$0x3FAA]  }
0x2c: {  	s7 =	sld [smem:$0x3FAB]  }
0x2d: {  	s3 =	simm.s32 $0x108;
	s8 =	sld [smem:$0x3FAC]  }
0x2e: {  	s3 =	simm.s32 @!p0 $0x1082;
	s9 =	sld [smem:$0x3FAD]  }
0x2f: {  	lr =	sadd.s32 s0, s3;
	s0 =	sld [smem:$0x3FA4]  }
0x30: {  	s3 =	sld [smem:$0x3FA7]  }
0x31: {  	[smem:$0x3FB0] =	sst s10  }
0x32: {  	s10 =	sld [smem:$0x3FAE];
	_ =	sdelay $0x3  }
0x33: {  	p0 =	seq.s32 s10, $0x1;
	s10 =	sld [smem:$0x3FB0];
	_ =	sdelay $0x3  }
0x34: {  	[smem:$0x3FB0] =	sst s10  }
0x35: {  	s10 =	sld [smem:$0x3FAF];
	_ =	sdelay $0x3  }
0x36: {  	p1 =	seq.s32 s10, $0x1;
	s10 =	sld [smem:$0x3FB0];
	_ =	sdelay $0x3  }
0x37: {  	[smem:$0x3FB0] =	sst s10  }
0x38: {  	s10 =	sld [smem:$0x3FB1]  }
0x39: {  	_ = 	snop;
	(pc) =	sbr.ind lr, $3  }
0x3a: {  	_ = 	snop  }
0x3b: {  	_ = 	snop  }
0x3c: {  	p2 =	seq.s32 s10, $0x1;
	s10 =	sld [smem:$0x3FB0]  }
0x3d: {  	_ =	shalt  }
0x3e: {  	_ =	shalt  }
0x3f: {  	_ =	shalt  }
0x40: {  	_ =	shalt  }
0x41: {  	_ =	shalt  }
0x42: {  	_ =	shalt  }
0x43: {  	_ =	shalt  }
0x44: {  	_ =	shalt  }
0x45: {  	_ =	shalt  }
0x46: {  	_ =	shalt  }
0x47: {  	_ =	shalt  }
0x48: {  	_ =	shalt  }
0x49: {  	_ =	shalt  }
0x4a: {  	_ =	shalt  }
0x4b: {  	_ =	shalt  }
0x4c: {  	_ =	shalt  }
0x4d: {  	_ =	shalt  }
0x4e: {  	_ =	shalt  }
0x4f: {  	_ =	shalt  }
0x50: {  	_ =	shalt  }
0x51: {  	_ =	shalt  }
0x52: {  	_ =	shalt  }
0x53: {  	_ =	shalt  }
0x54: {  	_ =	shalt  }
0x55: {  	_ =	shalt  }
0x56: {  	_ =	shalt  }
0x57: {  	_ =	shalt  }
0x58: {  	_ =	shalt  }
0x59: {  	_ =	shalt  }
0x5a: {  	_ =	shalt  }
0x5b: {  	_ =	shalt  }
0x5c: {  	_ =	shalt  }
0x5d: {  	_ =	shalt  }
0x5e: {  	_ =	shalt  }
0x5f: {  	_ =	shalt  }
0x60: {  	_ =	shalt  }
0x61: {  	_ =	shalt  }
0x62: {  	_ =	shalt  }
0x63: {  	_ =	shalt  }
0x64: {  	_ =	shalt  }
0x65: {  	_ =	shalt  }
0x66: {  	_ =	shalt  }
0x67: {  	_ =	shalt  }
0x68: {  	_ =	shalt  }
0x69: {  	_ =	shalt  }
0x6a: {  	_ =	shalt  }
0x6b: {  	_ =	shalt  }
0x6c: {  	_ =	shalt  }
0x6d: {  	_ =	shalt  }
0x6e: {  	_ =	shalt  }
0x6f: {  	_ =	shalt  }
0x70: {  	_ =	shalt  }
0x71: {  	_ =	shalt  }
0x72: {  	_ =	shalt  }
0x73: {  	_ =	shalt  }
0x74: {  	_ =	shalt  }
0x75: {  	_ =	shalt  }
0x76: {  	_ =	shalt  }
0x77: {  	_ =	shalt  }
0x78: {  	_ =	shalt  }
0x79: {  	_ =	shalt  }
0x7a: {  	_ =	shalt  }
0x7b: {  	_ =	shalt  }
0x7c: {  	_ =	shalt  }
0x7d: {  	_ =	shalt  }
0x7e: {  	_ =	shalt  }
0x7f: {  	_ =	shalt  }
0x80: {  	_ =	shalt  }
0x81: {  	_ =	shalt  }
0x82: {  	_ =	shalt  }
0x83: {  	_ =	shalt  }
0x84: {  	_ =	shalt  }
0x85: {  	_ =	shalt  }
0x86: {  	_ =	shalt  }
0x87: {  	_ =	shalt  }
.Lfunc_end0:
.L_simem_size_0:
called_computation.1_lowered:
.L_overlay_start_0:
0x88: {  	s2 =	sld [smem:$0x3FD9]  }
0x89: {  	s3 =	sld [smem:$0x3FFE];
	_ =	sdelay $0x1  }
0x8a: {  	s1 =	srdreg.scid  }
0x8b: {  	s0 =	sand.u32 $0x1, s1  }
0x8c: {  	s17 =	sshll.u32 s0, $0xA;
	s2 =	sadd.s32 s3, s2  }
0x8d: {  	s2 =	sadd.s32 s2, s17  }
0x8e: {  	[smem:$0x3FBC] =	sst s2  }
0x8f: {  	_ = 	snop  }
0x90: {  	s2 =	sld [smem:$0x3FD0];
	(tm) =	ssettm $0x1  }
0x91: {  	s18 =	sld [smem:$0x3FFB];
	_ =	sdelay $0x3  }
0x92: {  	_ =	strace s18  }
0x93: {  	s3 =	sld [smem:$0x3FFC];
	_ =	sdelay $0x3  }
0x94: {  	_ =	strace s3  }
0x95: {  	s3 =	sld [smem:$0x3FFD];
	_ =	sdelay $0x3  }
0x96: {  	_ =	strace s3  }
0x97: {  	_ =	strace $0x8FFFFFFF  }
0x98: {  	s19 =	sld [smem:$0x3FDB];
	_ =	sdelay $0x1  }
0x99: {  	s4 =	simm.s32 $_scs_section_size  }
0x9a: {  	s5 =	simm.s32 $_size__tile_overlayer_lowered;
	s6 =	simm.s32 $_tile_overlayer_lowered  }
0x9b: {  	s22 =	simm.s32 $0x1BFF;
	s21 =	sshll.u32 s6, $0x1;
	s3 =	sadd.s32 s4, s19  }
0x9c: {  	s7 =	simm.s32 $0x0;
	s20 =	sshll.u32 s5, $0x1;
	s5 =	sadd.s32 s21, s3  }
0x9d: {  	[timem:s7], [sflag:s22] =	dma.local [hbm:s5], s20  }
0x9e: {  	_ =	swait.ge [sflag:s22], s20  }
0x9f: {  	s4 =	ssub.s32 $0x0, s20;
	[sflag:s22] =	ssyncset.done $0x0  }
0xa0: {  	[sflag:s22] =	ssyncadd.s32 s4;
	_ =	sdelay $0x1  }
0xa1: {  	s23 =	simm.s32 $0x1B8B  }
0xa2: {  	_ =	swait.ge [sflag:s23], $0x1  }
0xa3: {  	[sflag:s23] =	ssyncset.done $0x0  }
0xa4: {  	s25 =	simm.s32 $0x1B8E;
	s24 =	sld [smem:$0x3FFE];
	[sflag:s23] =	ssyncadd.s32 $0xFFFFFFFF  }
0xa5: {  	s26 =	simm.s32 $execute0_lowered;
	[smem:$0x3FD2] =	sst s25  }
0xa6: {  	s5 =	sshll.u32 s26, $0x1;
	_ =	strace $0x80000046;
	[dreg:$0x1] =	wrdreg $0xFFFFFFFF  }
0xa7: {  	s28 =	simm.s32 $_size_execute0_lowered;
	s3 =	sadd.s32 s3, s5;
	[dreg:$0x0] =	wrdreg $0x0  }
0xa8: {  	s5 =	sshll.u32 s28, $0x1;
	[dreg:$0x2] =	wrdreg s3  }
0xa9: {  	[dreg:$0x3] =	wrdreg s5  }
0xaa: {  	[dreg:$0x4] =	wrdreg $0xC0  }
0xab: {  	_ =	task [dreg:s7], $0x5FFFF  }
0xac: {  	[dreg:$0x1] =	wrdreg $0xFFFFFFFF  }
0xad: {  	[dreg:$0x0] =	wrdreg $0x60  }
0xae: {  	[dreg:$0x2] =	wrdreg s24  }
0xaf: {  	[dreg:$0x3] =	wrdreg s2  }
0xb0: {  	[dreg:$0x4] =	wrdreg $0x9  }
0xb1: {  	_ =	task.clear_ibuf [dreg:s7], $0x5FFFF;
	_ =	strace $0x90000046  }
0xb2: {  	s29 =	simm.s32 $0x9;
	_ =	strace $0x80000048  }
0xb3: {  	_ =	swait.ge [sflag:s29], $0x1  }
0xb4: {  	[sflag:s29] =	ssyncadd.s32 $0xFFFFFFFF  }
0xb5: {  	_ =	strace $0x90000048  }
0xb6: {  	_ =	sfence  }
0xb7: {  	s30 =	sld [smem:$0x0];
	_ =	sdelay $0x2  }
0xb8: {  	s31 =	sshll.u32 s1, $0xD;
	s1 =	sshrl.u32 s1, $0x2  }
0xb9: {  	s3 =	sand.u32 $0x4000, s31;
	s1 =	sadd.s32 s1, s30  }
0xba: {  	s0 =	sor.u32 s3, s0;
	s1 =	sshll.u32 s1, $0x11  }
0xbb: {  	s0 =	sor.u32 s1, s0  }
0xbc: {  	s0 =	sadd.s32 $0x8F2B, s0  }
0xbd: {  	[sflag:s0] =	ssyncadd.remote.s32 $0x1  }
0xbe: {  	_ =	sfence.sel $0xFFFF  }
0xbf: {  	[dreg:$0x0] =	wrdreg $0xFFFFFFFF;
	(pc) =	sbr.abs _section_cstart, $3  }
0xc0: {  	[dreg:$0x1] =	wrdreg $0xFFFFFFFF  }
0xc1: {  	_ =	task.clear_ibuf [dreg:s7], $0x2FFFF;
	_ =	strace $0x9FFFFFFF  }
0xc2: {  	(tm) =	ssettm $0x7FFFFFFF  }
0xc3: {  	_ =	shalt  }
tec
execute0_lowered:
.L_overlay_start_1:
0x0: {  	(tag) =	ssettag $0x1  }
0x1: {  	s0 =	rddreg [dreg:$0x0];
	s1 =	srdreg.scid  }
0x2: {  	s2 =	stileid.u32;
	s5 =	rddreg [dreg:$0x1]  }
0x3: {  	s30 =	simm.s32 $0x800;
	s31 =	simm.s32 $0x11000;
	s13 =	simm.s32 $0x2  }
0x4: {  	s1 =	sand.u32 $0x1, s1;
	s3 =	sshll.u32 s2, $0x1;
	s2 =	simm.s32 $0x0  }
0x5: {  	s8 =	sor.u32 s1, s3;
	[smem:$0x7FF] =	sst s2;
	s3 =	sadd.s32 $0x286000, s0  }
0x6: {  	s24 =	ssub.s32 $0x2, s1;
	s4 =	sshll.u32 s8, $0x8;
	_ =	strace $0x80000047  }
0x7: {  	s28 =	sshll.u32 s8, $0x4;
	s7 =	sshrl.u32 s24, $0x1;
	[dreg:$0x6] =	wrdreg s30  }
0x8: {  	[dreg:$0x7] =	wrdreg s31;
	s6 =	sadd.s32 s4, s0;
	s29 =	sadd.s32 s5, s28  }
0x9: {  	v3 =	vlaneseq.u32;
	s4 =	sadd.s32 $0x1E00, s0;
	s25 =	sadd.s32 $0x4000, s6;
	[dreg:$0x5] =	wrdreg s29  }
0xa: {  	vm0 =	vmmov $0xffff;
	v1 =	vand.u32 $0x7, v3;
	v2 =	vshrl.u32 v3, $0x3;
	s0 =	ssub.s32 s24, s7;
	s26 =	sadd.s32 $0x2000, s6;
	[dreg:$0x3] =	wrdreg s25  }
0xb: {  	v3 =	vor.u32 $0x8, v3;
	v2 =	vmul.u32 $0x8, v2;
	v0 =	vmov s8;
	s5 =	smax.u32 s0, $0x1;
	[dreg:$0x4] =	wrdreg s26;
	s26 =	simm.s32 $0x1  }
.LBB2_1:
0xc: {  	[dreg:$0x8] =	wrdreg s5  }
0xd: {  	s14 =	rddreg [dreg:$0x3];
	s0 =	simm.s32 $0x3  }
0xe: {  	[tilespmem:s2], [sflag:$0x3] =	stream.linear.gather [hbm4b:s14+s2], $0x500, $0x38;
	[tilespmem:$0x11080] =	vst v63  }
0xf: {  	_ =	swait.ge [sflag:s0], $0x500  }
0x10: {  	s29 =	rddreg [dreg:$0x4];
	[sflag:s0] =	ssyncset.done $0x0  }
0x11: {  	s15 =	rddreg [dreg:$0x6];
	[sflag:s0] =	ssyncadd.s32 $0xFFFFFB00  }
0x12: {  	[tilespmem:s15], [sflag:$0x3] =	stream.linear.gather [hbm4b:s29+s2], $0x500, $0x38;
	[tilespmem:$0x11080] =	vst v63  }
0x13: {  	_ =	swait.ge [sflag:s0], $0x500  }
0x14: {  	[sflag:s0] =	ssyncset.done $0x0  }
0x15: {  	[sflag:s0] =	ssyncadd.s32 $0xFFFFFB00  }
0x16: {  	v4 =	vld [tilespmem:$0x0];
	_ =	sdelay $0x4  }
0x17: {  	v5 =	vshll.u32 v4, $0x1  }
0x18: {  	v4 =	vand.u32 $0x7, v4;
	v5 =	vand.u32 $0xFFFFFFF0, v5  }
0x19: {  	v4 =	vor.u32 v4, v5  }
0x1a: {  	v5 =	vperm.xlane v4, v1;
	_ =	sdelay $0x1  }
0x1b: {  	v4 =	vperm.xlane v4, v3;
	v5 =	vadd.s32 v2, v5;
	_ =	sdelay $0x1  }
0x1c: {  	v4 =	vadd.s32 v2, v4;
	_ =	sdelay $0x1  }
0x1d: {  	s30 =	simm.s32 $0x1000  }
0x1e: {  	[tilespmem:s30], [sflag:$0x1] =	stream.indirect_vreg.gather [hbm4b:s4+s2], $0x80, v5, vm0, $0xb8;
	[tilespmem:$0x11080] =	vst v63  }
0x1f: {  	s31 =	simm.s32 $0x1800  }
0x20: {  	[tilespmem:s31], [sflag:$0x1] =	stream.indirect_vreg.gather [hbm4b:s4+s2], $0x80, v4, vm0, $0xb8;
	[tilespmem:$0x11080] =	vst v63  }
0x21: {  	v4 =	vld [tilespmem:$0x10];
	_ =	sdelay $0x4  }
0x22: {  	v5 =	vshll.u32 v4, $0x1  }
0x23: {  	v4 =	vand.u32 $0x7, v4;
	v5 =	vand.u32 $0xFFFFFFF0, v5  }
0x24: {  	v4 =	vor.u32 v4, v5  }
0x25: {  	v5 =	vperm.xlane v4, v1;
	_ =	sdelay $0x1  }
0x26: {  	v4 =	vperm.xlane v4, v3;
	v5 =	vadd.s32 v2, v5;
	_ =	sdelay $0x1  }
0x27: {  	v4 =	vadd.s32 v2, v4;
	_ =	sdelay $0x1  }
0x28: {  	s1 =	simm.s32 $0x2000  }
0x29: {  	[tilespmem:s1], [sflag:$0x1] =	stream.indirect_vreg.gather [hbm4b:s4+s2], $0x80, v5, vm0, $0xb8;
	[tilespmem:$0x11080] =	vst v63  }
0x2a: {  	s5 =	simm.s32 $0x2800  }
0x2b: {  	[tilespmem:s5], [sflag:$0x1] =	stream.indirect_vreg.gather [hbm4b:s4+s2], $0x80, v4, vm0, $0xb8;
	[tilespmem:$0x11080] =	vst v63  }
0x2c: {  	v4 =	vld [tilespmem:$0x20];
	_ =	sdelay $0x4  }
0x2d: {  	v5 =	vshll.u32 v4, $0x1  }
0x2e: {  	v4 =	vand.u32 $0x7, v4;
	v5 =	vand.u32 $0xFFFFFFF0, v5  }
0x2f: {  	v4 =	vor.u32 v4, v5  }
0x30: {  	v5 =	vperm.xlane v4, v1;
	_ =	sdelay $0x1  }
0x31: {  	v4 =	vperm.xlane v4, v3;
	v5 =	vadd.s32 v2, v5;
	_ =	sdelay $0x1  }
0x32: {  	v4 =	vadd.s32 v2, v4;
	_ =	sdelay $0x1  }
0x33: {  	s6 =	simm.s32 $0x3000  }
0x34: {  	[tilespmem:s6], [sflag:$0x1] =	stream.indirect_vreg.gather [hbm4b:s4+s2], $0x80, v5, vm0, $0xb8;
	[tilespmem:$0x11080] =	vst v63  }
0x35: {  	s8 =	simm.s32 $0x3800  }
0x36: {  	[tilespmem:s8], [sflag:$0x1] =	stream.indirect_vreg.gather [hbm4b:s4+s2], $0x80, v4, vm0, $0xb8;
	[tilespmem:$0x11080] =	vst v63  }
0x37: {  	v4 =	vld [tilespmem:$0x30];
	_ =	sdelay $0x4  }
0x38: {  	v5 =	vshll.u32 v4, $0x1  }
0x39: {  	v4 =	vand.u32 $0x7, v4;
	v5 =	vand.u32 $0xFFFFFFF0, v5  }
0x3a: {  	v4 =	vor.u32 v4, v5  }
0x3b: {  	v5 =	vperm.xlane v4, v1;
	_ =	sdelay $0x1  }
0x3c: {  	v4 =	vperm.xlane v4, v3;
	v5 =	vadd.s32 v2, v5;
	_ =	sdelay $0x1  }
0x3d: {  	v4 =	vadd.s32 v2, v4;
	_ =	sdelay $0x1  }
0x3e: {  	s9 =	simm.s32 $0x4000  }
0x3f: {  	[tilespmem:s9], [sflag:$0x1] =	stream.indirect_vreg.gather [hbm4b:s4+s2], $0x80, v5, vm0, $0xb8;
	[tilespmem:$0x11080] =	vst v63  }
0x40: {  	s11 =	simm.s32 $0x4800  }
0x41: {  	[tilespmem:s11], [sflag:$0x1] =	stream.indirect_vreg.gather [hbm4b:s4+s2], $0x80, v4, vm0, $0xb8;
	[tilespmem:$0x11080] =	vst v63  }
0x42: {  	v4 =	vld [tilespmem:$0x40];
	_ =	sdelay $0x4  }
0x43: {  	v5 =	vshll.u32 v4, $0x1  }
0x44: {  	v4 =	vand.u32 $0x7, v4;
	v5 =	vand.u32 $0xFFFFFFF0, v5  }
0x45: {  	v4 =	vor.u32 v4, v5  }
0x46: {  	v5 =	vperm.xlane v4, v1;
	_ =	sdelay $0x1  }
0x47: {  	v4 =	vperm.xlane v4, v3;
	v5 =	vadd.s32 v2, v5;
	_ =	sdelay $0x1  }
0x48: {  	v4 =	vadd.s32 v2, v4;
	_ =	sdelay $0x1  }
0x49: {  	s12 =	simm.s32 $0x5000  }
0x4a: {  	[tilespmem:s12], [sflag:$0x1] =	stream.indirect_vreg.gather [hbm4b:s4+s2], $0x80, v5, vm0, $0xb8;
	[tilespmem:$0x11080] =	vst v63  }
0x4b: {  	s14 =	simm.s32 $0x5800  }
0x4c: {  	[tilespmem:s14], [sflag:$0x1] =	stream.indirect_vreg.gather [hbm4b:s4+s2], $0x80, v4, vm0, $0xb8;
	[tilespmem:$0x11080] =	vst v63  }
0x4d: {  	v4 =	vld [tilespmem:$0x50];
	_ =	sdelay $0x4  }
0x4e: {  	v5 =	vshll.u32 v4, $0x1  }
0x4f: {  	v4 =	vand.u32 $0x7, v4;
	v5 =	vand.u32 $0xFFFFFFF0, v5  }
0x50: {  	v4 =	vor.u32 v4, v5  }
0x51: {  	v5 =	vperm.xlane v4, v1;
	_ =	sdelay $0x1  }
0x52: {  	v4 =	vperm.xlane v4, v3;
	v5 =	vadd.s32 v2, v5;
	_ =	sdelay $0x1  }
0x53: {  	v4 =	vadd.s32 v2, v4;
	_ =	sdelay $0x1  }
0x54: {  	s15 =	simm.s32 $0x6000  }
0x55: {  	[tilespmem:s15], [sflag:$0x1] =	stream.indirect_vreg.gather [hbm4b:s4+s2], $0x80, v5, vm0, $0xb8;
	[tilespmem:$0x11080] =	vst v63  }
0x56: {  	s16 =	simm.s32 $0x6800  }
0x57: {  	[tilespmem:s16], [sflag:$0x1] =	stream.indirect_vreg.gather [hbm4b:s4+s2], $0x80, v4, vm0, $0xb8;
	[tilespmem:$0x11080] =	vst v63  }
0x58: {  	v4 =	vld [tilespmem:$0x60];
	_ =	sdelay $0x4  }
0x59: {  	v5 =	vshll.u32 v4, $0x1  }
0x5a: {  	v4 =	vand.u32 $0x7, v4;
	v5 =	vand.u32 $0xFFFFFFF0, v5  }
0x5b: {  	v4 =	vor.u32 v4, v5  }
0x5c: {  	v5 =	vperm.xlane v4, v1;
	_ =	sdelay $0x1  }
0x5d: {  	v4 =	vperm.xlane v4, v3;
	v5 =	vadd.s32 v2, v5;
	_ =	sdelay $0x1  }
0x5e: {  	v4 =	vadd.s32 v2, v4;
	_ =	sdelay $0x1  }
0x5f: {  	s17 =	simm.s32 $0x7000  }
0x60: {  	[tilespmem:s17], [sflag:$0x1] =	stream.indirect_vreg.gather [hbm4b:s4+s2], $0x80, v5, vm0, $0xb8;
	[tilespmem:$0x11080] =	vst v63  }
0x61: {  	s18 =	simm.s32 $0x7800  }
0x62: {  	[tilespmem:s18], [sflag:$0x1] =	stream.indirect_vreg.gather [hbm4b:s4+s2], $0x80, v4, vm0, $0xb8;
	[tilespmem:$0x11080] =	vst v63  }
0x63: {  	v4 =	vld [tilespmem:$0x70];
	_ =	sdelay $0x4  }
0x64: {  	v5 =	vshll.u32 v4, $0x1  }
0x65: {  	v4 =	vand.u32 $0x7, v4;
	v5 =	vand.u32 $0xFFFFFFF0, v5  }
0x66: {  	v4 =	vor.u32 v4, v5  }
0x67: {  	v5 =	vperm.xlane v4, v1;
	_ =	sdelay $0x1  }
0x68: {  	v4 =	vperm.xlane v4, v3;
	v5 =	vadd.s32 v2, v5;
	_ =	sdelay $0x1  }
0x69: {  	v4 =	vadd.s32 v2, v4;
	_ =	sdelay $0x1  }
0x6a: {  	s19 =	simm.s32 $0x8000  }
0x6b: {  	[tilespmem:s19], [sflag:$0x1] =	stream.indirect_vreg.gather [hbm4b:s4+s2], $0x80, v5, vm0, $0xb8;
	[tilespmem:$0x11080] =	vst v63  }
0x6c: {  	s20 =	simm.s32 $0x8800  }
0x6d: {  	[tilespmem:s20], [sflag:$0x1] =	stream.indirect_vreg.gather [hbm4b:s4+s2], $0x80, v4, vm0, $0xb8;
	[tilespmem:$0x11080] =	vst v63  }
0x6e: {  	_ =	swait.ge [sflag:s26], $0x8000  }
0x6f: {  	[sflag:s26] =	ssyncset.done $0x0  }
0x70: {  	[sflag:s26] =	ssyncadd.s32 $0xFFFF8000  }
0x71: {  	v4 =	vld [tilespmem:$0x800];
	_ =	sdelay $0x4  }
0x72: {  	v5 =	vshll.u32 v4, $0x1  }
0x73: {  	v4 =	vand.u32 $0x7, v4;
	v5 =	vand.u32 $0xFFFFFFF0, v5  }
0x74: {  	v4 =	vor.u32 v4, v5  }
0x75: {  	v5 =	vperm.xlane v4, v1;
	_ =	sdelay $0x1  }
0x76: {  	v4 =	vperm.xlane v4, v3;
	v5 =	vadd.s32 v2, v5;
	_ =	sdelay $0x1  }
0x77: {  	v4 =	vadd.s32 v2, v4;
	_ =	sdelay $0x1  }
0x78: {  	s23 =	simm.s32 $0x1000  }
0x79: {  	[hbm4b:s3+s2] =	stream.indirect_vreg.scatter [tilespmem:s23], [sflag:$0x2], $0x80, v5, vm0, $0xb8;
	[tilespmem:$0x11080] =	vst v63  }
0x7a: {  	s10 =	simm.s32 $0x1800  }
0x7b: {  	[hbm4b:s3+s2] =	stream.indirect_vreg.scatter [tilespmem:s10], [sflag:$0x2], $0x80, v4, vm0, $0xb8;
	[tilespmem:$0x11080] =	vst v63  }
0x7c: {  	v4 =	vld [tilespmem:$0x810];
	_ =	sdelay $0x4  }
0x7d: {  	v5 =	vshll.u32 v4, $0x1  }
0x7e: {  	v4 =	vand.u32 $0x7, v4;
	v5 =	vand.u32 $0xFFFFFFF0, v5  }
0x7f: {  	v4 =	vor.u32 v4, v5  }
0x80: {  	v5 =	vperm.xlane v4, v1;
	_ =	sdelay $0x1  }
0x81: {  	v4 =	vperm.xlane v4, v3;
	v5 =	vadd.s32 v2, v5;
	_ =	sdelay $0x1  }
0x82: {  	v4 =	vadd.s32 v2, v4;
	_ =	sdelay $0x1  }
0x83: {  	s1 =	simm.s32 $0x2000  }
0x84: {  	[hbm4b:s3+s2] =	stream.indirect_vreg.scatter [tilespmem:s1], [sflag:$0x2], $0x80, v5, vm0, $0xb8;
	[tilespmem:$0x11080] =	vst v63  }
0x85: {  	s7 =	simm.s32 $0x2800  }
0x86: {  	[hbm4b:s3+s2] =	stream.indirect_vreg.scatter [tilespmem:s7], [sflag:$0x2], $0x80, v4, vm0, $0xb8;
	[tilespmem:$0x11080] =	vst v63  }
0x87: {  	v4 =	vld [tilespmem:$0x820];
	_ =	sdelay $0x4  }
0x88: {  	v5 =	vshll.u32 v4, $0x1  }
0x89: {  	v4 =	vand.u32 $0x7, v4;
	v5 =	vand.u32 $0xFFFFFFF0, v5  }
0x8a: {  	v4 =	vor.u32 v4, v5  }
0x8b: {  	v5 =	vperm.xlane v4, v1;
	_ =	sdelay $0x1  }
0x8c: {  	v4 =	vperm.xlane v4, v3;
	v5 =	vadd.s32 v2, v5;
	_ =	sdelay $0x1  }
0x8d: {  	v4 =	vadd.s32 v2, v4;
	_ =	sdelay $0x1  }
0x8e: {  	s5 =	simm.s32 $0x3000  }
0x8f: {  	[hbm4b:s3+s2] =	stream.indirect_vreg.scatter [tilespmem:s5], [sflag:$0x2], $0x80, v5, vm0, $0xb8;
	[tilespmem:$0x11080] =	vst v63  }
0x90: {  	s8 =	simm.s32 $0x3800  }
0x91: {  	[hbm4b:s3+s2] =	stream.indirect_vreg.scatter [tilespmem:s8], [sflag:$0x2], $0x80, v4, vm0, $0xb8;
	[tilespmem:$0x11080] =	vst v63  }
0x92: {  	v4 =	vld [tilespmem:$0x830];
	_ =	sdelay $0x4  }
0x93: {  	v5 =	vshll.u32 v4, $0x1  }
0x94: {  	v4 =	vand.u32 $0x7, v4;
	v5 =	vand.u32 $0xFFFFFFF0, v5  }
0x95: {  	v4 =	vor.u32 v4, v5  }
0x96: {  	v5 =	vperm.xlane v4, v1;
	_ =	sdelay $0x1  }
0x97: {  	v4 =	vperm.xlane v4, v3;
	v5 =	vadd.s32 v2, v5;
	_ =	sdelay $0x1  }
0x98: {  	v4 =	vadd.s32 v2, v4;
	_ =	sdelay $0x1  }
0x99: {  	s6 =	simm.s32 $0x4000  }
0x9a: {  	[hbm4b:s3+s2] =	stream.indirect_vreg.scatter [tilespmem:s6], [sflag:$0x2], $0x80, v5, vm0, $0xb8;
	[tilespmem:$0x11080] =	vst v63  }
0x9b: {  	s9 =	simm.s32 $0x4800  }
0x9c: {  	[hbm4b:s3+s2] =	stream.indirect_vreg.scatter [tilespmem:s9], [sflag:$0x2], $0x80, v4, vm0, $0xb8;
	[tilespmem:$0x11080] =	vst v63  }
0x9d: {  	v4 =	vld [tilespmem:$0x840];
	_ =	sdelay $0x4  }
0x9e: {  	v5 =	vshll.u32 v4, $0x1  }
0x9f: {  	v4 =	vand.u32 $0x7, v4;
	v5 =	vand.u32 $0xFFFFFFF0, v5  }
0xa0: {  	v4 =	vor.u32 v4, v5  }
0xa1: {  	v5 =	vperm.xlane v4, v1;
	_ =	sdelay $0x1  }
0xa2: {  	v4 =	vperm.xlane v4, v3;
	v5 =	vadd.s32 v2, v5;
	_ =	sdelay $0x1  }
0xa3: {  	v4 =	vadd.s32 v2, v4;
	_ =	sdelay $0x1  }
0xa4: {  	s22 =	simm.s32 $0x5000  }
0xa5: {  	[hbm4b:s3+s2] =	stream.indirect_vreg.scatter [tilespmem:s22], [sflag:$0x2], $0x80, v5, vm0, $0xb8;
	[tilespmem:$0x11080] =	vst v63  }
0xa6: {  	s25 =	simm.s32 $0x5800  }
0xa7: {  	[hbm4b:s3+s2] =	stream.indirect_vreg.scatter [tilespmem:s25], [sflag:$0x2], $0x80, v4, vm0, $0xb8;
	[tilespmem:$0x11080] =	vst v63  }
0xa8: {  	v4 =	vld [tilespmem:$0x850];
	_ =	sdelay $0x4  }
0xa9: {  	v5 =	vshll.u32 v4, $0x1  }
0xaa: {  	v4 =	vand.u32 $0x7, v4;
	v5 =	vand.u32 $0xFFFFFFF0, v5  }
0xab: {  	v4 =	vor.u32 v4, v5  }
0xac: {  	v5 =	vperm.xlane v4, v1;
	_ =	sdelay $0x1  }
0xad: {  	v4 =	vperm.xlane v4, v3;
	v5 =	vadd.s32 v2, v5;
	_ =	sdelay $0x1  }
0xae: {  	v4 =	vadd.s32 v2, v4;
	_ =	sdelay $0x1  }
0xaf: {  	s24 =	simm.s32 $0x6000  }
0xb0: {  	[hbm4b:s3+s2] =	stream.indirect_vreg.scatter [tilespmem:s24], [sflag:$0x2], $0x80, v5, vm0, $0xb8;
	[tilespmem:$0x11080] =	vst v63  }
0xb1: {  	s28 =	simm.s32 $0x6800  }
0xb2: {  	[hbm4b:s3+s2] =	stream.indirect_vreg.scatter [tilespmem:s28], [sflag:$0x2], $0x80, v4, vm0, $0xb8;
	[tilespmem:$0x11080] =	vst v63  }
0xb3: {  	v4 =	vld [tilespmem:$0x860];
	_ =	sdelay $0x4  }
0xb4: {  	v5 =	vshll.u32 v4, $0x1  }
0xb5: {  	v4 =	vand.u32 $0x7, v4;
	v5 =	vand.u32 $0xFFFFFFF0, v5  }
0xb6: {  	v4 =	vor.u32 v4, v5  }
0xb7: {  	v5 =	vperm.xlane v4, v1;
	_ =	sdelay $0x1  }
0xb8: {  	v4 =	vperm.xlane v4, v3;
	v5 =	vadd.s32 v2, v5;
	_ =	sdelay $0x1  }
0xb9: {  	v4 =	vadd.s32 v2, v4;
	_ =	sdelay $0x1  }
0xba: {  	s29 =	simm.s32 $0x7000  }
0xbb: {  	[hbm4b:s3+s2] =	stream.indirect_vreg.scatter [tilespmem:s29], [sflag:$0x2], $0x80, v5, vm0, $0xb8;
	[tilespmem:$0x11080] =	vst v63  }
0xbc: {  	s30 =	simm.s32 $0x7800  }
0xbd: {  	[hbm4b:s3+s2] =	stream.indirect_vreg.scatter [tilespmem:s30], [sflag:$0x2], $0x80, v4, vm0, $0xb8;
	[tilespmem:$0x11080] =	vst v63  }
0xbe: {  	v4 =	vld [tilespmem:$0x870];
	_ =	sdelay $0x4  }
0xbf: {  	v5 =	vshll.u32 v4, $0x1  }
0xc0: {  	v4 =	vand.u32 $0x7, v4;
	v5 =	vand.u32 $0xFFFFFFF0, v5  }
0xc1: {  	v4 =	vor.u32 v4, v5  }
0xc2: {  	v5 =	vperm.xlane v4, v1;
	_ =	sdelay $0x1  }
0xc3: {  	v4 =	vperm.xlane v4, v3;
	v5 =	vadd.s32 v2, v5;
	_ =	sdelay $0x1  }
0xc4: {  	v4 =	vadd.s32 v2, v4;
	_ =	sdelay $0x1  }
0xc5: {  	s31 =	simm.s32 $0x8000  }
0xc6: {  	[hbm4b:s3+s2] =	stream.indirect_vreg.scatter [tilespmem:s31], [sflag:$0x2], $0x80, v5, vm0, $0xb8;
	[tilespmem:$0x11080] =	vst v63  }
0xc7: {  	s21 =	simm.s32 $0x8800  }
0xc8: {  	[hbm4b:s3+s2] =	stream.indirect_vreg.scatter [tilespmem:s21], [sflag:$0x2], $0x80, v4, vm0, $0xb8;
	[tilespmem:$0x11080] =	vst v63  }
0xc9: {  	v4 =	vld [tilespmem:$0x80];
	_ =	sdelay $0x4  }
0xca: {  	v5 =	vshll.u32 v4, $0x1  }
0xcb: {  	v4 =	vand.u32 $0x7, v4;
	v5 =	vand.u32 $0xFFFFFFF0, v5  }
0xcc: {  	v4 =	vor.u32 v4, v5  }
0xcd: {  	v5 =	vperm.xlane v4, v1;
	_ =	sdelay $0x1  }
0xce: {  	v4 =	vperm.xlane v4, v3;
	v5 =	vadd.s32 v2, v5;
	_ =	sdelay $0x1  }
0xcf: {  	v4 =	vadd.s32 v2, v4;
	_ =	sdelay $0x1  }
0xd0: {  	s1 =	simm.s32 $0x9000  }
0xd1: {  	[tilespmem:s1], [sflag:$0x1] =	stream.indirect_vreg.gather [hbm4b:s4+s2], $0x80, v5, vm0, $0xb8;
	[tilespmem:$0x11080] =	vst v63  }
0xd2: {  	s5 =	simm.s32 $0x9800  }
0xd3: {  	[tilespmem:s5], [sflag:$0x1] =	stream.indirect_vreg.gather [hbm4b:s4+s2], $0x80, v4, vm0, $0xb8;
	[tilespmem:$0x11080] =	vst v63  }
0xd4: {  	v4 =	vld [tilespmem:$0x90];
	_ =	sdelay $0x4  }
0xd5: {  	v5 =	vshll.u32 v4, $0x1  }
0xd6: {  	v4 =	vand.u32 $0x7, v4;
	v5 =	vand.u32 $0xFFFFFFF0, v5  }
0xd7: {  	v4 =	vor.u32 v4, v5  }
0xd8: {  	v5 =	vperm.xlane v4, v1;
	_ =	sdelay $0x1  }
0xd9: {  	v4 =	vperm.xlane v4, v3;
	v5 =	vadd.s32 v2, v5;
	_ =	sdelay $0x1  }
0xda: {  	v4 =	vadd.s32 v2, v4;
	_ =	sdelay $0x1  }
0xdb: {  	s6 =	simm.s32 $0xA000  }
0xdc: {  	[tilespmem:s6], [sflag:$0x1] =	stream.indirect_vreg.gather [hbm4b:s4+s2], $0x80, v5, vm0, $0xb8;
	[tilespmem:$0x11080] =	vst v63  }
0xdd: {  	s7 =	simm.s32 $0xA800  }
0xde: {  	[tilespmem:s7], [sflag:$0x1] =	stream.indirect_vreg.gather [hbm4b:s4+s2], $0x80, v4, vm0, $0xb8;
	[tilespmem:$0x11080] =	vst v63  }
0xdf: {  	v4 =	vld [tilespmem:$0xA0];
	_ =	sdelay $0x4  }
0xe0: {  	v5 =	vshll.u32 v4, $0x1  }
0xe1: {  	v4 =	vand.u32 $0x7, v4;
	v5 =	vand.u32 $0xFFFFFFF0, v5  }
0xe2: {  	v4 =	vor.u32 v4, v5  }
0xe3: {  	v5 =	vperm.xlane v4, v1;
	_ =	sdelay $0x1  }
0xe4: {  	v4 =	vperm.xlane v4, v3;
	v5 =	vadd.s32 v2, v5;
	_ =	sdelay $0x1  }
0xe5: {  	v4 =	vadd.s32 v2, v4;
	_ =	sdelay $0x1  }
0xe6: {  	s9 =	simm.s32 $0xB000  }
0xe7: {  	[tilespmem:s9], [sflag:$0x1] =	stream.indirect_vreg.gather [hbm4b:s4+s2], $0x80, v5, vm0, $0xb8;
	[tilespmem:$0x11080] =	vst v63  }
0xe8: {  	s10 =	simm.s32 $0xB800  }
0xe9: {  	[tilespmem:s10], [sflag:$0x1] =	stream.indirect_vreg.gather [hbm4b:s4+s2], $0x80, v4, vm0, $0xb8;
	[tilespmem:$0x11080] =	vst v63  }
0xea: {  	v4 =	vld [tilespmem:$0xB0];
	_ =	sdelay $0x4  }
0xeb: {  	v5 =	vshll.u32 v4, $0x1  }
0xec: {  	v4 =	vand.u32 $0x7, v4;
	v5 =	vand.u32 $0xFFFFFFF0, v5  }
0xed: {  	v4 =	vor.u32 v4, v5  }
0xee: {  	v5 =	vperm.xlane v4, v1;
	_ =	sdelay $0x1  }
0xef: {  	v4 =	vperm.xlane v4, v3;
	v5 =	vadd.s32 v2, v5;
	_ =	sdelay $0x1  }
0xf0: {  	v4 =	vadd.s32 v2, v4;
	_ =	sdelay $0x1  }
0xf1: {  	s11 =	simm.s32 $0xC000  }
0xf2: {  	[tilespmem:s11], [sflag:$0x1] =	stream.indirect_vreg.gather [hbm4b:s4+s2], $0x80, v5, vm0, $0xb8;
	[tilespmem:$0x11080] =	vst v63  }
0xf3: {  	s12 =	simm.s32 $0xC800  }
0xf4: {  	[tilespmem:s12], [sflag:$0x1] =	stream.indirect_vreg.gather [hbm4b:s4+s2], $0x80, v4, vm0, $0xb8;
	[tilespmem:$0x11080] =	vst v63  }
0xf5: {  	v4 =	vld [tilespmem:$0xC0];
	_ =	sdelay $0x4  }
0xf6: {  	v5 =	vshll.u32 v4, $0x1  }
0xf7: {  	v4 =	vand.u32 $0x7, v4;
	v5 =	vand.u32 $0xFFFFFFF0, v5  }
0xf8: {  	v4 =	vor.u32 v4, v5  }
0xf9: {  	v5 =	vperm.xlane v4, v1;
	_ =	sdelay $0x1  }
0xfa: {  	v4 =	vperm.xlane v4, v3;
	v5 =	vadd.s32 v2, v5;
	_ =	sdelay $0x1  }
0xfb: {  	v4 =	vadd.s32 v2, v4;
	_ =	sdelay $0x1  }
0xfc: {  	s16 =	simm.s32 $0xD000  }
0xfd: {  	[tilespmem:s16], [sflag:$0x1] =	stream.indirect_vreg.gather [hbm4b:s4+s2], $0x80, v5, vm0, $0xb8;
	[tilespmem:$0x11080] =	vst v63  }
0xfe: {  	s17 =	simm.s32 $0xD800  }
0xff: {  	[tilespmem:s17], [sflag:$0x1] =	stream.indirect_vreg.gather [hbm4b:s4+s2], $0x80, v4, vm0, $0xb8;
	[tilespmem:$0x11080] =	vst v63  }
0x100: {  	v4 =	vld [tilespmem:$0xD0];
	_ =	sdelay $0x4  }
0x101: {  	v5 =	vshll.u32 v4, $0x1  }
0x102: {  	v4 =	vand.u32 $0x7, v4;
	v5 =	vand.u32 $0xFFFFFFF0, v5  }
0x103: {  	v4 =	vor.u32 v4, v5  }
0x104: {  	v5 =	vperm.xlane v4, v1;
	_ =	sdelay $0x1  }
0x105: {  	v4 =	vperm.xlane v4, v3;
	v5 =	vadd.s32 v2, v5;
	_ =	sdelay $0x1  }
0x106: {  	v4 =	vadd.s32 v2, v4;
	_ =	sdelay $0x1  }
0x107: {  	s5 =	simm.s32 $0xE000  }
0x108: {  	[tilespmem:s5], [sflag:$0x1] =	stream.indirect_vreg.gather [hbm4b:s4+s2], $0x80, v5, vm0, $0xb8;
	[tilespmem:$0x11080] =	vst v63  }
0x109: {  	s6 =	simm.s32 $0xE800  }
0x10a: {  	[tilespmem:s6], [sflag:$0x1] =	stream.indirect_vreg.gather [hbm4b:s4+s2], $0x80, v4, vm0, $0xb8;
	[tilespmem:$0x11080] =	vst v63  }
0x10b: {  	v4 =	vld [tilespmem:$0xE0];
	_ =	sdelay $0x4  }
0x10c: {  	v5 =	vshll.u32 v4, $0x1  }
0x10d: {  	v4 =	vand.u32 $0x7, v4;
	v5 =	vand.u32 $0xFFFFFFF0, v5  }
0x10e: {  	v4 =	vor.u32 v4, v5  }
0x10f: {  	v5 =	vperm.xlane v4, v1;
	_ =	sdelay $0x1  }
0x110: {  	v4 =	vperm.xlane v4, v3;
	v5 =	vadd.s32 v2, v5;
	_ =	sdelay $0x1  }
0x111: {  	v4 =	vadd.s32 v2, v4;
	_ =	sdelay $0x1  }
0x112: {  	s7 =	simm.s32 $0xF000  }
0x113: {  	[tilespmem:s7], [sflag:$0x1] =	stream.indirect_vreg.gather [hbm4b:s4+s2], $0x80, v5, vm0, $0xb8;
	[tilespmem:$0x11080] =	vst v63  }
0x114: {  	s17 =	simm.s32 $0xF800  }
0x115: {  	[tilespmem:s17], [sflag:$0x1] =	stream.indirect_vreg.gather [hbm4b:s4+s2], $0x80, v4, vm0, $0xb8;
	[tilespmem:$0x11080] =	vst v63  }
0x116: {  	v4 =	vld [tilespmem:$0xF0];
	_ =	sdelay $0x4  }
0x117: {  	v5 =	vshll.u32 v4, $0x1  }
0x118: {  	v4 =	vand.u32 $0x7, v4;
	v5 =	vand.u32 $0xFFFFFFF0, v5  }
0x119: {  	v4 =	vor.u32 v4, v5  }
0x11a: {  	v5 =	vperm.xlane v4, v1;
	_ =	sdelay $0x1  }
0x11b: {  	v4 =	vperm.xlane v4, v3;
	v5 =	vadd.s32 v2, v5;
	_ =	sdelay $0x1  }
0x11c: {  	v4 =	vadd.s32 v2, v4;
	_ =	sdelay $0x1  }
0x11d: {  	s7 =	simm.s32 $0x10000  }
0x11e: {  	[tilespmem:s7], [sflag:$0x1] =	stream.indirect_vreg.gather [hbm4b:s4+s2], $0x80, v5, vm0, $0xb8;
	[tilespmem:$0x11080] =	vst v63  }
0x11f: {  	s0 =	simm.s32 $0x10800  }
0x120: {  	[tilespmem:s0], [sflag:$0x1] =	stream.indirect_vreg.gather [hbm4b:s4+s2], $0x80, v4, vm0, $0xb8;
	[tilespmem:$0x11080] =	vst v63  }
0x121: {  	_ =	swait.ge [sflag:s26], $0x8000  }
0x122: {  	[sflag:s26] =	ssyncset.done $0x0  }
0x123: {  	[sflag:s26] =	ssyncadd.s32 $0xFFFF8000  }
0x124: {  	v4 =	vld [tilespmem:$0x880];
	_ =	sdelay $0x4  }
0x125: {  	v5 =	vshll.u32 v4, $0x1  }
0x126: {  	v4 =	vand.u32 $0x7, v4;
	v5 =	vand.u32 $0xFFFFFFF0, v5  }
0x127: {  	v4 =	vor.u32 v4, v5  }
0x128: {  	v5 =	vperm.xlane v4, v1;
	_ =	sdelay $0x1  }
0x129: {  	v4 =	vperm.xlane v4, v3;
	v5 =	vadd.s32 v2, v5;
	_ =	sdelay $0x1  }
0x12a: {  	v4 =	vadd.s32 v2, v4;
	_ =	sdelay $0x1  }
0x12b: {  	s1 =	simm.s32 $0x9000  }
0x12c: {  	[hbm4b:s3+s2] =	stream.indirect_vreg.scatter [tilespmem:s1], [sflag:$0x2], $0x80, v5, vm0, $0xb8;
	[tilespmem:$0x11080] =	vst v63  }
0x12d: {  	s18 =	simm.s32 $0x9800  }
0x12e: {  	[hbm4b:s3+s2] =	stream.indirect_vreg.scatter [tilespmem:s18], [sflag:$0x2], $0x80, v4, vm0, $0xb8;
	[tilespmem:$0x11080] =	vst v63  }
0x12f: {  	v4 =	vld [tilespmem:$0x890];
	_ =	sdelay $0x4  }
0x130: {  	v5 =	vshll.u32 v4, $0x1  }
0x131: {  	v4 =	vand.u32 $0x7, v4;
	v5 =	vand.u32 $0xFFFFFFF0, v5  }
0x132: {  	v4 =	vor.u32 v4, v5  }
0x133: {  	v5 =	vperm.xlane v4, v1;
	_ =	sdelay $0x1  }
0x134: {  	v4 =	vperm.xlane v4, v3;
	v5 =	vadd.s32 v2, v5;
	_ =	sdelay $0x1  }
0x135: {  	v4 =	vadd.s32 v2, v4;
	_ =	sdelay $0x1  }
0x136: {  	s8 =	simm.s32 $0xA000  }
0x137: {  	[hbm4b:s3+s2] =	stream.indirect_vreg.scatter [tilespmem:s8], [sflag:$0x2], $0x80, v5, vm0, $0xb8;
	[tilespmem:$0x11080] =	vst v63  }
0x138: {  	s19 =	simm.s32 $0xA800  }
0x139: {  	[hbm4b:s3+s2] =	stream.indirect_vreg.scatter [tilespmem:s19], [sflag:$0x2], $0x80, v4, vm0, $0xb8;
	[tilespmem:$0x11080] =	vst v63  }
0x13a: {  	v4 =	vld [tilespmem:$0x8A0];
	_ =	sdelay $0x4  }
0x13b: {  	v5 =	vshll.u32 v4, $0x1  }
0x13c: {  	v4 =	vand.u32 $0x7, v4;
	v5 =	vand.u32 $0xFFFFFFF0, v5  }
0x13d: {  	v4 =	vor.u32 v4, v5  }
0x13e: {  	v5 =	vperm.xlane v4, v1;
	_ =	sdelay $0x1  }
0x13f: {  	v4 =	vperm.xlane v4, v3;
	v5 =	vadd.s32 v2, v5;
	_ =	sdelay $0x1  }
0x140: {  	v4 =	vadd.s32 v2, v4;
	_ =	sdelay $0x1  }
0x141: {  	s9 =	simm.s32 $0xB000  }
0x142: {  	[hbm4b:s3+s2] =	stream.indirect_vreg.scatter [tilespmem:s9], [sflag:$0x2], $0x80, v5, vm0, $0xb8;
	[tilespmem:$0x11080] =	vst v63  }
0x143: {  	s20 =	simm.s32 $0xB800  }
0x144: {  	[hbm4b:s3+s2] =	stream.indirect_vreg.scatter [tilespmem:s20], [sflag:$0x2], $0x80, v4, vm0, $0xb8;
	[tilespmem:$0x11080] =	vst v63  }
0x145: {  	v4 =	vld [tilespmem:$0x8B0];
	_ =	sdelay $0x4  }
0x146: {  	v5 =	vshll.u32 v4, $0x1  }
0x147: {  	v4 =	vand.u32 $0x7, v4;
	v5 =	vand.u32 $0xFFFFFFF0, v5  }
0x148: {  	v4 =	vor.u32 v4, v5  }
0x149: {  	v5 =	vperm.xlane v4, v1;
	_ =	sdelay $0x1  }
0x14a: {  	v4 =	vperm.xlane v4, v3;
	v5 =	vadd.s32 v2, v5;
	_ =	sdelay $0x1  }
0x14b: {  	v4 =	vadd.s32 v2, v4;
	_ =	sdelay $0x1  }
0x14c: {  	s10 =	simm.s32 $0xC000  }
0x14d: {  	[hbm4b:s3+s2] =	stream.indirect_vreg.scatter [tilespmem:s10], [sflag:$0x2], $0x80, v5, vm0, $0xb8;
	[tilespmem:$0x11080] =	vst v63  }
0x14e: {  	s21 =	simm.s32 $0xC800  }
0x14f: {  	[hbm4b:s3+s2] =	stream.indirect_vreg.scatter [tilespmem:s21], [sflag:$0x2], $0x80, v4, vm0, $0xb8;
	[tilespmem:$0x11080] =	vst v63  }
0x150: {  	v4 =	vld [tilespmem:$0x8C0];
	_ =	sdelay $0x4  }
0x151: {  	v5 =	vshll.u32 v4, $0x1  }
0x152: {  	v4 =	vand.u32 $0x7, v4;
	v5 =	vand.u32 $0xFFFFFFF0, v5  }
0x153: {  	v4 =	vor.u32 v4, v5  }
0x154: {  	v5 =	vperm.xlane v4, v1;
	_ =	sdelay $0x1  }
0x155: {  	v4 =	vperm.xlane v4, v3;
	v5 =	vadd.s32 v2, v5;
	_ =	sdelay $0x1  }
0x156: {  	v4 =	vadd.s32 v2, v4;
	_ =	sdelay $0x1  }
0x157: {  	s12 =	simm.s32 $0xD000  }
0x158: {  	[hbm4b:s3+s2] =	stream.indirect_vreg.scatter [tilespmem:s12], [sflag:$0x2], $0x80, v5, vm0, $0xb8;
	[tilespmem:$0x11080] =	vst v63  }
0x159: {  	s11 =	simm.s32 $0xD800  }
0x15a: {  	[hbm4b:s3+s2] =	stream.indirect_vreg.scatter [tilespmem:s11], [sflag:$0x2], $0x80, v4, vm0, $0xb8;
	[tilespmem:$0x11080] =	vst v63  }
0x15b: {  	v4 =	vld [tilespmem:$0x8D0];
	_ =	sdelay $0x4  }
0x15c: {  	v5 =	vshll.u32 v4, $0x1  }
0x15d: {  	v4 =	vand.u32 $0x7, v4;
	v5 =	vand.u32 $0xFFFFFFF0, v5  }
0x15e: {  	v4 =	vor.u32 v4, v5  }
0x15f: {  	v5 =	vperm.xlane v4, v1;
	_ =	sdelay $0x1  }
0x160: {  	v4 =	vperm.xlane v4, v3;
	v5 =	vadd.s32 v2, v5;
	_ =	sdelay $0x1  }
0x161: {  	v4 =	vadd.s32 v2, v4;
	_ =	sdelay $0x1  }
0x162: {  	s5 =	simm.s32 $0xE000  }
0x163: {  	[hbm4b:s3+s2] =	stream.indirect_vreg.scatter [tilespmem:s5], [sflag:$0x2], $0x80, v5, vm0, $0xb8;
	[tilespmem:$0x11080] =	vst v63  }
0x164: {  	s16 =	simm.s32 $0xE800  }
0x165: {  	[hbm4b:s3+s2] =	stream.indirect_vreg.scatter [tilespmem:s16], [sflag:$0x2], $0x80, v4, vm0, $0xb8;
	[tilespmem:$0x11080] =	vst v63  }
0x166: {  	v4 =	vld [tilespmem:$0x8E0];
	_ =	sdelay $0x4  }
0x167: {  	v5 =	vshll.u32 v4, $0x1  }
0x168: {  	v4 =	vand.u32 $0x7, v4;
	v5 =	vand.u32 $0xFFFFFFF0, v5  }
0x169: {  	v4 =	vor.u32 v4, v5  }
0x16a: {  	v5 =	vperm.xlane v4, v1;
	_ =	sdelay $0x1  }
0x16b: {  	v4 =	vperm.xlane v4, v3;
	v5 =	vadd.s32 v2, v5;
	_ =	sdelay $0x1  }
0x16c: {  	v4 =	vadd.s32 v2, v4;
	_ =	sdelay $0x1  }
0x16d: {  	s6 =	simm.s32 $0xF000  }
0x16e: {  	[hbm4b:s3+s2] =	stream.indirect_vreg.scatter [tilespmem:s6], [sflag:$0x2], $0x80, v5, vm0, $0xb8;
	[tilespmem:$0x11080] =	vst v63  }
0x16f: {  	s17 =	simm.s32 $0xF800  }
0x170: {  	[hbm4b:s3+s2] =	stream.indirect_vreg.scatter [tilespmem:s17], [sflag:$0x2], $0x80, v4, vm0, $0xb8;
	[tilespmem:$0x11080] =	vst v63  }
0x171: {  	v4 =	vld [tilespmem:$0x8F0];
	_ =	sdelay $0x4  }
0x172: {  	v5 =	vshll.u32 v4, $0x1  }
0x173: {  	v4 =	vand.u32 $0x7, v4;
	v5 =	vand.u32 $0xFFFFFFF0, v5  }
0x174: {  	v4 =	vor.u32 v4, v5  }
0x175: {  	v5 =	vperm.xlane v4, v1;
	_ =	sdelay $0x1  }
0x176: {  	v4 =	vperm.xlane v4, v3;
	v5 =	vadd.s32 v2, v5;
	_ =	sdelay $0x1  }
0x177: {  	v4 =	vadd.s32 v2, v4;
	_ =	sdelay $0x1  }
0x178: {  	s7 =	simm.s32 $0x10000  }
0x179: {  	[hbm4b:s3+s2] =	stream.indirect_vreg.scatter [tilespmem:s7], [sflag:$0x2], $0x80, v5, vm0, $0xb8;
	[tilespmem:$0x11080] =	vst v63  }
0x17a: {  	s0 =	simm.s32 $0x10800  }
0x17b: {  	[hbm4b:s3+s2] =	stream.indirect_vreg.scatter [tilespmem:s0], [sflag:$0x2], $0x80, v4, vm0, $0xb8;
	[tilespmem:$0x11080] =	vst v63  }
0x17c: {  	_ =	swait.ge [sflag:s13], $0x8000  }
0x17d: {  	[sflag:s13] =	ssyncset.done $0x0  }
0x17e: {  	[sflag:s13] =	ssyncadd.s32 $0xFFFF8000  }
0x17f: {  	v4 =	vld [tilespmem:$0x100];
	_ =	sdelay $0x4  }
0x180: {  	v5 =	vshll.u32 v4, $0x1  }
0x181: {  	v4 =	vand.u32 $0x7, v4;
	v5 =	vand.u32 $0xFFFFFFF0, v5  }
0x182: {  	v4 =	vor.u32 v4, v5  }
0x183: {  	v5 =	vperm.xlane v4, v1;
	_ =	sdelay $0x1  }
0x184: {  	v4 =	vperm.xlane v4, v3;
	v5 =	vadd.s32 v2, v5;
	_ =	sdelay $0x1  }
0x185: {  	v4 =	vadd.s32 v2, v4;
	_ =	sdelay $0x2  }
0x186: {  	[tilespmem:s23], [sflag:$0x1] =	stream.indirect_vreg.gather [hbm4b:s4+s2], $0x80, v5, vm0, $0xb8;
	[tilespmem:$0x11080] =	vst v63  }
0x187: {  	s17 =	simm.s32 $0x1800  }
0x188: {  	[tilespmem:s17], [sflag:$0x1] =	stream.indirect_vreg.gather [hbm4b:s4+s2], $0x80, v4, vm0, $0xb8;
	[tilespmem:$0x11080] =	vst v63  }
0x189: {  	v4 =	vld [tilespmem:$0x110];
	_ =	sdelay $0x4  }
0x18a: {  	v5 =	vshll.u32 v4, $0x1  }
0x18b: {  	v4 =	vand.u32 $0x7, v4;
	v5 =	vand.u32 $0xFFFFFFF0, v5  }
0x18c: {  	v4 =	vor.u32 v4, v5  }
0x18d: {  	v5 =	vperm.xlane v4, v1;
	_ =	sdelay $0x1  }
0x18e: {  	v4 =	vperm.xlane v4, v3;
	v5 =	vadd.s32 v2, v5;
	_ =	sdelay $0x1  }
0x18f: {  	v4 =	vadd.s32 v2, v4;
	_ =	sdelay $0x1  }
0x190: {  	s0 =	simm.s32 $0x2000  }
0x191: {  	[tilespmem:s0], [sflag:$0x1] =	stream.indirect_vreg.gather [hbm4b:s4+s2], $0x80, v5, vm0, $0xb8;
	[tilespmem:$0x11080] =	vst v63  }
0x192: {  	s15 =	simm.s32 $0x2800  }
0x193: {  	[tilespmem:s15], [sflag:$0x1] =	stream.indirect_vreg.gather [hbm4b:s4+s2], $0x80, v4, vm0, $0xb8;
	[tilespmem:$0x11080] =	vst v63  }
0x194: {  	v4 =	vld [tilespmem:$0x120];
	_ =	sdelay $0x4  }
0x195: {  	v5 =	vshll.u32 v4, $0x1  }
0x196: {  	v4 =	vand.u32 $0x7, v4;
	v5 =	vand.u32 $0xFFFFFFF0, v5  }
0x197: {  	v4 =	vor.u32 v4, v5  }
0x198: {  	v5 =	vperm.xlane v4, v1;
	_ =	sdelay $0x1  }
0x199: {  	v4 =	vperm.xlane v4, v3;
	v5 =	vadd.s32 v2, v5;
	_ =	sdelay $0x1  }
0x19a: {  	v4 =	vadd.s32 v2, v4;
	_ =	sdelay $0x1  }
0x19b: {  	s14 =	simm.s32 $0x3000  }
0x19c: {  	[tilespmem:s14], [sflag:$0x1] =	stream.indirect_vreg.gather [hbm4b:s4+s2], $0x80, v5, vm0, $0xb8;
	[tilespmem:$0x11080] =	vst v63  }
0x19d: {  	s16 =	simm.s32 $0x3800  }
0x19e: {  	[tilespmem:s16], [sflag:$0x1] =	stream.indirect_vreg.gather [hbm4b:s4+s2], $0x80, v4, vm0, $0xb8;
	[tilespmem:$0x11080] =	vst v63  }
0x19f: {  	v4 =	vld [tilespmem:$0x130];
	_ =	sdelay $0x4  }
0x1a0: {  	v5 =	vshll.u32 v4, $0x1  }
0x1a1: {  	v4 =	vand.u32 $0x7, v4;
	v5 =	vand.u32 $0xFFFFFFF0, v5  }
0x1a2: {  	v4 =	vor.u32 v4, v5  }
0x1a3: {  	v5 =	vperm.xlane v4, v1;
	_ =	sdelay $0x1  }
0x1a4: {  	v4 =	vperm.xlane v4, v3;
	v5 =	vadd.s32 v2, v5;
	_ =	sdelay $0x1  }
0x1a5: {  	v4 =	vadd.s32 v2, v4;
	_ =	sdelay $0x1  }
0x1a6: {  	s8 =	simm.s32 $0x4000  }
0x1a7: {  	[tilespmem:s8], [sflag:$0x1] =	stream.indirect_vreg.gather [hbm4b:s4+s2], $0x80, v5, vm0, $0xb8;
	[tilespmem:$0x11080] =	vst v63  }
0x1a8: {  	s6 =	simm.s32 $0x4800  }
0x1a9: {  	[tilespmem:s6], [sflag:$0x1] =	stream.indirect_vreg.gather [hbm4b:s4+s2], $0x80, v4, vm0, $0xb8;
	[tilespmem:$0x11080] =	vst v63  }
0x1aa: {  	v4 =	vld [tilespmem:$0x140];
	_ =	sdelay $0x4  }
0x1ab: {  	v5 =	vshll.u32 v4, $0x1  }
0x1ac: {  	v4 =	vand.u32 $0x7, v4;
	v5 =	vand.u32 $0xFFFFFFF0, v5  }
0x1ad: {  	v4 =	vor.u32 v4, v5  }
0x1ae: {  	v5 =	vperm.xlane v4, v1;
	_ =	sdelay $0x1  }
0x1af: {  	v4 =	vperm.xlane v4, v3;
	v5 =	vadd.s32 v2, v5;
	_ =	sdelay $0x1  }
0x1b0: {  	v4 =	vadd.s32 v2, v4;
	_ =	sdelay $0x2  }
0x1b1: {  	[tilespmem:s22], [sflag:$0x1] =	stream.indirect_vreg.gather [hbm4b:s4+s2], $0x80, v5, vm0, $0xb8;
	[tilespmem:$0x11080] =	vst v63  }
0x1b2: {  	_ = 	snop  }
0x1b3: {  	[tilespmem:s25], [sflag:$0x1] =	stream.indirect_vreg.gather [hbm4b:s4+s2], $0x80, v4, vm0, $0xb8;
	[tilespmem:$0x11080] =	vst v63  }
0x1b4: {  	v4 =	vld [tilespmem:$0x150];
	_ =	sdelay $0x4  }
0x1b5: {  	v5 =	vshll.u32 v4, $0x1  }
0x1b6: {  	v4 =	vand.u32 $0x7, v4;
	v5 =	vand.u32 $0xFFFFFFF0, v5  }
0x1b7: {  	v4 =	vor.u32 v4, v5  }
0x1b8: {  	v5 =	vperm.xlane v4, v1;
	_ =	sdelay $0x1  }
0x1b9: {  	v4 =	vperm.xlane v4, v3;
	v5 =	vadd.s32 v2, v5;
	_ =	sdelay $0x1  }
0x1ba: {  	v4 =	vadd.s32 v2, v4;
	_ =	sdelay $0x2  }
0x1bb: {  	[tilespmem:s24], [sflag:$0x1] =	stream.indirect_vreg.gather [hbm4b:s4+s2], $0x80, v5, vm0, $0xb8;
	[tilespmem:$0x11080] =	vst v63  }
0x1bc: {  	_ = 	snop  }
0x1bd: {  	[tilespmem:s28], [sflag:$0x1] =	stream.indirect_vreg.gather [hbm4b:s4+s2], $0x80, v4, vm0, $0xb8;
	[tilespmem:$0x11080] =	vst v63  }
0x1be: {  	v4 =	vld [tilespmem:$0x160];
	_ =	sdelay $0x4  }
0x1bf: {  	v5 =	vshll.u32 v4, $0x1  }
0x1c0: {  	v4 =	vand.u32 $0x7, v4;
	v5 =	vand.u32 $0xFFFFFFF0, v5  }
0x1c1: {  	v4 =	vor.u32 v4, v5  }
0x1c2: {  	v5 =	vperm.xlane v4, v1;
	_ =	sdelay $0x1  }
0x1c3: {  	v4 =	vperm.xlane v4, v3;
	v5 =	vadd.s32 v2, v5;
	_ =	sdelay $0x1  }
0x1c4: {  	v4 =	vadd.s32 v2, v4;
	_ =	sdelay $0x2  }
0x1c5: {  	[tilespmem:s29], [sflag:$0x1] =	stream.indirect_vreg.gather [hbm4b:s4+s2], $0x80, v5, vm0, $0xb8;
	[tilespmem:$0x11080] =	vst v63  }
0x1c6: {  	_ = 	snop  }
0x1c7: {  	[tilespmem:s30], [sflag:$0x1] =	stream.indirect_vreg.gather [hbm4b:s4+s2], $0x80, v4, vm0, $0xb8;
	[tilespmem:$0x11080] =	vst v63  }
0x1c8: {  	v4 =	vld [tilespmem:$0x170];
	_ =	sdelay $0x4  }
0x1c9: {  	v5 =	vshll.u32 v4, $0x1  }
0x1ca: {  	v4 =	vand.u32 $0x7, v4;
	v5 =	vand.u32 $0xFFFFFFF0, v5  }
0x1cb: {  	v4 =	vor.u32 v4, v5  }
0x1cc: {  	v5 =	vperm.xlane v4, v1;
	_ =	sdelay $0x1  }
0x1cd: {  	v4 =	vperm.xlane v4, v3;
	v5 =	vadd.s32 v2, v5;
	_ =	sdelay $0x1  }
0x1ce: {  	v4 =	vadd.s32 v2, v4;
	_ =	sdelay $0x2  }
0x1cf: {  	[tilespmem:s31], [sflag:$0x1] =	stream.indirect_vreg.gather [hbm4b:s4+s2], $0x80, v5, vm0, $0xb8;
	[tilespmem:$0x11080] =	vst v63  }
0x1d0: {  	s7 =	simm.s32 $0x8800  }
0x1d1: {  	[tilespmem:s7], [sflag:$0x1] =	stream.indirect_vreg.gather [hbm4b:s4+s2], $0x80, v4, vm0, $0xb8;
	[tilespmem:$0x11080] =	vst v63  }
0x1d2: {  	_ =	swait.ge [sflag:s26], $0x8000  }
0x1d3: {  	[sflag:s26] =	ssyncset.done $0x0  }
0x1d4: {  	[sflag:s26] =	ssyncadd.s32 $0xFFFF8000  }
0x1d5: {  	v4 =	vld [tilespmem:$0x900];
	_ =	sdelay $0x4  }
0x1d6: {  	v5 =	vshll.u32 v4, $0x1  }
0x1d7: {  	v4 =	vand.u32 $0x7, v4;
	v5 =	vand.u32 $0xFFFFFFF0, v5  }
0x1d8: {  	v4 =	vor.u32 v4, v5  }
0x1d9: {  	v5 =	vperm.xlane v4, v1;
	_ =	sdelay $0x1  }
0x1da: {  	v4 =	vperm.xlane v4, v3;
	v5 =	vadd.s32 v2, v5;
	_ =	sdelay $0x1  }
0x1db: {  	v4 =	vadd.s32 v2, v4;
	_ =	sdelay $0x2  }
0x1dc: {  	[hbm4b:s3+s2] =	stream.indirect_vreg.scatter [tilespmem:s23], [sflag:$0x2], $0x80, v5, vm0, $0xb8;
	[tilespmem:$0x11080] =	vst v63  }
0x1dd: {  	_ = 	snop  }
0x1de: {  	[hbm4b:s3+s2] =	stream.indirect_vreg.scatter [tilespmem:s17], [sflag:$0x2], $0x80, v4, vm0, $0xb8;
	[tilespmem:$0x11080] =	vst v63  }
0x1df: {  	v4 =	vld [tilespmem:$0x910];
	_ =	sdelay $0x4  }
0x1e0: {  	v5 =	vshll.u32 v4, $0x1  }
0x1e1: {  	v4 =	vand.u32 $0x7, v4;
	v5 =	vand.u32 $0xFFFFFFF0, v5  }
0x1e2: {  	v4 =	vor.u32 v4, v5  }
0x1e3: {  	v5 =	vperm.xlane v4, v1;
	_ =	sdelay $0x1  }
0x1e4: {  	v4 =	vperm.xlane v4, v3;
	v5 =	vadd.s32 v2, v5;
	_ =	sdelay $0x1  }
0x1e5: {  	v4 =	vadd.s32 v2, v4;
	_ =	sdelay $0x2  }
0x1e6: {  	[hbm4b:s3+s2] =	stream.indirect_vreg.scatter [tilespmem:s0], [sflag:$0x2], $0x80, v5, vm0, $0xb8;
	[tilespmem:$0x11080] =	vst v63  }
0x1e7: {  	_ = 	snop  }
0x1e8: {  	[hbm4b:s3+s2] =	stream.indirect_vreg.scatter [tilespmem:s15], [sflag:$0x2], $0x80, v4, vm0, $0xb8;
	[tilespmem:$0x11080] =	vst v63  }
0x1e9: {  	v4 =	vld [tilespmem:$0x920];
	_ =	sdelay $0x4  }
0x1ea: {  	v5 =	vshll.u32 v4, $0x1  }
0x1eb: {  	v4 =	vand.u32 $0x7, v4;
	v5 =	vand.u32 $0xFFFFFFF0, v5  }
0x1ec: {  	v4 =	vor.u32 v4, v5  }
0x1ed: {  	v5 =	vperm.xlane v4, v1;
	_ =	sdelay $0x1  }
0x1ee: {  	v4 =	vperm.xlane v4, v3;
	v5 =	vadd.s32 v2, v5;
	_ =	sdelay $0x1  }
0x1ef: {  	v4 =	vadd.s32 v2, v4;
	_ =	sdelay $0x2  }
0x1f0: {  	[hbm4b:s3+s2] =	stream.indirect_vreg.scatter [tilespmem:s14], [sflag:$0x2], $0x80, v5, vm0, $0xb8;
	[tilespmem:$0x11080] =	vst v63  }
0x1f1: {  	_ = 	snop  }
0x1f2: {  	[hbm4b:s3+s2] =	stream.indirect_vreg.scatter [tilespmem:s16], [sflag:$0x2], $0x80, v4, vm0, $0xb8;
	[tilespmem:$0x11080] =	vst v63  }
0x1f3: {  	v4 =	vld [tilespmem:$0x930];
	_ =	sdelay $0x4  }
0x1f4: {  	v5 =	vshll.u32 v4, $0x1  }
0x1f5: {  	v4 =	vand.u32 $0x7, v4;
	v5 =	vand.u32 $0xFFFFFFF0, v5  }
0x1f6: {  	v4 =	vor.u32 v4, v5  }
0x1f7: {  	v5 =	vperm.xlane v4, v1;
	_ =	sdelay $0x1  }
0x1f8: {  	v4 =	vperm.xlane v4, v3;
	v5 =	vadd.s32 v2, v5;
	_ =	sdelay $0x1  }
0x1f9: {  	v4 =	vadd.s32 v2, v4;
	_ =	sdelay $0x2  }
0x1fa: {  	[hbm4b:s3+s2] =	stream.indirect_vreg.scatter [tilespmem:s8], [sflag:$0x2], $0x80, v5, vm0, $0xb8;
	[tilespmem:$0x11080] =	vst v63  }
0x1fb: {  	_ = 	snop  }
0x1fc: {  	[hbm4b:s3+s2] =	stream.indirect_vreg.scatter [tilespmem:s6], [sflag:$0x2], $0x80, v4, vm0, $0xb8;
	[tilespmem:$0x11080] =	vst v63  }
0x1fd: {  	v4 =	vld [tilespmem:$0x940];
	_ =	sdelay $0x4  }
0x1fe: {  	v5 =	vshll.u32 v4, $0x1  }
0x1ff: {  	v4 =	vand.u32 $0x7, v4;
	v5 =	vand.u32 $0xFFFFFFF0, v5  }
0x200: {  	v4 =	vor.u32 v4, v5  }
0x201: {  	v5 =	vperm.xlane v4, v1;
	_ =	sdelay $0x1  }
0x202: {  	v4 =	vperm.xlane v4, v3;
	v5 =	vadd.s32 v2, v5;
	_ =	sdelay $0x1  }
0x203: {  	v4 =	vadd.s32 v2, v4;
	_ =	sdelay $0x2  }
0x204: {  	[hbm4b:s3+s2] =	stream.indirect_vreg.scatter [tilespmem:s22], [sflag:$0x2], $0x80, v5, vm0, $0xb8;
	[tilespmem:$0x11080] =	vst v63  }
0x205: {  	_ = 	snop  }
0x206: {  	[hbm4b:s3+s2] =	stream.indirect_vreg.scatter [tilespmem:s25], [sflag:$0x2], $0x80, v4, vm0, $0xb8;
	[tilespmem:$0x11080] =	vst v63  }
0x207: {  	v4 =	vld [tilespmem:$0x950];
	_ =	sdelay $0x4  }
0x208: {  	v5 =	vshll.u32 v4, $0x1  }
0x209: {  	v4 =	vand.u32 $0x7, v4;
	v5 =	vand.u32 $0xFFFFFFF0, v5  }
0x20a: {  	v4 =	vor.u32 v4, v5  }
0x20b: {  	v5 =	vperm.xlane v4, v1;
	_ =	sdelay $0x1  }
0x20c: {  	v4 =	vperm.xlane v4, v3;
	v5 =	vadd.s32 v2, v5;
	_ =	sdelay $0x1  }
0x20d: {  	v4 =	vadd.s32 v2, v4;
	_ =	sdelay $0x2  }
0x20e: {  	[hbm4b:s3+s2] =	stream.indirect_vreg.scatter [tilespmem:s24], [sflag:$0x2], $0x80, v5, vm0, $0xb8;
	[tilespmem:$0x11080] =	vst v63  }
0x20f: {  	_ = 	snop  }
0x210: {  	[hbm4b:s3+s2] =	stream.indirect_vreg.scatter [tilespmem:s28], [sflag:$0x2], $0x80, v4, vm0, $0xb8;
	[tilespmem:$0x11080] =	vst v63  }
0x211: {  	v4 =	vld [tilespmem:$0x960];
	_ =	sdelay $0x4  }
0x212: {  	v5 =	vshll.u32 v4, $0x1  }
0x213: {  	v4 =	vand.u32 $0x7, v4;
	v5 =	vand.u32 $0xFFFFFFF0, v5  }
0x214: {  	v4 =	vor.u32 v4, v5  }
0x215: {  	v5 =	vperm.xlane v4, v1;
	_ =	sdelay $0x1  }
0x216: {  	v4 =	vperm.xlane v4, v3;
	v5 =	vadd.s32 v2, v5;
	_ =	sdelay $0x1  }
0x217: {  	v4 =	vadd.s32 v2, v4;
	_ =	sdelay $0x2  }
0x218: {  	[hbm4b:s3+s2] =	stream.indirect_vreg.scatter [tilespmem:s29], [sflag:$0x2], $0x80, v5, vm0, $0xb8;
	[tilespmem:$0x11080] =	vst v63  }
0x219: {  	_ = 	snop  }
0x21a: {  	[hbm4b:s3+s2] =	stream.indirect_vreg.scatter [tilespmem:s30], [sflag:$0x2], $0x80, v4, vm0, $0xb8;
	[tilespmem:$0x11080] =	vst v63  }
0x21b: {  	v4 =	vld [tilespmem:$0x970];
	_ =	sdelay $0x4  }
0x21c: {  	v5 =	vshll.u32 v4, $0x1  }
0x21d: {  	v4 =	vand.u32 $0x7, v4;
	v5 =	vand.u32 $0xFFFFFFF0, v5  }
0x21e: {  	v4 =	vor.u32 v4, v5  }
0x21f: {  	v5 =	vperm.xlane v4, v1;
	_ =	sdelay $0x1  }
0x220: {  	v4 =	vperm.xlane v4, v3;
	v5 =	vadd.s32 v2, v5;
	_ =	sdelay $0x1  }
0x221: {  	v4 =	vadd.s32 v2, v4;
	_ =	sdelay $0x2  }
0x222: {  	[hbm4b:s3+s2] =	stream.indirect_vreg.scatter [tilespmem:s31], [sflag:$0x2], $0x80, v5, vm0, $0xb8;
	[tilespmem:$0x11080] =	vst v63  }
0x223: {  	_ = 	snop  }
0x224: {  	[hbm4b:s3+s2] =	stream.indirect_vreg.scatter [tilespmem:s7], [sflag:$0x2], $0x80, v4, vm0, $0xb8;
	[tilespmem:$0x11080] =	vst v63  }
0x225: {  	_ =	swait.ge [sflag:s13], $0x8000  }
0x226: {  	[sflag:s13] =	ssyncset.done $0x0  }
0x227: {  	[sflag:s13] =	ssyncadd.s32 $0xFFFF8000  }
0x228: {  	v4 =	vld [tilespmem:$0x180];
	_ =	sdelay $0x4  }
0x229: {  	v5 =	vshll.u32 v4, $0x1  }
0x22a: {  	v4 =	vand.u32 $0x7, v4;
	v5 =	vand.u32 $0xFFFFFFF0, v5  }
0x22b: {  	v4 =	vor.u32 v4, v5  }
0x22c: {  	v5 =	vperm.xlane v4, v1;
	_ =	sdelay $0x1  }
0x22d: {  	v4 =	vperm.xlane v4, v3;
	v5 =	vadd.s32 v2, v5;
	_ =	sdelay $0x1  }
0x22e: {  	v4 =	vadd.s32 v2, v4;
	_ =	sdelay $0x1  }
0x22f: {  	s24 =	simm.s32 $0x9000  }
0x230: {  	[tilespmem:s24], [sflag:$0x1] =	stream.indirect_vreg.gather [hbm4b:s4+s2], $0x80, v5, vm0, $0xb8;
	[tilespmem:$0x11080] =	vst v63  }
0x231: {  	s1 =	simm.s32 $0x9800  }
0x232: {  	[tilespmem:s1], [sflag:$0x1] =	stream.indirect_vreg.gather [hbm4b:s4+s2], $0x80, v4, vm0, $0xb8;
	[tilespmem:$0x11080] =	vst v63  }
0x233: {  	v4 =	vld [tilespmem:$0x190];
	_ =	sdelay $0x4  }
0x234: {  	v5 =	vshll.u32 v4, $0x1  }
0x235: {  	v4 =	vand.u32 $0x7, v4;
	v5 =	vand.u32 $0xFFFFFFF0, v5  }
0x236: {  	v4 =	vor.u32 v4, v5  }
0x237: {  	v5 =	vperm.xlane v4, v1;
	_ =	sdelay $0x1  }
0x238: {  	v4 =	vperm.xlane v4, v3;
	v5 =	vadd.s32 v2, v5;
	_ =	sdelay $0x1  }
0x239: {  	v4 =	vadd.s32 v2, v4;
	_ =	sdelay $0x1  }
0x23a: {  	s25 =	simm.s32 $0xA000  }
0x23b: {  	[tilespmem:s25], [sflag:$0x1] =	stream.indirect_vreg.gather [hbm4b:s4+s2], $0x80, v5, vm0, $0xb8;
	[tilespmem:$0x11080] =	vst v63  }
0x23c: {  	s18 =	simm.s32 $0xA800  }
0x23d: {  	[tilespmem:s18], [sflag:$0x1] =	stream.indirect_vreg.gather [hbm4b:s4+s2], $0x80, v4, vm0, $0xb8;
	[tilespmem:$0x11080] =	vst v63  }
0x23e: {  	v4 =	vld [tilespmem:$0x1A0];
	_ =	sdelay $0x4  }
0x23f: {  	v5 =	vshll.u32 v4, $0x1  }
0x240: {  	v4 =	vand.u32 $0x7, v4;
	v5 =	vand.u32 $0xFFFFFFF0, v5  }
0x241: {  	v4 =	vor.u32 v4, v5  }
0x242: {  	v5 =	vperm.xlane v4, v1;
	_ =	sdelay $0x1  }
0x243: {  	v4 =	vperm.xlane v4, v3;
	v5 =	vadd.s32 v2, v5;
	_ =	sdelay $0x1  }
0x244: {  	v4 =	vadd.s32 v2, v4;
	_ =	sdelay $0x1  }
0x245: {  	s9 =	simm.s32 $0xB000  }
0x246: {  	[tilespmem:s9], [sflag:$0x1] =	stream.indirect_vreg.gather [hbm4b:s4+s2], $0x80, v5, vm0, $0xb8;
	[tilespmem:$0x11080] =	vst v63  }
0x247: {  	s19 =	simm.s32 $0xB800  }
0x248: {  	[tilespmem:s19], [sflag:$0x1] =	stream.indirect_vreg.gather [hbm4b:s4+s2], $0x80, v4, vm0, $0xb8;
	[tilespmem:$0x11080] =	vst v63  }
0x249: {  	v4 =	vld [tilespmem:$0x1B0];
	_ =	sdelay $0x4  }
0x24a: {  	v5 =	vshll.u32 v4, $0x1  }
0x24b: {  	v4 =	vand.u32 $0x7, v4;
	v5 =	vand.u32 $0xFFFFFFF0, v5  }
0x24c: {  	v4 =	vor.u32 v4, v5  }
0x24d: {  	v5 =	vperm.xlane v4, v1;
	_ =	sdelay $0x1  }
0x24e: {  	v4 =	vperm.xlane v4, v3;
	v5 =	vadd.s32 v2, v5;
	_ =	sdelay $0x1  }
0x24f: {  	v4 =	vadd.s32 v2, v4;
	_ =	sdelay $0x1  }
0x250: {  	s10 =	simm.s32 $0xC000  }
0x251: {  	[tilespmem:s10], [sflag:$0x1] =	stream.indirect_vreg.gather [hbm4b:s4+s2], $0x80, v5, vm0, $0xb8;
	[tilespmem:$0x11080] =	vst v63  }
0x252: {  	s21 =	simm.s32 $0xC800  }
0x253: {  	[tilespmem:s21], [sflag:$0x1] =	stream.indirect_vreg.gather [hbm4b:s4+s2], $0x80, v4, vm0, $0xb8;
	[tilespmem:$0x11080] =	vst v63  }
0x254: {  	v4 =	vld [tilespmem:$0x1C0];
	_ =	sdelay $0x4  }
0x255: {  	v5 =	vshll.u32 v4, $0x1  }
0x256: {  	v4 =	vand.u32 $0x7, v4;
	v5 =	vand.u32 $0xFFFFFFF0, v5  }
0x257: {  	v4 =	vor.u32 v4, v5  }
0x258: {  	v5 =	vperm.xlane v4, v1;
	_ =	sdelay $0x1  }
0x259: {  	v4 =	vperm.xlane v4, v3;
	v5 =	vadd.s32 v2, v5;
	_ =	sdelay $0x1  }
0x25a: {  	v4 =	vadd.s32 v2, v4;
	_ =	sdelay $0x1  }
0x25b: {  	s20 =	simm.s32 $0xD000  }
0x25c: {  	[tilespmem:s20], [sflag:$0x1] =	stream.indirect_vreg.gather [hbm4b:s4+s2], $0x80, v5, vm0, $0xb8;
	[tilespmem:$0x11080] =	vst v63  }
0x25d: {  	s11 =	simm.s32 $0xD800  }
0x25e: {  	[tilespmem:s11], [sflag:$0x1] =	stream.indirect_vreg.gather [hbm4b:s4+s2], $0x80, v4, vm0, $0xb8;
	[tilespmem:$0x11080] =	vst v63  }
0x25f: {  	v4 =	vld [tilespmem:$0x1D0];
	_ =	sdelay $0x4  }
0x260: {  	v5 =	vshll.u32 v4, $0x1  }
0x261: {  	v4 =	vand.u32 $0x7, v4;
	v5 =	vand.u32 $0xFFFFFFF0, v5  }
0x262: {  	v4 =	vor.u32 v4, v5  }
0x263: {  	v5 =	vperm.xlane v4, v1;
	_ =	sdelay $0x1  }
0x264: {  	v4 =	vperm.xlane v4, v3;
	v5 =	vadd.s32 v2, v5;
	_ =	sdelay $0x1  }
0x265: {  	v4 =	vadd.s32 v2, v4;
	_ =	sdelay $0x1  }
0x266: {  	s28 =	simm.s32 $0xE000  }
0x267: {  	[tilespmem:s28], [sflag:$0x1] =	stream.indirect_vreg.gather [hbm4b:s4+s2], $0x80, v5, vm0, $0xb8;
	[tilespmem:$0x11080] =	vst v63  }
0x268: {  	s5 =	simm.s32 $0xE800  }
0x269: {  	[tilespmem:s5], [sflag:$0x1] =	stream.indirect_vreg.gather [hbm4b:s4+s2], $0x80, v4, vm0, $0xb8;
	[tilespmem:$0x11080] =	vst v63  }
0x26a: {  	v4 =	vld [tilespmem:$0x1E0];
	_ =	sdelay $0x4  }
0x26b: {  	v5 =	vshll.u32 v4, $0x1  }
0x26c: {  	v4 =	vand.u32 $0x7, v4;
	v5 =	vand.u32 $0xFFFFFFF0, v5  }
0x26d: {  	v4 =	vor.u32 v4, v5  }
0x26e: {  	v5 =	vperm.xlane v4, v1;
	_ =	sdelay $0x1  }
0x26f: {  	v4 =	vperm.xlane v4, v3;
	v5 =	vadd.s32 v2, v5;
	_ =	sdelay $0x1  }
0x270: {  	v4 =	vadd.s32 v2, v4;
	_ =	sdelay $0x1  }
0x271: {  	s29 =	simm.s32 $0xF000  }
0x272: {  	[tilespmem:s29], [sflag:$0x1] =	stream.indirect_vreg.gather [hbm4b:s4+s2], $0x80, v5, vm0, $0xb8;
	[tilespmem:$0x11080] =	vst v63  }
0x273: {  	s12 =	simm.s32 $0xF800  }
0x274: {  	[tilespmem:s12], [sflag:$0x1] =	stream.indirect_vreg.gather [hbm4b:s4+s2], $0x80, v4, vm0, $0xb8;
	[tilespmem:$0x11080] =	vst v63  }
0x275: {  	v4 =	vld [tilespmem:$0x1F0];
	_ =	sdelay $0x4  }
0x276: {  	v5 =	vshll.u32 v4, $0x1  }
0x277: {  	v4 =	vand.u32 $0x7, v4;
	v5 =	vand.u32 $0xFFFFFFF0, v5  }
0x278: {  	v4 =	vor.u32 v4, v5  }
0x279: {  	v5 =	vperm.xlane v4, v1;
	_ =	sdelay $0x1  }
0x27a: {  	v4 =	vperm.xlane v4, v3;
	v5 =	vadd.s32 v2, v5;
	_ =	sdelay $0x1  }
0x27b: {  	v4 =	vadd.s32 v2, v4;
	_ =	sdelay $0x1  }
0x27c: {  	s30 =	simm.s32 $0x10000  }
0x27d: {  	[tilespmem:s30], [sflag:$0x1] =	stream.indirect_vreg.gather [hbm4b:s4+s2], $0x80, v5, vm0, $0xb8;
	[tilespmem:$0x11080] =	vst v63  }
0x27e: {  	s31 =	simm.s32 $0x10800  }
0x27f: {  	[tilespmem:s31], [sflag:$0x1] =	stream.indirect_vreg.gather [hbm4b:s4+s2], $0x80, v4, vm0, $0xb8;
	[tilespmem:$0x11080] =	vst v63  }
0x280: {  	_ =	swait.ge [sflag:s26], $0x8000  }
0x281: {  	[sflag:s26] =	ssyncset.done $0x0  }
0x282: {  	[sflag:s26] =	ssyncadd.s32 $0xFFFF8000  }
0x283: {  	v4 =	vld [tilespmem:$0x980];
	_ =	sdelay $0x4  }
0x284: {  	v5 =	vshll.u32 v4, $0x1  }
0x285: {  	v4 =	vand.u32 $0x7, v4;
	v5 =	vand.u32 $0xFFFFFFF0, v5  }
0x286: {  	v4 =	vor.u32 v4, v5  }
0x287: {  	v5 =	vperm.xlane v4, v1;
	_ =	sdelay $0x1  }
0x288: {  	v4 =	vperm.xlane v4, v3;
	v5 =	vadd.s32 v2, v5;
	_ =	sdelay $0x1  }
0x289: {  	v4 =	vadd.s32 v2, v4;
	_ =	sdelay $0x2  }
0x28a: {  	[hbm4b:s3+s2] =	stream.indirect_vreg.scatter [tilespmem:s24], [sflag:$0x2], $0x80, v5, vm0, $0xb8;
	[tilespmem:$0x11080] =	vst v63  }
0x28b: {  	_ = 	snop  }
0x28c: {  	[hbm4b:s3+s2] =	stream.indirect_vreg.scatter [tilespmem:s1], [sflag:$0x2], $0x80, v4, vm0, $0xb8;
	[tilespmem:$0x11080] =	vst v63  }
0x28d: {  	v4 =	vld [tilespmem:$0x990];
	_ =	sdelay $0x4  }
0x28e: {  	v5 =	vshll.u32 v4, $0x1  }
0x28f: {  	v4 =	vand.u32 $0x7, v4;
	v5 =	vand.u32 $0xFFFFFFF0, v5  }
0x290: {  	v4 =	vor.u32 v4, v5  }
0x291: {  	v5 =	vperm.xlane v4, v1;
	_ =	sdelay $0x1  }
0x292: {  	v4 =	vperm.xlane v4, v3;
	v5 =	vadd.s32 v2, v5;
	_ =	sdelay $0x1  }
0x293: {  	v4 =	vadd.s32 v2, v4;
	_ =	sdelay $0x2  }
0x294: {  	[hbm4b:s3+s2] =	stream.indirect_vreg.scatter [tilespmem:s25], [sflag:$0x2], $0x80, v5, vm0, $0xb8;
	[tilespmem:$0x11080] =	vst v63  }
0x295: {  	_ = 	snop  }
0x296: {  	[hbm4b:s3+s2] =	stream.indirect_vreg.scatter [tilespmem:s18], [sflag:$0x2], $0x80, v4, vm0, $0xb8;
	[tilespmem:$0x11080] =	vst v63  }
0x297: {  	v4 =	vld [tilespmem:$0x9A0];
	_ =	sdelay $0x4  }
0x298: {  	v5 =	vshll.u32 v4, $0x1  }
0x299: {  	v4 =	vand.u32 $0x7, v4;
	v5 =	vand.u32 $0xFFFFFFF0, v5  }
0x29a: {  	v4 =	vor.u32 v4, v5  }
0x29b: {  	v5 =	vperm.xlane v4, v1;
	_ =	sdelay $0x1  }
0x29c: {  	v4 =	vperm.xlane v4, v3;
	v5 =	vadd.s32 v2, v5;
	_ =	sdelay $0x1  }
0x29d: {  	v4 =	vadd.s32 v2, v4;
	_ =	sdelay $0x2  }
0x29e: {  	[hbm4b:s3+s2] =	stream.indirect_vreg.scatter [tilespmem:s9], [sflag:$0x2], $0x80, v5, vm0, $0xb8;
	[tilespmem:$0x11080] =	vst v63  }
0x29f: {  	_ = 	snop  }
0x2a0: {  	[hbm4b:s3+s2] =	stream.indirect_vreg.scatter [tilespmem:s19], [sflag:$0x2], $0x80, v4, vm0, $0xb8;
	[tilespmem:$0x11080] =	vst v63  }
0x2a1: {  	v4 =	vld [tilespmem:$0x9B0];
	_ =	sdelay $0x4  }
0x2a2: {  	v5 =	vshll.u32 v4, $0x1  }
0x2a3: {  	v4 =	vand.u32 $0x7, v4;
	v5 =	vand.u32 $0xFFFFFFF0, v5  }
0x2a4: {  	v4 =	vor.u32 v4, v5  }
0x2a5: {  	v5 =	vperm.xlane v4, v1;
	_ =	sdelay $0x1  }
0x2a6: {  	v4 =	vperm.xlane v4, v3;
	v5 =	vadd.s32 v2, v5;
	_ =	sdelay $0x1  }
0x2a7: {  	v4 =	vadd.s32 v2, v4;
	_ =	sdelay $0x2  }
0x2a8: {  	[hbm4b:s3+s2] =	stream.indirect_vreg.scatter [tilespmem:s10], [sflag:$0x2], $0x80, v5, vm0, $0xb8;
	[tilespmem:$0x11080] =	vst v63  }
0x2a9: {  	_ = 	snop  }
0x2aa: {  	[hbm4b:s3+s2] =	stream.indirect_vreg.scatter [tilespmem:s21], [sflag:$0x2], $0x80, v4, vm0, $0xb8;
	[tilespmem:$0x11080] =	vst v63  }
0x2ab: {  	v4 =	vld [tilespmem:$0x9C0];
	_ =	sdelay $0x4  }
0x2ac: {  	v5 =	vshll.u32 v4, $0x1  }
0x2ad: {  	v4 =	vand.u32 $0x7, v4;
	v5 =	vand.u32 $0xFFFFFFF0, v5  }
0x2ae: {  	v4 =	vor.u32 v4, v5  }
0x2af: {  	v5 =	vperm.xlane v4, v1;
	_ =	sdelay $0x1  }
0x2b0: {  	v4 =	vperm.xlane v4, v3;
	v5 =	vadd.s32 v2, v5;
	_ =	sdelay $0x1  }
0x2b1: {  	v4 =	vadd.s32 v2, v4;
	_ =	sdelay $0x2  }
0x2b2: {  	[hbm4b:s3+s2] =	stream.indirect_vreg.scatter [tilespmem:s20], [sflag:$0x2], $0x80, v5, vm0, $0xb8;
	[tilespmem:$0x11080] =	vst v63  }
0x2b3: {  	_ = 	snop  }
0x2b4: {  	[hbm4b:s3+s2] =	stream.indirect_vreg.scatter [tilespmem:s11], [sflag:$0x2], $0x80, v4, vm0, $0xb8;
	[tilespmem:$0x11080] =	vst v63  }
0x2b5: {  	v4 =	vld [tilespmem:$0x9D0];
	_ =	sdelay $0x4  }
0x2b6: {  	v5 =	vshll.u32 v4, $0x1  }
0x2b7: {  	v4 =	vand.u32 $0x7, v4;
	v5 =	vand.u32 $0xFFFFFFF0, v5  }
0x2b8: {  	v4 =	vor.u32 v4, v5  }
0x2b9: {  	v5 =	vperm.xlane v4, v1;
	_ =	sdelay $0x1  }
0x2ba: {  	v4 =	vperm.xlane v4, v3;
	v5 =	vadd.s32 v2, v5;
	_ =	sdelay $0x1  }
0x2bb: {  	v4 =	vadd.s32 v2, v4;
	_ =	sdelay $0x2  }
0x2bc: {  	[hbm4b:s3+s2] =	stream.indirect_vreg.scatter [tilespmem:s28], [sflag:$0x2], $0x80, v5, vm0, $0xb8;
	[tilespmem:$0x11080] =	vst v63  }
0x2bd: {  	_ = 	snop  }
0x2be: {  	[hbm4b:s3+s2] =	stream.indirect_vreg.scatter [tilespmem:s5], [sflag:$0x2], $0x80, v4, vm0, $0xb8;
	[tilespmem:$0x11080] =	vst v63  }
0x2bf: {  	v4 =	vld [tilespmem:$0x9E0];
	_ =	sdelay $0x4  }
0x2c0: {  	v5 =	vshll.u32 v4, $0x1  }
0x2c1: {  	v4 =	vand.u32 $0x7, v4;
	v5 =	vand.u32 $0xFFFFFFF0, v5  }
0x2c2: {  	v4 =	vor.u32 v4, v5  }
0x2c3: {  	v5 =	vperm.xlane v4, v1;
	_ =	sdelay $0x1  }
0x2c4: {  	v4 =	vperm.xlane v4, v3;
	v5 =	vadd.s32 v2, v5;
	_ =	sdelay $0x1  }
0x2c5: {  	v4 =	vadd.s32 v2, v4;
	_ =	sdelay $0x2  }
0x2c6: {  	[hbm4b:s3+s2] =	stream.indirect_vreg.scatter [tilespmem:s29], [sflag:$0x2], $0x80, v5, vm0, $0xb8;
	[tilespmem:$0x11080] =	vst v63  }
0x2c7: {  	_ = 	snop  }
0x2c8: {  	[hbm4b:s3+s2] =	stream.indirect_vreg.scatter [tilespmem:s12], [sflag:$0x2], $0x80, v4, vm0, $0xb8;
	[tilespmem:$0x11080] =	vst v63  }
0x2c9: {  	v4 =	vld [tilespmem:$0x9F0];
	_ =	sdelay $0x4  }
0x2ca: {  	v5 =	vshll.u32 v4, $0x1  }
0x2cb: {  	v4 =	vand.u32 $0x7, v4;
	v5 =	vand.u32 $0xFFFFFFF0, v5  }
0x2cc: {  	v4 =	vor.u32 v4, v5  }
0x2cd: {  	v5 =	vperm.xlane v4, v1;
	_ =	sdelay $0x1  }
0x2ce: {  	v4 =	vperm.xlane v4, v3;
	v5 =	vadd.s32 v2, v5;
	_ =	sdelay $0x1  }
0x2cf: {  	v4 =	vadd.s32 v2, v4;
	_ =	sdelay $0x2  }
0x2d0: {  	[hbm4b:s3+s2] =	stream.indirect_vreg.scatter [tilespmem:s30], [sflag:$0x2], $0x80, v5, vm0, $0xb8;
	[tilespmem:$0x11080] =	vst v63  }
0x2d1: {  	_ = 	snop  }
0x2d2: {  	[hbm4b:s3+s2] =	stream.indirect_vreg.scatter [tilespmem:s31], [sflag:$0x2], $0x80, v4, vm0, $0xb8;
	[tilespmem:$0x11080] =	vst v63  }
0x2d3: {  	_ =	swait.ge [sflag:s13], $0x8000  }
0x2d4: {  	[sflag:s13] =	ssyncset.done $0x0  }
0x2d5: {  	[sflag:s13] =	ssyncadd.s32 $0xFFFF8000  }
0x2d6: {  	v4 =	vld [tilespmem:$0x200];
	_ =	sdelay $0x4  }
0x2d7: {  	v5 =	vshll.u32 v4, $0x1  }
0x2d8: {  	v4 =	vand.u32 $0x7, v4;
	v5 =	vand.u32 $0xFFFFFFF0, v5  }
0x2d9: {  	v4 =	vor.u32 v4, v5  }
0x2da: {  	v5 =	vperm.xlane v4, v1;
	_ =	sdelay $0x1  }
0x2db: {  	v4 =	vperm.xlane v4, v3;
	v5 =	vadd.s32 v2, v5;
	_ =	sdelay $0x1  }
0x2dc: {  	v4 =	vadd.s32 v2, v4;
	_ =	sdelay $0x1  }
0x2dd: {  	s14 =	simm.s32 $0x1000  }
0x2de: {  	[tilespmem:s14], [sflag:$0x1] =	stream.indirect_vreg.gather [hbm4b:s4+s2], $0x80, v5, vm0, $0xb8;
	[tilespmem:$0x11080] =	vst v63  }
0x2df: {  	s16 =	simm.s32 $0x1800  }
0x2e0: {  	[tilespmem:s16], [sflag:$0x1] =	stream.indirect_vreg.gather [hbm4b:s4+s2], $0x80, v4, vm0, $0xb8;
	[tilespmem:$0x11080] =	vst v63  }
0x2e1: {  	v4 =	vld [tilespmem:$0x210];
	_ =	sdelay $0x4  }
0x2e2: {  	v5 =	vshll.u32 v4, $0x1  }
0x2e3: {  	v4 =	vand.u32 $0x7, v4;
	v5 =	vand.u32 $0xFFFFFFF0, v5  }
0x2e4: {  	v4 =	vor.u32 v4, v5  }
0x2e5: {  	v5 =	vperm.xlane v4, v1;
	_ =	sdelay $0x1  }
0x2e6: {  	v4 =	vperm.xlane v4, v3;
	v5 =	vadd.s32 v2, v5;
	_ =	sdelay $0x1  }
0x2e7: {  	v4 =	vadd.s32 v2, v4;
	_ =	sdelay $0x1  }
0x2e8: {  	s0 =	simm.s32 $0x2000  }
0x2e9: {  	[tilespmem:s0], [sflag:$0x1] =	stream.indirect_vreg.gather [hbm4b:s4+s2], $0x80, v5, vm0, $0xb8;
	[tilespmem:$0x11080] =	vst v63  }
0x2ea: {  	s5 =	simm.s32 $0x2800  }
0x2eb: {  	[tilespmem:s5], [sflag:$0x1] =	stream.indirect_vreg.gather [hbm4b:s4+s2], $0x80, v4, vm0, $0xb8;
	[tilespmem:$0x11080] =	vst v63  }
0x2ec: {  	v4 =	vld [tilespmem:$0x220];
	_ =	sdelay $0x4  }
0x2ed: {  	v5 =	vshll.u32 v4, $0x1  }
0x2ee: {  	v4 =	vand.u32 $0x7, v4;
	v5 =	vand.u32 $0xFFFFFFF0, v5  }
0x2ef: {  	v4 =	vor.u32 v4, v5  }
0x2f0: {  	v5 =	vperm.xlane v4, v1;
	_ =	sdelay $0x1  }
0x2f1: {  	v4 =	vperm.xlane v4, v3;
	v5 =	vadd.s32 v2, v5;
	_ =	sdelay $0x1  }
0x2f2: {  	v4 =	vadd.s32 v2, v4;
	_ =	sdelay $0x1  }
0x2f3: {  	s6 =	simm.s32 $0x3000  }
0x2f4: {  	[tilespmem:s6], [sflag:$0x1] =	stream.indirect_vreg.gather [hbm4b:s4+s2], $0x80, v5, vm0, $0xb8;
	[tilespmem:$0x11080] =	vst v63  }
0x2f5: {  	s8 =	simm.s32 $0x3800  }
0x2f6: {  	[tilespmem:s8], [sflag:$0x1] =	stream.indirect_vreg.gather [hbm4b:s4+s2], $0x80, v4, vm0, $0xb8;
	[tilespmem:$0x11080] =	vst v63  }
0x2f7: {  	v4 =	vld [tilespmem:$0x230];
	_ =	sdelay $0x4  }
0x2f8: {  	v5 =	vshll.u32 v4, $0x1  }
0x2f9: {  	v4 =	vand.u32 $0x7, v4;
	v5 =	vand.u32 $0xFFFFFFF0, v5  }
0x2fa: {  	v4 =	vor.u32 v4, v5  }
0x2fb: {  	v5 =	vperm.xlane v4, v1;
	_ =	sdelay $0x1  }
0x2fc: {  	v4 =	vperm.xlane v4, v3;
	v5 =	vadd.s32 v2, v5;
	_ =	sdelay $0x1  }
0x2fd: {  	v4 =	vadd.s32 v2, v4;
	_ =	sdelay $0x1  }
0x2fe: {  	s10 =	simm.s32 $0x4000  }
0x2ff: {  	[tilespmem:s10], [sflag:$0x1] =	stream.indirect_vreg.gather [hbm4b:s4+s2], $0x80, v5, vm0, $0xb8;
	[tilespmem:$0x11080] =	vst v63  }
0x300: {  	s11 =	simm.s32 $0x4800  }
0x301: {  	[tilespmem:s11], [sflag:$0x1] =	stream.indirect_vreg.gather [hbm4b:s4+s2], $0x80, v4, vm0, $0xb8;
	[tilespmem:$0x11080] =	vst v63  }
0x302: {  	v4 =	vld [tilespmem:$0x240];
	_ =	sdelay $0x4  }
0x303: {  	v5 =	vshll.u32 v4, $0x1  }
0x304: {  	v4 =	vand.u32 $0x7, v4;
	v5 =	vand.u32 $0xFFFFFFF0, v5  }
0x305: {  	v4 =	vor.u32 v4, v5  }
0x306: {  	v5 =	vperm.xlane v4, v1;
	_ =	sdelay $0x1  }
0x307: {  	v4 =	vperm.xlane v4, v3;
	v5 =	vadd.s32 v2, v5;
	_ =	sdelay $0x1  }
0x308: {  	v4 =	vadd.s32 v2, v4;
	_ =	sdelay $0x1  }
0x309: {  	s12 =	simm.s32 $0x5000  }
0x30a: {  	[tilespmem:s12], [sflag:$0x1] =	stream.indirect_vreg.gather [hbm4b:s4+s2], $0x80, v5, vm0, $0xb8;
	[tilespmem:$0x11080] =	vst v63  }
0x30b: {  	s15 =	simm.s32 $0x5800  }
0x30c: {  	[tilespmem:s15], [sflag:$0x1] =	stream.indirect_vreg.gather [hbm4b:s4+s2], $0x80, v4, vm0, $0xb8;
	[tilespmem:$0x11080] =	vst v63  }
0x30d: {  	v4 =	vld [tilespmem:$0x250];
	_ =	sdelay $0x4  }
0x30e: {  	v5 =	vshll.u32 v4, $0x1  }
0x30f: {  	v4 =	vand.u32 $0x7, v4;
	v5 =	vand.u32 $0xFFFFFFF0, v5  }
0x310: {  	v4 =	vor.u32 v4, v5  }
0x311: {  	v5 =	vperm.xlane v4, v1;
	_ =	sdelay $0x1  }
0x312: {  	v4 =	vperm.xlane v4, v3;
	v5 =	vadd.s32 v2, v5;
	_ =	sdelay $0x1  }
0x313: {  	v4 =	vadd.s32 v2, v4;
	_ =	sdelay $0x1  }
0x314: {  	s22 =	simm.s32 $0x6000  }
0x315: {  	[tilespmem:s22], [sflag:$0x1] =	stream.indirect_vreg.gather [hbm4b:s4+s2], $0x80, v5, vm0, $0xb8;
	[tilespmem:$0x11080] =	vst v63  }
0x316: {  	s23 =	simm.s32 $0x6800  }
0x317: {  	[tilespmem:s23], [sflag:$0x1] =	stream.indirect_vreg.gather [hbm4b:s4+s2], $0x80, v4, vm0, $0xb8;
	[tilespmem:$0x11080] =	vst v63  }
0x318: {  	v4 =	vld [tilespmem:$0x260];
	_ =	sdelay $0x4  }
0x319: {  	v5 =	vshll.u32 v4, $0x1  }
0x31a: {  	v4 =	vand.u32 $0x7, v4;
	v5 =	vand.u32 $0xFFFFFFF0, v5  }
0x31b: {  	v4 =	vor.u32 v4, v5  }
0x31c: {  	v5 =	vperm.xlane v4, v1;
	_ =	sdelay $0x1  }
0x31d: {  	v4 =	vperm.xlane v4, v3;
	v5 =	vadd.s32 v2, v5;
	_ =	sdelay $0x1  }
0x31e: {  	v4 =	vadd.s32 v2, v4;
	_ =	sdelay $0x1  }
0x31f: {  	s24 =	simm.s32 $0x7000  }
0x320: {  	[tilespmem:s24], [sflag:$0x1] =	stream.indirect_vreg.gather [hbm4b:s4+s2], $0x80, v5, vm0, $0xb8;
	[tilespmem:$0x11080] =	vst v63  }
0x321: {  	s25 =	simm.s32 $0x7800  }
0x322: {  	[tilespmem:s25], [sflag:$0x1] =	stream.indirect_vreg.gather [hbm4b:s4+s2], $0x80, v4, vm0, $0xb8;
	[tilespmem:$0x11080] =	vst v63  }
0x323: {  	v4 =	vld [tilespmem:$0x270];
	_ =	sdelay $0x4  }
0x324: {  	v5 =	vshll.u32 v4, $0x1  }
0x325: {  	v4 =	vand.u32 $0x7, v4;
	v5 =	vand.u32 $0xFFFFFFF0, v5  }
0x326: {  	v4 =	vor.u32 v4, v5  }
0x327: {  	v5 =	vperm.xlane v4, v1;
	_ =	sdelay $0x1  }
0x328: {  	v4 =	vperm.xlane v4, v3;
	v5 =	vadd.s32 v2, v5;
	_ =	sdelay $0x1  }
0x329: {  	v4 =	vadd.s32 v2, v4;
	_ =	sdelay $0x1  }
0x32a: {  	s28 =	simm.s32 $0x8000  }
0x32b: {  	[tilespmem:s28], [sflag:$0x1] =	stream.indirect_vreg.gather [hbm4b:s4+s2], $0x80, v5, vm0, $0xb8;
	[tilespmem:$0x11080] =	vst v63  }
0x32c: {  	s31 =	simm.s32 $0x8800  }
0x32d: {  	[tilespmem:s31], [sflag:$0x1] =	stream.indirect_vreg.gather [hbm4b:s4+s2], $0x80, v4, vm0, $0xb8;
	[tilespmem:$0x11080] =	vst v63  }
0x32e: {  	_ =	swait.ge [sflag:s26], $0x8000  }
0x32f: {  	[sflag:s26] =	ssyncset.done $0x0  }
0x330: {  	[sflag:s26] =	ssyncadd.s32 $0xFFFF8000  }
0x331: {  	v4 =	vld [tilespmem:$0xA00];
	_ =	sdelay $0x4  }
0x332: {  	v5 =	vshll.u32 v4, $0x1  }
0x333: {  	v4 =	vand.u32 $0x7, v4;
	v5 =	vand.u32 $0xFFFFFFF0, v5  }
0x334: {  	v4 =	vor.u32 v4, v5  }
0x335: {  	v5 =	vperm.xlane v4, v1;
	_ =	sdelay $0x1  }
0x336: {  	v4 =	vperm.xlane v4, v3;
	v5 =	vadd.s32 v2, v5;
	_ =	sdelay $0x1  }
0x337: {  	v4 =	vadd.s32 v2, v4;
	_ =	sdelay $0x2  }
0x338: {  	[hbm4b:s3+s2] =	stream.indirect_vreg.scatter [tilespmem:s14], [sflag:$0x2], $0x80, v5, vm0, $0xb8;
	[tilespmem:$0x11080] =	vst v63  }
0x339: {  	_ = 	snop  }
0x33a: {  	[hbm4b:s3+s2] =	stream.indirect_vreg.scatter [tilespmem:s16], [sflag:$0x2], $0x80, v4, vm0, $0xb8;
	[tilespmem:$0x11080] =	vst v63  }
0x33b: {  	v4 =	vld [tilespmem:$0xA10];
	_ =	sdelay $0x4  }
0x33c: {  	v5 =	vshll.u32 v4, $0x1  }
0x33d: {  	v4 =	vand.u32 $0x7, v4;
	v5 =	vand.u32 $0xFFFFFFF0, v5  }
0x33e: {  	v4 =	vor.u32 v4, v5  }
0x33f: {  	v5 =	vperm.xlane v4, v1;
	_ =	sdelay $0x1  }
0x340: {  	v4 =	vperm.xlane v4, v3;
	v5 =	vadd.s32 v2, v5;
	_ =	sdelay $0x1  }
0x341: {  	v4 =	vadd.s32 v2, v4;
	_ =	sdelay $0x2  }
0x342: {  	[hbm4b:s3+s2] =	stream.indirect_vreg.scatter [tilespmem:s0], [sflag:$0x2], $0x80, v5, vm0, $0xb8;
	[tilespmem:$0x11080] =	vst v63  }
0x343: {  	_ = 	snop  }
0x344: {  	[hbm4b:s3+s2] =	stream.indirect_vreg.scatter [tilespmem:s5], [sflag:$0x2], $0x80, v4, vm0, $0xb8;
	[tilespmem:$0x11080] =	vst v63  }
0x345: {  	v4 =	vld [tilespmem:$0xA20];
	_ =	sdelay $0x4  }
0x346: {  	v5 =	vshll.u32 v4, $0x1  }
0x347: {  	v4 =	vand.u32 $0x7, v4;
	v5 =	vand.u32 $0xFFFFFFF0, v5  }
0x348: {  	v4 =	vor.u32 v4, v5  }
0x349: {  	v5 =	vperm.xlane v4, v1;
	_ =	sdelay $0x1  }
0x34a: {  	v4 =	vperm.xlane v4, v3;
	v5 =	vadd.s32 v2, v5;
	_ =	sdelay $0x1  }
0x34b: {  	v4 =	vadd.s32 v2, v4;
	_ =	sdelay $0x2  }
0x34c: {  	[hbm4b:s3+s2] =	stream.indirect_vreg.scatter [tilespmem:s6], [sflag:$0x2], $0x80, v5, vm0, $0xb8;
	[tilespmem:$0x11080] =	vst v63  }
0x34d: {  	_ = 	snop  }
0x34e: {  	[hbm4b:s3+s2] =	stream.indirect_vreg.scatter [tilespmem:s8], [sflag:$0x2], $0x80, v4, vm0, $0xb8;
	[tilespmem:$0x11080] =	vst v63  }
0x34f: {  	v4 =	vld [tilespmem:$0xA30];
	_ =	sdelay $0x4  }
0x350: {  	v5 =	vshll.u32 v4, $0x1  }
0x351: {  	v4 =	vand.u32 $0x7, v4;
	v5 =	vand.u32 $0xFFFFFFF0, v5  }
0x352: {  	v4 =	vor.u32 v4, v5  }
0x353: {  	v5 =	vperm.xlane v4, v1;
	_ =	sdelay $0x1  }
0x354: {  	v4 =	vperm.xlane v4, v3;
	v5 =	vadd.s32 v2, v5;
	_ =	sdelay $0x1  }
0x355: {  	v4 =	vadd.s32 v2, v4;
	_ =	sdelay $0x2  }
0x356: {  	[hbm4b:s3+s2] =	stream.indirect_vreg.scatter [tilespmem:s10], [sflag:$0x2], $0x80, v5, vm0, $0xb8;
	[tilespmem:$0x11080] =	vst v63  }
0x357: {  	_ = 	snop  }
0x358: {  	[hbm4b:s3+s2] =	stream.indirect_vreg.scatter [tilespmem:s11], [sflag:$0x2], $0x80, v4, vm0, $0xb8;
	[tilespmem:$0x11080] =	vst v63  }
0x359: {  	v4 =	vld [tilespmem:$0xA40];
	_ =	sdelay $0x4  }
0x35a: {  	v5 =	vshll.u32 v4, $0x1  }
0x35b: {  	v4 =	vand.u32 $0x7, v4;
	v5 =	vand.u32 $0xFFFFFFF0, v5  }
0x35c: {  	v4 =	vor.u32 v4, v5  }
0x35d: {  	v5 =	vperm.xlane v4, v1;
	_ =	sdelay $0x1  }
0x35e: {  	v4 =	vperm.xlane v4, v3;
	v5 =	vadd.s32 v2, v5;
	_ =	sdelay $0x1  }
0x35f: {  	v4 =	vadd.s32 v2, v4;
	_ =	sdelay $0x2  }
0x360: {  	[hbm4b:s3+s2] =	stream.indirect_vreg.scatter [tilespmem:s12], [sflag:$0x2], $0x80, v5, vm0, $0xb8;
	[tilespmem:$0x11080] =	vst v63  }
0x361: {  	_ = 	snop  }
0x362: {  	[hbm4b:s3+s2] =	stream.indirect_vreg.scatter [tilespmem:s15], [sflag:$0x2], $0x80, v4, vm0, $0xb8;
	[tilespmem:$0x11080] =	vst v63  }
0x363: {  	v4 =	vld [tilespmem:$0xA50];
	_ =	sdelay $0x4  }
0x364: {  	v5 =	vshll.u32 v4, $0x1  }
0x365: {  	v4 =	vand.u32 $0x7, v4;
	v5 =	vand.u32 $0xFFFFFFF0, v5  }
0x366: {  	v4 =	vor.u32 v4, v5  }
0x367: {  	v5 =	vperm.xlane v4, v1;
	_ =	sdelay $0x1  }
0x368: {  	v4 =	vperm.xlane v4, v3;
	v5 =	vadd.s32 v2, v5;
	_ =	sdelay $0x1  }
0x369: {  	v4 =	vadd.s32 v2, v4;
	_ =	sdelay $0x2  }
0x36a: {  	[hbm4b:s3+s2] =	stream.indirect_vreg.scatter [tilespmem:s22], [sflag:$0x2], $0x80, v5, vm0, $0xb8;
	[tilespmem:$0x11080] =	vst v63  }
0x36b: {  	_ = 	snop  }
0x36c: {  	[hbm4b:s3+s2] =	stream.indirect_vreg.scatter [tilespmem:s23], [sflag:$0x2], $0x80, v4, vm0, $0xb8;
	[tilespmem:$0x11080] =	vst v63  }
0x36d: {  	v4 =	vld [tilespmem:$0xA60];
	_ =	sdelay $0x4  }
0x36e: {  	v5 =	vshll.u32 v4, $0x1  }
0x36f: {  	v4 =	vand.u32 $0x7, v4;
	v5 =	vand.u32 $0xFFFFFFF0, v5  }
0x370: {  	v4 =	vor.u32 v4, v5  }
0x371: {  	v5 =	vperm.xlane v4, v1;
	_ =	sdelay $0x1  }
0x372: {  	v4 =	vperm.xlane v4, v3;
	v5 =	vadd.s32 v2, v5;
	_ =	sdelay $0x1  }
0x373: {  	v4 =	vadd.s32 v2, v4;
	_ =	sdelay $0x2  }
0x374: {  	[hbm4b:s3+s2] =	stream.indirect_vreg.scatter [tilespmem:s24], [sflag:$0x2], $0x80, v5, vm0, $0xb8;
	[tilespmem:$0x11080] =	vst v63  }
0x375: {  	_ = 	snop  }
0x376: {  	[hbm4b:s3+s2] =	stream.indirect_vreg.scatter [tilespmem:s25], [sflag:$0x2], $0x80, v4, vm0, $0xb8;
	[tilespmem:$0x11080] =	vst v63  }
0x377: {  	v4 =	vld [tilespmem:$0xA70];
	_ =	sdelay $0x4  }
0x378: {  	v5 =	vshll.u32 v4, $0x1  }
0x379: {  	v4 =	vand.u32 $0x7, v4;
	v5 =	vand.u32 $0xFFFFFFF0, v5  }
0x37a: {  	v4 =	vor.u32 v4, v5  }
0x37b: {  	v5 =	vperm.xlane v4, v1;
	_ =	sdelay $0x1  }
0x37c: {  	v4 =	vperm.xlane v4, v3;
	v5 =	vadd.s32 v2, v5;
	_ =	sdelay $0x1  }
0x37d: {  	v4 =	vadd.s32 v2, v4;
	_ =	sdelay $0x2  }
0x37e: {  	[hbm4b:s3+s2] =	stream.indirect_vreg.scatter [tilespmem:s28], [sflag:$0x2], $0x80, v5, vm0, $0xb8;
	[tilespmem:$0x11080] =	vst v63  }
0x37f: {  	_ = 	snop  }
0x380: {  	[hbm4b:s3+s2] =	stream.indirect_vreg.scatter [tilespmem:s31], [sflag:$0x2], $0x80, v4, vm0, $0xb8;
	[tilespmem:$0x11080] =	vst v63  }
0x381: {  	_ =	swait.ge [sflag:s13], $0x8000  }
0x382: {  	[sflag:s13] =	ssyncset.done $0x0  }
0x383: {  	[sflag:s13] =	ssyncadd.s32 $0xFFFF8000  }
0x384: {  	v4 =	vld [tilespmem:$0x280];
	_ =	sdelay $0x4  }
0x385: {  	v5 =	vshll.u32 v4, $0x1  }
0x386: {  	v4 =	vand.u32 $0x7, v4;
	v5 =	vand.u32 $0xFFFFFFF0, v5  }
0x387: {  	v4 =	vor.u32 v4, v5  }
0x388: {  	v5 =	vperm.xlane v4, v1;
	_ =	sdelay $0x1  }
0x389: {  	v4 =	vperm.xlane v4, v3;
	v5 =	vadd.s32 v2, v5;
	_ =	sdelay $0x1  }
0x38a: {  	v4 =	vadd.s32 v2, v4;
	_ =	sdelay $0x1  }
0x38b: {  	s7 =	simm.s32 $0x9000  }
0x38c: {  	[tilespmem:s7], [sflag:$0x1] =	stream.indirect_vreg.gather [hbm4b:s4+s2], $0x80, v5, vm0, $0xb8;
	[tilespmem:$0x11080] =	vst v63  }
0x38d: {  	s9 =	simm.s32 $0x9800  }
0x38e: {  	[tilespmem:s9], [sflag:$0x1] =	stream.indirect_vreg.gather [hbm4b:s4+s2], $0x80, v4, vm0, $0xb8;
	[tilespmem:$0x11080] =	vst v63  }
0x38f: {  	v4 =	vld [tilespmem:$0x290];
	_ =	sdelay $0x4  }
0x390: {  	v5 =	vshll.u32 v4, $0x1  }
0x391: {  	v4 =	vand.u32 $0x7, v4;
	v5 =	vand.u32 $0xFFFFFFF0, v5  }
0x392: {  	v4 =	vor.u32 v4, v5  }
0x393: {  	v5 =	vperm.xlane v4, v1;
	_ =	sdelay $0x1  }
0x394: {  	v4 =	vperm.xlane v4, v3;
	v5 =	vadd.s32 v2, v5;
	_ =	sdelay $0x1  }
0x395: {  	v4 =	vadd.s32 v2, v4;
	_ =	sdelay $0x1  }
0x396: {  	s10 =	simm.s32 $0xA000  }
0x397: {  	[tilespmem:s10], [sflag:$0x1] =	stream.indirect_vreg.gather [hbm4b:s4+s2], $0x80, v5, vm0, $0xb8;
	[tilespmem:$0x11080] =	vst v63  }
0x398: {  	_ = 	snop  }
0x399: {  	[tilespmem:s18], [sflag:$0x1] =	stream.indirect_vreg.gather [hbm4b:s4+s2], $0x80, v4, vm0, $0xb8;
	[tilespmem:$0x11080] =	vst v63  }
0x39a: {  	v4 =	vld [tilespmem:$0x2A0];
	_ =	sdelay $0x4  }
0x39b: {  	v5 =	vshll.u32 v4, $0x1  }
0x39c: {  	v4 =	vand.u32 $0x7, v4;
	v5 =	vand.u32 $0xFFFFFFF0, v5  }
0x39d: {  	v4 =	vor.u32 v4, v5  }
0x39e: {  	v5 =	vperm.xlane v4, v1;
	_ =	sdelay $0x1  }
0x39f: {  	v4 =	vperm.xlane v4, v3;
	v5 =	vadd.s32 v2, v5;
	_ =	sdelay $0x1  }
0x3a0: {  	v4 =	vadd.s32 v2, v4;
	_ =	sdelay $0x1  }
0x3a1: {  	s11 =	simm.s32 $0xB000  }
0x3a2: {  	[tilespmem:s11], [sflag:$0x1] =	stream.indirect_vreg.gather [hbm4b:s4+s2], $0x80, v5, vm0, $0xb8;
	[tilespmem:$0x11080] =	vst v63  }
0x3a3: {  	_ = 	snop  }
0x3a4: {  	[tilespmem:s19], [sflag:$0x1] =	stream.indirect_vreg.gather [hbm4b:s4+s2], $0x80, v4, vm0, $0xb8;
	[tilespmem:$0x11080] =	vst v63  }
0x3a5: {  	v4 =	vld [tilespmem:$0x2B0];
	_ =	sdelay $0x4  }
0x3a6: {  	v5 =	vshll.u32 v4, $0x1  }
0x3a7: {  	v4 =	vand.u32 $0x7, v4;
	v5 =	vand.u32 $0xFFFFFFF0, v5  }
0x3a8: {  	v4 =	vor.u32 v4, v5  }
0x3a9: {  	v5 =	vperm.xlane v4, v1;
	_ =	sdelay $0x1  }
0x3aa: {  	v4 =	vperm.xlane v4, v3;
	v5 =	vadd.s32 v2, v5;
	_ =	sdelay $0x1  }
0x3ab: {  	v4 =	vadd.s32 v2, v4;
	_ =	sdelay $0x1  }
0x3ac: {  	s14 =	simm.s32 $0xC000  }
0x3ad: {  	[tilespmem:s14], [sflag:$0x1] =	stream.indirect_vreg.gather [hbm4b:s4+s2], $0x80, v5, vm0, $0xb8;
	[tilespmem:$0x11080] =	vst v63  }
0x3ae: {  	_ = 	snop  }
0x3af: {  	[tilespmem:s21], [sflag:$0x1] =	stream.indirect_vreg.gather [hbm4b:s4+s2], $0x80, v4, vm0, $0xb8;
	[tilespmem:$0x11080] =	vst v63  }
0x3b0: {  	v4 =	vld [tilespmem:$0x2C0];
	_ =	sdelay $0x4  }
0x3b1: {  	v5 =	vshll.u32 v4, $0x1  }
0x3b2: {  	v4 =	vand.u32 $0x7, v4;
	v5 =	vand.u32 $0xFFFFFFF0, v5  }
0x3b3: {  	v4 =	vor.u32 v4, v5  }
0x3b4: {  	v5 =	vperm.xlane v4, v1;
	_ =	sdelay $0x1  }
0x3b5: {  	v4 =	vperm.xlane v4, v3;
	v5 =	vadd.s32 v2, v5;
	_ =	sdelay $0x1  }
0x3b6: {  	v4 =	vadd.s32 v2, v4;
	_ =	sdelay $0x2  }
0x3b7: {  	[tilespmem:s20], [sflag:$0x1] =	stream.indirect_vreg.gather [hbm4b:s4+s2], $0x80, v5, vm0, $0xb8;
	[tilespmem:$0x11080] =	vst v63  }
0x3b8: {  	s15 =	simm.s32 $0xD800  }
0x3b9: {  	[tilespmem:s15], [sflag:$0x1] =	stream.indirect_vreg.gather [hbm4b:s4+s2], $0x80, v4, vm0, $0xb8;
	[tilespmem:$0x11080] =	vst v63  }
0x3ba: {  	v4 =	vld [tilespmem:$0x2D0];
	_ =	sdelay $0x4  }
0x3bb: {  	v5 =	vshll.u32 v4, $0x1  }
0x3bc: {  	v4 =	vand.u32 $0x7, v4;
	v5 =	vand.u32 $0xFFFFFFF0, v5  }
0x3bd: {  	v4 =	vor.u32 v4, v5  }
0x3be: {  	v5 =	vperm.xlane v4, v1;
	_ =	sdelay $0x1  }
0x3bf: {  	v4 =	vperm.xlane v4, v3;
	v5 =	vadd.s32 v2, v5;
	_ =	sdelay $0x1  }
0x3c0: {  	v4 =	vadd.s32 v2, v4;
	_ =	sdelay $0x1  }
0x3c1: {  	s16 =	simm.s32 $0xE000  }
0x3c2: {  	[tilespmem:s16], [sflag:$0x1] =	stream.indirect_vreg.gather [hbm4b:s4+s2], $0x80, v5, vm0, $0xb8;
	[tilespmem:$0x11080] =	vst v63  }
0x3c3: {  	s17 =	simm.s32 $0xE800  }
0x3c4: {  	[tilespmem:s17], [sflag:$0x1] =	stream.indirect_vreg.gather [hbm4b:s4+s2], $0x80, v4, vm0, $0xb8;
	[tilespmem:$0x11080] =	vst v63  }
0x3c5: {  	v4 =	vld [tilespmem:$0x2E0];
	_ =	sdelay $0x4  }
0x3c6: {  	v5 =	vshll.u32 v4, $0x1  }
0x3c7: {  	v4 =	vand.u32 $0x7, v4;
	v5 =	vand.u32 $0xFFFFFFF0, v5  }
0x3c8: {  	v4 =	vor.u32 v4, v5  }
0x3c9: {  	v5 =	vperm.xlane v4, v1;
	_ =	sdelay $0x1  }
0x3ca: {  	v4 =	vperm.xlane v4, v3;
	v5 =	vadd.s32 v2, v5;
	_ =	sdelay $0x1  }
0x3cb: {  	v4 =	vadd.s32 v2, v4;
	_ =	sdelay $0x1  }
0x3cc: {  	s22 =	simm.s32 $0xF000  }
0x3cd: {  	[tilespmem:s22], [sflag:$0x1] =	stream.indirect_vreg.gather [hbm4b:s4+s2], $0x80, v5, vm0, $0xb8;
	[tilespmem:$0x11080] =	vst v63  }
0x3ce: {  	s23 =	simm.s32 $0xF800  }
0x3cf: {  	[tilespmem:s23], [sflag:$0x1] =	stream.indirect_vreg.gather [hbm4b:s4+s2], $0x80, v4, vm0, $0xb8;
	[tilespmem:$0x11080] =	vst v63  }
0x3d0: {  	v4 =	vld [tilespmem:$0x2F0];
	_ =	sdelay $0x4  }
0x3d1: {  	v5 =	vshll.u32 v4, $0x1  }
0x3d2: {  	v4 =	vand.u32 $0x7, v4;
	v5 =	vand.u32 $0xFFFFFFF0, v5  }
0x3d3: {  	v4 =	vor.u32 v4, v5  }
0x3d4: {  	v5 =	vperm.xlane v4, v1;
	_ =	sdelay $0x1  }
0x3d5: {  	v4 =	vperm.xlane v4, v3;
	v5 =	vadd.s32 v2, v5;
	_ =	sdelay $0x1  }
0x3d6: {  	v4 =	vadd.s32 v2, v4;
	_ =	sdelay $0x1  }
0x3d7: {  	s24 =	simm.s32 $0x10000  }
0x3d8: {  	[tilespmem:s24], [sflag:$0x1] =	stream.indirect_vreg.gather [hbm4b:s4+s2], $0x80, v5, vm0, $0xb8;
	[tilespmem:$0x11080] =	vst v63  }
0x3d9: {  	s25 =	simm.s32 $0x10800  }
0x3da: {  	[tilespmem:s25], [sflag:$0x1] =	stream.indirect_vreg.gather [hbm4b:s4+s2], $0x80, v4, vm0, $0xb8;
	[tilespmem:$0x11080] =	vst v63  }
0x3db: {  	_ =	swait.ge [sflag:s26], $0x8000  }
0x3dc: {  	[sflag:s26] =	ssyncset.done $0x0  }
0x3dd: {  	[sflag:s26] =	ssyncadd.s32 $0xFFFF8000  }
0x3de: {  	v4 =	vld [tilespmem:$0xA80];
	_ =	sdelay $0x4  }
0x3df: {  	v5 =	vshll.u32 v4, $0x1  }
0x3e0: {  	v4 =	vand.u32 $0x7, v4;
	v5 =	vand.u32 $0xFFFFFFF0, v5  }
0x3e1: {  	v4 =	vor.u32 v4, v5  }
0x3e2: {  	v5 =	vperm.xlane v4, v1;
	_ =	sdelay $0x1  }
0x3e3: {  	v4 =	vperm.xlane v4, v3;
	v5 =	vadd.s32 v2, v5;
	_ =	sdelay $0x1  }
0x3e4: {  	v4 =	vadd.s32 v2, v4;
	_ =	sdelay $0x2  }
0x3e5: {  	[hbm4b:s3+s2] =	stream.indirect_vreg.scatter [tilespmem:s7], [sflag:$0x2], $0x80, v5, vm0, $0xb8;
	[tilespmem:$0x11080] =	vst v63  }
0x3e6: {  	_ = 	snop  }
0x3e7: {  	[hbm4b:s3+s2] =	stream.indirect_vreg.scatter [tilespmem:s9], [sflag:$0x2], $0x80, v4, vm0, $0xb8;
	[tilespmem:$0x11080] =	vst v63  }
0x3e8: {  	v4 =	vld [tilespmem:$0xA90];
	_ =	sdelay $0x4  }
0x3e9: {  	v5 =	vshll.u32 v4, $0x1  }
0x3ea: {  	v4 =	vand.u32 $0x7, v4;
	v5 =	vand.u32 $0xFFFFFFF0, v5  }
0x3eb: {  	v4 =	vor.u32 v4, v5  }
0x3ec: {  	v5 =	vperm.xlane v4, v1;
	_ =	sdelay $0x1  }
0x3ed: {  	v4 =	vperm.xlane v4, v3;
	v5 =	vadd.s32 v2, v5;
	_ =	sdelay $0x1  }
0x3ee: {  	v4 =	vadd.s32 v2, v4;
	_ =	sdelay $0x2  }
0x3ef: {  	[hbm4b:s3+s2] =	stream.indirect_vreg.scatter [tilespmem:s10], [sflag:$0x2], $0x80, v5, vm0, $0xb8;
	[tilespmem:$0x11080] =	vst v63  }
0x3f0: {  	_ = 	snop  }
0x3f1: {  	[hbm4b:s3+s2] =	stream.indirect_vreg.scatter [tilespmem:s18], [sflag:$0x2], $0x80, v4, vm0, $0xb8;
	[tilespmem:$0x11080] =	vst v63  }
0x3f2: {  	v4 =	vld [tilespmem:$0xAA0];
	_ =	sdelay $0x4  }
0x3f3: {  	v5 =	vshll.u32 v4, $0x1  }
0x3f4: {  	v4 =	vand.u32 $0x7, v4;
	v5 =	vand.u32 $0xFFFFFFF0, v5  }
0x3f5: {  	v4 =	vor.u32 v4, v5  }
0x3f6: {  	v5 =	vperm.xlane v4, v1;
	_ =	sdelay $0x1  }
0x3f7: {  	v4 =	vperm.xlane v4, v3;
	v5 =	vadd.s32 v2, v5;
	_ =	sdelay $0x1  }
0x3f8: {  	v4 =	vadd.s32 v2, v4;
	_ =	sdelay $0x2  }
0x3f9: {  	[hbm4b:s3+s2] =	stream.indirect_vreg.scatter [tilespmem:s11], [sflag:$0x2], $0x80, v5, vm0, $0xb8;
	[tilespmem:$0x11080] =	vst v63  }
0x3fa: {  	_ = 	snop  }
0x3fb: {  	[hbm4b:s3+s2] =	stream.indirect_vreg.scatter [tilespmem:s19], [sflag:$0x2], $0x80, v4, vm0, $0xb8;
	[tilespmem:$0x11080] =	vst v63  }
0x3fc: {  	v4 =	vld [tilespmem:$0xAB0];
	_ =	sdelay $0x4  }
0x3fd: {  	v5 =	vshll.u32 v4, $0x1  }
0x3fe: {  	v4 =	vand.u32 $0x7, v4;
	v5 =	vand.u32 $0xFFFFFFF0, v5  }
0x3ff: {  	v4 =	vor.u32 v4, v5  }
0x400: {  	v5 =	vperm.xlane v4, v1;
	_ =	sdelay $0x1  }
0x401: {  	v4 =	vperm.xlane v4, v3;
	v5 =	vadd.s32 v2, v5;
	_ =	sdelay $0x1  }
0x402: {  	v4 =	vadd.s32 v2, v4;
	_ =	sdelay $0x2  }
0x403: {  	[hbm4b:s3+s2] =	stream.indirect_vreg.scatter [tilespmem:s14], [sflag:$0x2], $0x80, v5, vm0, $0xb8;
	[tilespmem:$0x11080] =	vst v63  }
0x404: {  	_ = 	snop  }
0x405: {  	[hbm4b:s3+s2] =	stream.indirect_vreg.scatter [tilespmem:s21], [sflag:$0x2], $0x80, v4, vm0, $0xb8;
	[tilespmem:$0x11080] =	vst v63  }
0x406: {  	v4 =	vld [tilespmem:$0xAC0];
	_ =	sdelay $0x4  }
0x407: {  	v5 =	vshll.u32 v4, $0x1  }
0x408: {  	v4 =	vand.u32 $0x7, v4;
	v5 =	vand.u32 $0xFFFFFFF0, v5  }
0x409: {  	v4 =	vor.u32 v4, v5  }
0x40a: {  	v5 =	vperm.xlane v4, v1;
	_ =	sdelay $0x1  }
0x40b: {  	v4 =	vperm.xlane v4, v3;
	v5 =	vadd.s32 v2, v5;
	_ =	sdelay $0x1  }
0x40c: {  	v4 =	vadd.s32 v2, v4;
	_ =	sdelay $0x2  }
0x40d: {  	[hbm4b:s3+s2] =	stream.indirect_vreg.scatter [tilespmem:s20], [sflag:$0x2], $0x80, v5, vm0, $0xb8;
	[tilespmem:$0x11080] =	vst v63  }
0x40e: {  	_ = 	snop  }
0x40f: {  	[hbm4b:s3+s2] =	stream.indirect_vreg.scatter [tilespmem:s15], [sflag:$0x2], $0x80, v4, vm0, $0xb8;
	[tilespmem:$0x11080] =	vst v63  }
0x410: {  	v4 =	vld [tilespmem:$0xAD0];
	_ =	sdelay $0x4  }
0x411: {  	v5 =	vshll.u32 v4, $0x1  }
0x412: {  	v4 =	vand.u32 $0x7, v4;
	v5 =	vand.u32 $0xFFFFFFF0, v5  }
0x413: {  	v4 =	vor.u32 v4, v5  }
0x414: {  	v5 =	vperm.xlane v4, v1;
	_ =	sdelay $0x1  }
0x415: {  	v4 =	vperm.xlane v4, v3;
	v5 =	vadd.s32 v2, v5;
	_ =	sdelay $0x1  }
0x416: {  	v4 =	vadd.s32 v2, v4;
	_ =	sdelay $0x2  }
0x417: {  	[hbm4b:s3+s2] =	stream.indirect_vreg.scatter [tilespmem:s16], [sflag:$0x2], $0x80, v5, vm0, $0xb8;
	[tilespmem:$0x11080] =	vst v63  }
0x418: {  	_ = 	snop  }
0x419: {  	[hbm4b:s3+s2] =	stream.indirect_vreg.scatter [tilespmem:s17], [sflag:$0x2], $0x80, v4, vm0, $0xb8;
	[tilespmem:$0x11080] =	vst v63  }
0x41a: {  	v4 =	vld [tilespmem:$0xAE0];
	_ =	sdelay $0x4  }
0x41b: {  	v5 =	vshll.u32 v4, $0x1  }
0x41c: {  	v4 =	vand.u32 $0x7, v4;
	v5 =	vand.u32 $0xFFFFFFF0, v5  }
0x41d: {  	v4 =	vor.u32 v4, v5  }
0x41e: {  	v5 =	vperm.xlane v4, v1;
	_ =	sdelay $0x1  }
0x41f: {  	v4 =	vperm.xlane v4, v3;
	v5 =	vadd.s32 v2, v5;
	_ =	sdelay $0x1  }
0x420: {  	v4 =	vadd.s32 v2, v4;
	_ =	sdelay $0x2  }
0x421: {  	[hbm4b:s3+s2] =	stream.indirect_vreg.scatter [tilespmem:s22], [sflag:$0x2], $0x80, v5, vm0, $0xb8;
	[tilespmem:$0x11080] =	vst v63  }
0x422: {  	_ = 	snop  }
0x423: {  	[hbm4b:s3+s2] =	stream.indirect_vreg.scatter [tilespmem:s23], [sflag:$0x2], $0x80, v4, vm0, $0xb8;
	[tilespmem:$0x11080] =	vst v63  }
0x424: {  	v4 =	vld [tilespmem:$0xAF0];
	_ =	sdelay $0x4  }
0x425: {  	v5 =	vshll.u32 v4, $0x1  }
0x426: {  	v4 =	vand.u32 $0x7, v4;
	v5 =	vand.u32 $0xFFFFFFF0, v5  }
0x427: {  	v4 =	vor.u32 v4, v5  }
0x428: {  	v5 =	vperm.xlane v4, v1;
	_ =	sdelay $0x1  }
0x429: {  	v4 =	vperm.xlane v4, v3;
	v5 =	vadd.s32 v2, v5;
	_ =	sdelay $0x1  }
0x42a: {  	v4 =	vadd.s32 v2, v4;
	_ =	sdelay $0x2  }
0x42b: {  	[hbm4b:s3+s2] =	stream.indirect_vreg.scatter [tilespmem:s24], [sflag:$0x2], $0x80, v5, vm0, $0xb8;
	[tilespmem:$0x11080] =	vst v63  }
0x42c: {  	_ = 	snop  }
0x42d: {  	[hbm4b:s3+s2] =	stream.indirect_vreg.scatter [tilespmem:s25], [sflag:$0x2], $0x80, v4, vm0, $0xb8;
	[tilespmem:$0x11080] =	vst v63  }
0x42e: {  	_ =	swait.ge [sflag:s13], $0x8000  }
0x42f: {  	[sflag:s13] =	ssyncset.done $0x0  }
0x430: {  	[sflag:s13] =	ssyncadd.s32 $0xFFFF8000  }
0x431: {  	v4 =	vld [tilespmem:$0x300];
	_ =	sdelay $0x4  }
0x432: {  	v5 =	vshll.u32 v4, $0x1  }
0x433: {  	v4 =	vand.u32 $0x7, v4;
	v5 =	vand.u32 $0xFFFFFFF0, v5  }
0x434: {  	v4 =	vor.u32 v4, v5  }
0x435: {  	v5 =	vperm.xlane v4, v1;
	_ =	sdelay $0x1  }
0x436: {  	v4 =	vperm.xlane v4, v3;
	v5 =	vadd.s32 v2, v5;
	_ =	sdelay $0x1  }
0x437: {  	v4 =	vadd.s32 v2, v4;
	_ =	sdelay $0x1  }
0x438: {  	s28 =	simm.s32 $0x1000  }
0x439: {  	[tilespmem:s28], [sflag:$0x1] =	stream.indirect_vreg.gather [hbm4b:s4+s2], $0x80, v5, vm0, $0xb8;
	[tilespmem:$0x11080] =	vst v63  }
0x43a: {  	s29 =	simm.s32 $0x1800  }
0x43b: {  	[tilespmem:s29], [sflag:$0x1] =	stream.indirect_vreg.gather [hbm4b:s4+s2], $0x80, v4, vm0, $0xb8;
	[tilespmem:$0x11080] =	vst v63  }
0x43c: {  	v4 =	vld [tilespmem:$0x310];
	_ =	sdelay $0x4  }
0x43d: {  	v5 =	vshll.u32 v4, $0x1  }
0x43e: {  	v4 =	vand.u32 $0x7, v4;
	v5 =	vand.u32 $0xFFFFFFF0, v5  }
0x43f: {  	v4 =	vor.u32 v4, v5  }
0x440: {  	v5 =	vperm.xlane v4, v1;
	_ =	sdelay $0x1  }
0x441: {  	v4 =	vperm.xlane v4, v3;
	v5 =	vadd.s32 v2, v5;
	_ =	sdelay $0x1  }
0x442: {  	v4 =	vadd.s32 v2, v4;
	_ =	sdelay $0x1  }
0x443: {  	s30 =	simm.s32 $0x2000  }
0x444: {  	[tilespmem:s30], [sflag:$0x1] =	stream.indirect_vreg.gather [hbm4b:s4+s2], $0x80, v5, vm0, $0xb8;
	[tilespmem:$0x11080] =	vst v63  }
0x445: {  	s31 =	simm.s32 $0x2800  }
0x446: {  	[tilespmem:s31], [sflag:$0x1] =	stream.indirect_vreg.gather [hbm4b:s4+s2], $0x80, v4, vm0, $0xb8;
	[tilespmem:$0x11080] =	vst v63  }
0x447: {  	v4 =	vld [tilespmem:$0x320];
	_ =	sdelay $0x4  }
0x448: {  	v5 =	vshll.u32 v4, $0x1  }
0x449: {  	v4 =	vand.u32 $0x7, v4;
	v5 =	vand.u32 $0xFFFFFFF0, v5  }
0x44a: {  	v4 =	vor.u32 v4, v5  }
0x44b: {  	v5 =	vperm.xlane v4, v1;
	_ =	sdelay $0x1  }
0x44c: {  	v4 =	vperm.xlane v4, v3;
	v5 =	vadd.s32 v2, v5;
	_ =	sdelay $0x1  }
0x44d: {  	v4 =	vadd.s32 v2, v4;
	_ =	sdelay $0x1  }
0x44e: {  	s0 =	simm.s32 $0x3000  }
0x44f: {  	[tilespmem:s0], [sflag:$0x1] =	stream.indirect_vreg.gather [hbm4b:s4+s2], $0x80, v5, vm0, $0xb8;
	[tilespmem:$0x11080] =	vst v63  }
0x450: {  	s1 =	simm.s32 $0x3800  }
0x451: {  	[tilespmem:s1], [sflag:$0x1] =	stream.indirect_vreg.gather [hbm4b:s4+s2], $0x80, v4, vm0, $0xb8;
	[tilespmem:$0x11080] =	vst v63  }
0x452: {  	v4 =	vld [tilespmem:$0x330];
	_ =	sdelay $0x4  }
0x453: {  	v5 =	vshll.u32 v4, $0x1  }
0x454: {  	v4 =	vand.u32 $0x7, v4;
	v5 =	vand.u32 $0xFFFFFFF0, v5  }
0x455: {  	v4 =	vor.u32 v4, v5  }
0x456: {  	v5 =	vperm.xlane v4, v1;
	_ =	sdelay $0x1  }
0x457: {  	v4 =	vperm.xlane v4, v3;
	v5 =	vadd.s32 v2, v5;
	_ =	sdelay $0x1  }
0x458: {  	v4 =	vadd.s32 v2, v4;
	_ =	sdelay $0x1  }
0x459: {  	s5 =	simm.s32 $0x4000  }
0x45a: {  	[tilespmem:s5], [sflag:$0x1] =	stream.indirect_vreg.gather [hbm4b:s4+s2], $0x80, v5, vm0, $0xb8;
	[tilespmem:$0x11080] =	vst v63  }
0x45b: {  	s7 =	simm.s32 $0x4800  }
0x45c: {  	[tilespmem:s7], [sflag:$0x1] =	stream.indirect_vreg.gather [hbm4b:s4+s2], $0x80, v4, vm0, $0xb8;
	[tilespmem:$0x11080] =	vst v63  }
0x45d: {  	v4 =	vld [tilespmem:$0x340];
	_ =	sdelay $0x4  }
0x45e: {  	v5 =	vshll.u32 v4, $0x1  }
0x45f: {  	v4 =	vand.u32 $0x7, v4;
	v5 =	vand.u32 $0xFFFFFFF0, v5  }
0x460: {  	v4 =	vor.u32 v4, v5  }
0x461: {  	v5 =	vperm.xlane v4, v1;
	_ =	sdelay $0x1  }
0x462: {  	v4 =	vperm.xlane v4, v3;
	v5 =	vadd.s32 v2, v5;
	_ =	sdelay $0x1  }
0x463: {  	v4 =	vadd.s32 v2, v4;
	_ =	sdelay $0x1  }
0x464: {  	s9 =	simm.s32 $0x5000  }
0x465: {  	[tilespmem:s9], [sflag:$0x1] =	stream.indirect_vreg.gather [hbm4b:s4+s2], $0x80, v5, vm0, $0xb8;
	[tilespmem:$0x11080] =	vst v63  }
0x466: {  	s10 =	simm.s32 $0x5800  }
0x467: {  	[tilespmem:s10], [sflag:$0x1] =	stream.indirect_vreg.gather [hbm4b:s4+s2], $0x80, v4, vm0, $0xb8;
	[tilespmem:$0x11080] =	vst v63  }
0x468: {  	v4 =	vld [tilespmem:$0x350];
	_ =	sdelay $0x4  }
0x469: {  	v5 =	vshll.u32 v4, $0x1  }
0x46a: {  	v4 =	vand.u32 $0x7, v4;
	v5 =	vand.u32 $0xFFFFFFF0, v5  }
0x46b: {  	v4 =	vor.u32 v4, v5  }
0x46c: {  	v5 =	vperm.xlane v4, v1;
	_ =	sdelay $0x1  }
0x46d: {  	v4 =	vperm.xlane v4, v3;
	v5 =	vadd.s32 v2, v5;
	_ =	sdelay $0x1  }
0x46e: {  	v4 =	vadd.s32 v2, v4;
	_ =	sdelay $0x1  }
0x46f: {  	s11 =	simm.s32 $0x6000  }
0x470: {  	[tilespmem:s11], [sflag:$0x1] =	stream.indirect_vreg.gather [hbm4b:s4+s2], $0x80, v5, vm0, $0xb8;
	[tilespmem:$0x11080] =	vst v63  }
0x471: {  	s14 =	simm.s32 $0x6800  }
0x472: {  	[tilespmem:s14], [sflag:$0x1] =	stream.indirect_vreg.gather [hbm4b:s4+s2], $0x80, v4, vm0, $0xb8;
	[tilespmem:$0x11080] =	vst v63  }
0x473: {  	v4 =	vld [tilespmem:$0x360];
	_ =	sdelay $0x4  }
0x474: {  	v5 =	vshll.u32 v4, $0x1  }
0x475: {  	v4 =	vand.u32 $0x7, v4;
	v5 =	vand.u32 $0xFFFFFFF0, v5  }
0x476: {  	v4 =	vor.u32 v4, v5  }
0x477: {  	v5 =	vperm.xlane v4, v1;
	_ =	sdelay $0x1  }
0x478: {  	v4 =	vperm.xlane v4, v3;
	v5 =	vadd.s32 v2, v5;
	_ =	sdelay $0x1  }
0x479: {  	v4 =	vadd.s32 v2, v4;
	_ =	sdelay $0x1  }
0x47a: {  	s17 =	simm.s32 $0x7000  }
0x47b: {  	[tilespmem:s17], [sflag:$0x1] =	stream.indirect_vreg.gather [hbm4b:s4+s2], $0x80, v5, vm0, $0xb8;
	[tilespmem:$0x11080] =	vst v63  }
0x47c: {  	s19 =	simm.s32 $0x7800  }
0x47d: {  	[tilespmem:s19], [sflag:$0x1] =	stream.indirect_vreg.gather [hbm4b:s4+s2], $0x80, v4, vm0, $0xb8;
	[tilespmem:$0x11080] =	vst v63  }
0x47e: {  	v4 =	vld [tilespmem:$0x370];
	_ =	sdelay $0x4  }
0x47f: {  	v5 =	vshll.u32 v4, $0x1  }
0x480: {  	v4 =	vand.u32 $0x7, v4;
	v5 =	vand.u32 $0xFFFFFFF0, v5  }
0x481: {  	v4 =	vor.u32 v4, v5  }
0x482: {  	v5 =	vperm.xlane v4, v1;
	_ =	sdelay $0x1  }
0x483: {  	v4 =	vperm.xlane v4, v3;
	v5 =	vadd.s32 v2, v5;
	_ =	sdelay $0x1  }
0x484: {  	v4 =	vadd.s32 v2, v4;
	_ =	sdelay $0x1  }
0x485: {  	s22 =	simm.s32 $0x8000  }
0x486: {  	[tilespmem:s22], [sflag:$0x1] =	stream.indirect_vreg.gather [hbm4b:s4+s2], $0x80, v5, vm0, $0xb8;
	[tilespmem:$0x11080] =	vst v63  }
0x487: {  	s24 =	simm.s32 $0x8800  }
0x488: {  	[tilespmem:s24], [sflag:$0x1] =	stream.indirect_vreg.gather [hbm4b:s4+s2], $0x80, v4, vm0, $0xb8;
	[tilespmem:$0x11080] =	vst v63  }
0x489: {  	_ =	swait.ge [sflag:s26], $0x8000  }
0x48a: {  	[sflag:s26] =	ssyncset.done $0x0  }
0x48b: {  	[sflag:s26] =	ssyncadd.s32 $0xFFFF8000  }
0x48c: {  	v4 =	vld [tilespmem:$0xB00];
	_ =	sdelay $0x4  }
0x48d: {  	v5 =	vshll.u32 v4, $0x1  }
0x48e: {  	v4 =	vand.u32 $0x7, v4;
	v5 =	vand.u32 $0xFFFFFFF0, v5  }
0x48f: {  	v4 =	vor.u32 v4, v5  }
0x490: {  	v5 =	vperm.xlane v4, v1;
	_ =	sdelay $0x1  }
0x491: {  	v4 =	vperm.xlane v4, v3;
	v5 =	vadd.s32 v2, v5;
	_ =	sdelay $0x1  }
0x492: {  	v4 =	vadd.s32 v2, v4;
	_ =	sdelay $0x2  }
0x493: {  	[hbm4b:s3+s2] =	stream.indirect_vreg.scatter [tilespmem:s28], [sflag:$0x2], $0x80, v5, vm0, $0xb8;
	[tilespmem:$0x11080] =	vst v63  }
0x494: {  	_ = 	snop  }
0x495: {  	[hbm4b:s3+s2] =	stream.indirect_vreg.scatter [tilespmem:s29], [sflag:$0x2], $0x80, v4, vm0, $0xb8;
	[tilespmem:$0x11080] =	vst v63  }
0x496: {  	v4 =	vld [tilespmem:$0xB10];
	_ =	sdelay $0x4  }
0x497: {  	v5 =	vshll.u32 v4, $0x1  }
0x498: {  	v4 =	vand.u32 $0x7, v4;
	v5 =	vand.u32 $0xFFFFFFF0, v5  }
0x499: {  	v4 =	vor.u32 v4, v5  }
0x49a: {  	v5 =	vperm.xlane v4, v1;
	_ =	sdelay $0x1  }
0x49b: {  	v4 =	vperm.xlane v4, v3;
	v5 =	vadd.s32 v2, v5;
	_ =	sdelay $0x1  }
0x49c: {  	v4 =	vadd.s32 v2, v4;
	_ =	sdelay $0x2  }
0x49d: {  	[hbm4b:s3+s2] =	stream.indirect_vreg.scatter [tilespmem:s30], [sflag:$0x2], $0x80, v5, vm0, $0xb8;
	[tilespmem:$0x11080] =	vst v63  }
0x49e: {  	_ = 	snop  }
0x49f: {  	[hbm4b:s3+s2] =	stream.indirect_vreg.scatter [tilespmem:s31], [sflag:$0x2], $0x80, v4, vm0, $0xb8;
	[tilespmem:$0x11080] =	vst v63  }
0x4a0: {  	v4 =	vld [tilespmem:$0xB20];
	_ =	sdelay $0x4  }
0x4a1: {  	v5 =	vshll.u32 v4, $0x1  }
0x4a2: {  	v4 =	vand.u32 $0x7, v4;
	v5 =	vand.u32 $0xFFFFFFF0, v5  }
0x4a3: {  	v4 =	vor.u32 v4, v5  }
0x4a4: {  	v5 =	vperm.xlane v4, v1;
	_ =	sdelay $0x1  }
0x4a5: {  	v4 =	vperm.xlane v4, v3;
	v5 =	vadd.s32 v2, v5;
	_ =	sdelay $0x1  }
0x4a6: {  	v4 =	vadd.s32 v2, v4;
	_ =	sdelay $0x2  }
0x4a7: {  	[hbm4b:s3+s2] =	stream.indirect_vreg.scatter [tilespmem:s0], [sflag:$0x2], $0x80, v5, vm0, $0xb8;
	[tilespmem:$0x11080] =	vst v63  }
0x4a8: {  	_ = 	snop  }
0x4a9: {  	[hbm4b:s3+s2] =	stream.indirect_vreg.scatter [tilespmem:s1], [sflag:$0x2], $0x80, v4, vm0, $0xb8;
	[tilespmem:$0x11080] =	vst v63  }
0x4aa: {  	v4 =	vld [tilespmem:$0xB30];
	_ =	sdelay $0x4  }
0x4ab: {  	v5 =	vshll.u32 v4, $0x1  }
0x4ac: {  	v4 =	vand.u32 $0x7, v4;
	v5 =	vand.u32 $0xFFFFFFF0, v5  }
0x4ad: {  	v4 =	vor.u32 v4, v5  }
0x4ae: {  	v5 =	vperm.xlane v4, v1;
	_ =	sdelay $0x1  }
0x4af: {  	v4 =	vperm.xlane v4, v3;
	v5 =	vadd.s32 v2, v5;
	_ =	sdelay $0x1  }
0x4b0: {  	v4 =	vadd.s32 v2, v4;
	_ =	sdelay $0x2  }
0x4b1: {  	[hbm4b:s3+s2] =	stream.indirect_vreg.scatter [tilespmem:s5], [sflag:$0x2], $0x80, v5, vm0, $0xb8;
	[tilespmem:$0x11080] =	vst v63  }
0x4b2: {  	_ = 	snop  }
0x4b3: {  	[hbm4b:s3+s2] =	stream.indirect_vreg.scatter [tilespmem:s7], [sflag:$0x2], $0x80, v4, vm0, $0xb8;
	[tilespmem:$0x11080] =	vst v63  }
0x4b4: {  	v4 =	vld [tilespmem:$0xB40];
	_ =	sdelay $0x4  }
0x4b5: {  	v5 =	vshll.u32 v4, $0x1  }
0x4b6: {  	v4 =	vand.u32 $0x7, v4;
	v5 =	vand.u32 $0xFFFFFFF0, v5  }
0x4b7: {  	v4 =	vor.u32 v4, v5  }
0x4b8: {  	v5 =	vperm.xlane v4, v1;
	_ =	sdelay $0x1  }
0x4b9: {  	v4 =	vperm.xlane v4, v3;
	v5 =	vadd.s32 v2, v5;
	_ =	sdelay $0x1  }
0x4ba: {  	v4 =	vadd.s32 v2, v4;
	_ =	sdelay $0x2  }
0x4bb: {  	[hbm4b:s3+s2] =	stream.indirect_vreg.scatter [tilespmem:s9], [sflag:$0x2], $0x80, v5, vm0, $0xb8;
	[tilespmem:$0x11080] =	vst v63  }
0x4bc: {  	_ = 	snop  }
0x4bd: {  	[hbm4b:s3+s2] =	stream.indirect_vreg.scatter [tilespmem:s10], [sflag:$0x2], $0x80, v4, vm0, $0xb8;
	[tilespmem:$0x11080] =	vst v63  }
0x4be: {  	v4 =	vld [tilespmem:$0xB50];
	_ =	sdelay $0x4  }
0x4bf: {  	v5 =	vshll.u32 v4, $0x1  }
0x4c0: {  	v4 =	vand.u32 $0x7, v4;
	v5 =	vand.u32 $0xFFFFFFF0, v5  }
0x4c1: {  	v4 =	vor.u32 v4, v5  }
0x4c2: {  	v5 =	vperm.xlane v4, v1;
	_ =	sdelay $0x1  }
0x4c3: {  	v4 =	vperm.xlane v4, v3;
	v5 =	vadd.s32 v2, v5;
	_ =	sdelay $0x1  }
0x4c4: {  	v4 =	vadd.s32 v2, v4;
	_ =	sdelay $0x2  }
0x4c5: {  	[hbm4b:s3+s2] =	stream.indirect_vreg.scatter [tilespmem:s11], [sflag:$0x2], $0x80, v5, vm0, $0xb8;
	[tilespmem:$0x11080] =	vst v63  }
0x4c6: {  	_ = 	snop  }
0x4c7: {  	[hbm4b:s3+s2] =	stream.indirect_vreg.scatter [tilespmem:s14], [sflag:$0x2], $0x80, v4, vm0, $0xb8;
	[tilespmem:$0x11080] =	vst v63  }
0x4c8: {  	v4 =	vld [tilespmem:$0xB60];
	_ =	sdelay $0x4  }
0x4c9: {  	v5 =	vshll.u32 v4, $0x1  }
0x4ca: {  	v4 =	vand.u32 $0x7, v4;
	v5 =	vand.u32 $0xFFFFFFF0, v5  }
0x4cb: {  	v4 =	vor.u32 v4, v5  }
0x4cc: {  	v5 =	vperm.xlane v4, v1;
	_ =	sdelay $0x1  }
0x4cd: {  	v4 =	vperm.xlane v4, v3;
	v5 =	vadd.s32 v2, v5;
	_ =	sdelay $0x1  }
0x4ce: {  	v4 =	vadd.s32 v2, v4;
	_ =	sdelay $0x2  }
0x4cf: {  	[hbm4b:s3+s2] =	stream.indirect_vreg.scatter [tilespmem:s17], [sflag:$0x2], $0x80, v5, vm0, $0xb8;
	[tilespmem:$0x11080] =	vst v63  }
0x4d0: {  	_ = 	snop  }
0x4d1: {  	[hbm4b:s3+s2] =	stream.indirect_vreg.scatter [tilespmem:s19], [sflag:$0x2], $0x80, v4, vm0, $0xb8;
	[tilespmem:$0x11080] =	vst v63  }
0x4d2: {  	v4 =	vld [tilespmem:$0xB70];
	_ =	sdelay $0x4  }
0x4d3: {  	v5 =	vshll.u32 v4, $0x1  }
0x4d4: {  	v4 =	vand.u32 $0x7, v4;
	v5 =	vand.u32 $0xFFFFFFF0, v5  }
0x4d5: {  	v4 =	vor.u32 v4, v5  }
0x4d6: {  	v5 =	vperm.xlane v4, v1;
	_ =	sdelay $0x1  }
0x4d7: {  	v4 =	vperm.xlane v4, v3;
	v5 =	vadd.s32 v2, v5;
	_ =	sdelay $0x1  }
0x4d8: {  	v4 =	vadd.s32 v2, v4;
	_ =	sdelay $0x2  }
0x4d9: {  	[hbm4b:s3+s2] =	stream.indirect_vreg.scatter [tilespmem:s22], [sflag:$0x2], $0x80, v5, vm0, $0xb8;
	[tilespmem:$0x11080] =	vst v63  }
0x4da: {  	_ = 	snop  }
0x4db: {  	[hbm4b:s3+s2] =	stream.indirect_vreg.scatter [tilespmem:s24], [sflag:$0x2], $0x80, v4, vm0, $0xb8;
	[tilespmem:$0x11080] =	vst v63  }
0x4dc: {  	_ =	swait.ge [sflag:s13], $0x8000  }
0x4dd: {  	[sflag:s13] =	ssyncset.done $0x0  }
0x4de: {  	[sflag:s13] =	ssyncadd.s32 $0xFFFF8000  }
0x4df: {  	v4 =	vld [tilespmem:$0x380];
	_ =	sdelay $0x4  }
0x4e0: {  	v5 =	vshll.u32 v4, $0x1  }
0x4e1: {  	v4 =	vand.u32 $0x7, v4;
	v5 =	vand.u32 $0xFFFFFFF0, v5  }
0x4e2: {  	v4 =	vor.u32 v4, v5  }
0x4e3: {  	v5 =	vperm.xlane v4, v1;
	_ =	sdelay $0x1  }
0x4e4: {  	v4 =	vperm.xlane v4, v3;
	v5 =	vadd.s32 v2, v5;
	_ =	sdelay $0x1  }
0x4e5: {  	v4 =	vadd.s32 v2, v4;
	_ =	sdelay $0x1  }
0x4e6: {  	s10 =	simm.s32 $0x9000  }
0x4e7: {  	[tilespmem:s10], [sflag:$0x1] =	stream.indirect_vreg.gather [hbm4b:s4+s2], $0x80, v5, vm0, $0xb8;
	[tilespmem:$0x11080] =	vst v63  }
0x4e8: {  	s9 =	simm.s32 $0x9800  }
0x4e9: {  	[tilespmem:s9], [sflag:$0x1] =	stream.indirect_vreg.gather [hbm4b:s4+s2], $0x80, v4, vm0, $0xb8;
	[tilespmem:$0x11080] =	vst v63  }
0x4ea: {  	v4 =	vld [tilespmem:$0x390];
	_ =	sdelay $0x4  }
0x4eb: {  	v5 =	vshll.u32 v4, $0x1  }
0x4ec: {  	v4 =	vand.u32 $0x7, v4;
	v5 =	vand.u32 $0xFFFFFFF0, v5  }
0x4ed: {  	v4 =	vor.u32 v4, v5  }
0x4ee: {  	v5 =	vperm.xlane v4, v1;
	_ =	sdelay $0x1  }
0x4ef: {  	v4 =	vperm.xlane v4, v3;
	v5 =	vadd.s32 v2, v5;
	_ =	sdelay $0x1  }
0x4f0: {  	v4 =	vadd.s32 v2, v4;
	_ =	sdelay $0x1  }
0x4f1: {  	s0 =	simm.s32 $0xA000  }
0x4f2: {  	[tilespmem:s0], [sflag:$0x1] =	stream.indirect_vreg.gather [hbm4b:s4+s2], $0x80, v5, vm0, $0xb8;
	[tilespmem:$0x11080] =	vst v63  }
0x4f3: {  	s12 =	simm.s32 $0xA800  }
0x4f4: {  	[tilespmem:s12], [sflag:$0x1] =	stream.indirect_vreg.gather [hbm4b:s4+s2], $0x80, v4, vm0, $0xb8;
	[tilespmem:$0x11080] =	vst v63  }
0x4f5: {  	v4 =	vld [tilespmem:$0x3A0];
	_ =	sdelay $0x4  }
0x4f6: {  	v5 =	vshll.u32 v4, $0x1  }
0x4f7: {  	v4 =	vand.u32 $0x7, v4;
	v5 =	vand.u32 $0xFFFFFFF0, v5  }
0x4f8: {  	v4 =	vor.u32 v4, v5  }
0x4f9: {  	v5 =	vperm.xlane v4, v1;
	_ =	sdelay $0x1  }
0x4fa: {  	v4 =	vperm.xlane v4, v3;
	v5 =	vadd.s32 v2, v5;
	_ =	sdelay $0x1  }
0x4fb: {  	v4 =	vadd.s32 v2, v4;
	_ =	sdelay $0x1  }
0x4fc: {  	s5 =	simm.s32 $0xB000  }
0x4fd: {  	[tilespmem:s5], [sflag:$0x1] =	stream.indirect_vreg.gather [hbm4b:s4+s2], $0x80, v5, vm0, $0xb8;
	[tilespmem:$0x11080] =	vst v63  }
0x4fe: {  	s18 =	simm.s32 $0xB800  }
0x4ff: {  	[tilespmem:s18], [sflag:$0x1] =	stream.indirect_vreg.gather [hbm4b:s4+s2], $0x80, v4, vm0, $0xb8;
	[tilespmem:$0x11080] =	vst v63  }
0x500: {  	v4 =	vld [tilespmem:$0x3B0];
	_ =	sdelay $0x4  }
0x501: {  	v5 =	vshll.u32 v4, $0x1  }
0x502: {  	v4 =	vand.u32 $0x7, v4;
	v5 =	vand.u32 $0xFFFFFFF0, v5  }
0x503: {  	v4 =	vor.u32 v4, v5  }
0x504: {  	v5 =	vperm.xlane v4, v1;
	_ =	sdelay $0x1  }
0x505: {  	v4 =	vperm.xlane v4, v3;
	v5 =	vadd.s32 v2, v5;
	_ =	sdelay $0x1  }
0x506: {  	v4 =	vadd.s32 v2, v4;
	_ =	sdelay $0x1  }
0x507: {  	s6 =	simm.s32 $0xC000  }
0x508: {  	[tilespmem:s6], [sflag:$0x1] =	stream.indirect_vreg.gather [hbm4b:s4+s2], $0x80, v5, vm0, $0xb8;
	[tilespmem:$0x11080] =	vst v63  }
0x509: {  	s20 =	simm.s32 $0xC800  }
0x50a: {  	[tilespmem:s20], [sflag:$0x1] =	stream.indirect_vreg.gather [hbm4b:s4+s2], $0x80, v4, vm0, $0xb8;
	[tilespmem:$0x11080] =	vst v63  }
0x50b: {  	v4 =	vld [tilespmem:$0x3C0];
	_ =	sdelay $0x4  }
0x50c: {  	v5 =	vshll.u32 v4, $0x1  }
0x50d: {  	v4 =	vand.u32 $0x7, v4;
	v5 =	vand.u32 $0xFFFFFFF0, v5  }
0x50e: {  	v4 =	vor.u32 v4, v5  }
0x50f: {  	v5 =	vperm.xlane v4, v1;
	_ =	sdelay $0x1  }
0x510: {  	v4 =	vperm.xlane v4, v3;
	v5 =	vadd.s32 v2, v5;
	_ =	sdelay $0x1  }
0x511: {  	v4 =	vadd.s32 v2, v4;
	_ =	sdelay $0x1  }
0x512: {  	s19 =	simm.s32 $0xD000  }
0x513: {  	[tilespmem:s19], [sflag:$0x1] =	stream.indirect_vreg.gather [hbm4b:s4+s2], $0x80, v5, vm0, $0xb8;
	[tilespmem:$0x11080] =	vst v63  }
0x514: {  	s11 =	simm.s32 $0xD800  }
0x515: {  	[tilespmem:s11], [sflag:$0x1] =	stream.indirect_vreg.gather [hbm4b:s4+s2], $0x80, v4, vm0, $0xb8;
	[tilespmem:$0x11080] =	vst v63  }
0x516: {  	v4 =	vld [tilespmem:$0x3D0];
	_ =	sdelay $0x4  }
0x517: {  	v5 =	vshll.u32 v4, $0x1  }
0x518: {  	v4 =	vand.u32 $0x7, v4;
	v5 =	vand.u32 $0xFFFFFFF0, v5  }
0x519: {  	v4 =	vor.u32 v4, v5  }
0x51a: {  	v5 =	vperm.xlane v4, v1;
	_ =	sdelay $0x1  }
0x51b: {  	v4 =	vperm.xlane v4, v3;
	v5 =	vadd.s32 v2, v5;
	_ =	sdelay $0x1  }
0x51c: {  	v4 =	vadd.s32 v2, v4;
	_ =	sdelay $0x1  }
0x51d: {  	s1 =	simm.s32 $0xE000  }
0x51e: {  	[tilespmem:s1], [sflag:$0x1] =	stream.indirect_vreg.gather [hbm4b:s4+s2], $0x80, v5, vm0, $0xb8;
	[tilespmem:$0x11080] =	vst v63  }
0x51f: {  	s14 =	simm.s32 $0xE800  }
0x520: {  	[tilespmem:s14], [sflag:$0x1] =	stream.indirect_vreg.gather [hbm4b:s4+s2], $0x80, v4, vm0, $0xb8;
	[tilespmem:$0x11080] =	vst v63  }
0x521: {  	v4 =	vld [tilespmem:$0x3E0];
	_ =	sdelay $0x4  }
0x522: {  	v5 =	vshll.u32 v4, $0x1  }
0x523: {  	v4 =	vand.u32 $0x7, v4;
	v5 =	vand.u32 $0xFFFFFFF0, v5  }
0x524: {  	v4 =	vor.u32 v4, v5  }
0x525: {  	v5 =	vperm.xlane v4, v1;
	_ =	sdelay $0x1  }
0x526: {  	v4 =	vperm.xlane v4, v3;
	v5 =	vadd.s32 v2, v5;
	_ =	sdelay $0x1  }
0x527: {  	v4 =	vadd.s32 v2, v4;
	_ =	sdelay $0x1  }
0x528: {  	s8 =	simm.s32 $0xF000  }
0x529: {  	[tilespmem:s8], [sflag:$0x1] =	stream.indirect_vreg.gather [hbm4b:s4+s2], $0x80, v5, vm0, $0xb8;
	[tilespmem:$0x11080] =	vst v63  }
0x52a: {  	s7 =	simm.s32 $0xF800  }
0x52b: {  	[tilespmem:s7], [sflag:$0x1] =	stream.indirect_vreg.gather [hbm4b:s4+s2], $0x80, v4, vm0, $0xb8;
	[tilespmem:$0x11080] =	vst v63  }
0x52c: {  	v4 =	vld [tilespmem:$0x3F0];
	_ =	sdelay $0x4  }
0x52d: {  	v5 =	vshll.u32 v4, $0x1  }
0x52e: {  	v4 =	vand.u32 $0x7, v4;
	v5 =	vand.u32 $0xFFFFFFF0, v5  }
0x52f: {  	v4 =	vor.u32 v4, v5  }
0x530: {  	v5 =	vperm.xlane v4, v1;
	_ =	sdelay $0x1  }
0x531: {  	v4 =	vperm.xlane v4, v3;
	v5 =	vadd.s32 v2, v5;
	_ =	sdelay $0x1  }
0x532: {  	v4 =	vadd.s32 v2, v4;
	_ =	sdelay $0x1  }
0x533: {  	s22 =	simm.s32 $0x10000  }
0x534: {  	[tilespmem:s22], [sflag:$0x1] =	stream.indirect_vreg.gather [hbm4b:s4+s2], $0x80, v5, vm0, $0xb8;
	[tilespmem:$0x11080] =	vst v63  }
0x535: {  	s24 =	simm.s32 $0x10800  }
0x536: {  	[tilespmem:s24], [sflag:$0x1] =	stream.indirect_vreg.gather [hbm4b:s4+s2], $0x80, v4, vm0, $0xb8;
	[tilespmem:$0x11080] =	vst v63  }
0x537: {  	_ =	swait.ge [sflag:s26], $0x8000  }
0x538: {  	[sflag:s26] =	ssyncset.done $0x0  }
0x539: {  	[sflag:s26] =	ssyncadd.s32 $0xFFFF8000  }
0x53a: {  	v4 =	vld [tilespmem:$0xB80];
	_ =	sdelay $0x4  }
0x53b: {  	v5 =	vshll.u32 v4, $0x1  }
0x53c: {  	v4 =	vand.u32 $0x7, v4;
	v5 =	vand.u32 $0xFFFFFFF0, v5  }
0x53d: {  	v4 =	vor.u32 v4, v5  }
0x53e: {  	v5 =	vperm.xlane v4, v1;
	_ =	sdelay $0x1  }
0x53f: {  	v4 =	vperm.xlane v4, v3;
	v5 =	vadd.s32 v2, v5;
	_ =	sdelay $0x1  }
0x540: {  	v4 =	vadd.s32 v2, v4;
	_ =	sdelay $0x2  }
0x541: {  	[hbm4b:s3+s2] =	stream.indirect_vreg.scatter [tilespmem:s10], [sflag:$0x2], $0x80, v5, vm0, $0xb8;
	[tilespmem:$0x11080] =	vst v63  }
0x542: {  	_ = 	snop  }
0x543: {  	[hbm4b:s3+s2] =	stream.indirect_vreg.scatter [tilespmem:s9], [sflag:$0x2], $0x80, v4, vm0, $0xb8;
	[tilespmem:$0x11080] =	vst v63  }
0x544: {  	v4 =	vld [tilespmem:$0xB90];
	_ =	sdelay $0x4  }
0x545: {  	v5 =	vshll.u32 v4, $0x1  }
0x546: {  	v4 =	vand.u32 $0x7, v4;
	v5 =	vand.u32 $0xFFFFFFF0, v5  }
0x547: {  	v4 =	vor.u32 v4, v5  }
0x548: {  	v5 =	vperm.xlane v4, v1;
	_ =	sdelay $0x1  }
0x549: {  	v4 =	vperm.xlane v4, v3;
	v5 =	vadd.s32 v2, v5;
	_ =	sdelay $0x1  }
0x54a: {  	v4 =	vadd.s32 v2, v4;
	_ =	sdelay $0x2  }
0x54b: {  	[hbm4b:s3+s2] =	stream.indirect_vreg.scatter [tilespmem:s0], [sflag:$0x2], $0x80, v5, vm0, $0xb8;
	[tilespmem:$0x11080] =	vst v63  }
0x54c: {  	_ = 	snop  }
0x54d: {  	[hbm4b:s3+s2] =	stream.indirect_vreg.scatter [tilespmem:s12], [sflag:$0x2], $0x80, v4, vm0, $0xb8;
	[tilespmem:$0x11080] =	vst v63  }
0x54e: {  	v4 =	vld [tilespmem:$0xBA0];
	_ =	sdelay $0x4  }
0x54f: {  	v5 =	vshll.u32 v4, $0x1  }
0x550: {  	v4 =	vand.u32 $0x7, v4;
	v5 =	vand.u32 $0xFFFFFFF0, v5  }
0x551: {  	v4 =	vor.u32 v4, v5  }
0x552: {  	v5 =	vperm.xlane v4, v1;
	_ =	sdelay $0x1  }
0x553: {  	v4 =	vperm.xlane v4, v3;
	v5 =	vadd.s32 v2, v5;
	_ =	sdelay $0x1  }
0x554: {  	v4 =	vadd.s32 v2, v4;
	_ =	sdelay $0x2  }
0x555: {  	[hbm4b:s3+s2] =	stream.indirect_vreg.scatter [tilespmem:s5], [sflag:$0x2], $0x80, v5, vm0, $0xb8;
	[tilespmem:$0x11080] =	vst v63  }
0x556: {  	_ = 	snop  }
0x557: {  	[hbm4b:s3+s2] =	stream.indirect_vreg.scatter [tilespmem:s18], [sflag:$0x2], $0x80, v4, vm0, $0xb8;
	[tilespmem:$0x11080] =	vst v63  }
0x558: {  	v4 =	vld [tilespmem:$0xBB0];
	_ =	sdelay $0x4  }
0x559: {  	v5 =	vshll.u32 v4, $0x1  }
0x55a: {  	v4 =	vand.u32 $0x7, v4;
	v5 =	vand.u32 $0xFFFFFFF0, v5  }
0x55b: {  	v4 =	vor.u32 v4, v5  }
0x55c: {  	v5 =	vperm.xlane v4, v1;
	_ =	sdelay $0x1  }
0x55d: {  	v4 =	vperm.xlane v4, v3;
	v5 =	vadd.s32 v2, v5;
	_ =	sdelay $0x1  }
0x55e: {  	v4 =	vadd.s32 v2, v4;
	_ =	sdelay $0x2  }
0x55f: {  	[hbm4b:s3+s2] =	stream.indirect_vreg.scatter [tilespmem:s6], [sflag:$0x2], $0x80, v5, vm0, $0xb8;
	[tilespmem:$0x11080] =	vst v63  }
0x560: {  	_ = 	snop  }
0x561: {  	[hbm4b:s3+s2] =	stream.indirect_vreg.scatter [tilespmem:s20], [sflag:$0x2], $0x80, v4, vm0, $0xb8;
	[tilespmem:$0x11080] =	vst v63  }
0x562: {  	v4 =	vld [tilespmem:$0xBC0];
	_ =	sdelay $0x4  }
0x563: {  	v5 =	vshll.u32 v4, $0x1  }
0x564: {  	v4 =	vand.u32 $0x7, v4;
	v5 =	vand.u32 $0xFFFFFFF0, v5  }
0x565: {  	v4 =	vor.u32 v4, v5  }
0x566: {  	v5 =	vperm.xlane v4, v1;
	_ =	sdelay $0x1  }
0x567: {  	v4 =	vperm.xlane v4, v3;
	v5 =	vadd.s32 v2, v5;
	_ =	sdelay $0x1  }
0x568: {  	v4 =	vadd.s32 v2, v4;
	_ =	sdelay $0x2  }
0x569: {  	[hbm4b:s3+s2] =	stream.indirect_vreg.scatter [tilespmem:s19], [sflag:$0x2], $0x80, v5, vm0, $0xb8;
	[tilespmem:$0x11080] =	vst v63  }
0x56a: {  	_ = 	snop  }
0x56b: {  	[hbm4b:s3+s2] =	stream.indirect_vreg.scatter [tilespmem:s11], [sflag:$0x2], $0x80, v4, vm0, $0xb8;
	[tilespmem:$0x11080] =	vst v63  }
0x56c: {  	v4 =	vld [tilespmem:$0xBD0];
	_ =	sdelay $0x4  }
0x56d: {  	v5 =	vshll.u32 v4, $0x1  }
0x56e: {  	v4 =	vand.u32 $0x7, v4;
	v5 =	vand.u32 $0xFFFFFFF0, v5  }
0x56f: {  	v4 =	vor.u32 v4, v5  }
0x570: {  	v5 =	vperm.xlane v4, v1;
	_ =	sdelay $0x1  }
0x571: {  	v4 =	vperm.xlane v4, v3;
	v5 =	vadd.s32 v2, v5;
	_ =	sdelay $0x1  }
0x572: {  	v4 =	vadd.s32 v2, v4;
	_ =	sdelay $0x2  }
0x573: {  	[hbm4b:s3+s2] =	stream.indirect_vreg.scatter [tilespmem:s1], [sflag:$0x2], $0x80, v5, vm0, $0xb8;
	[tilespmem:$0x11080] =	vst v63  }
0x574: {  	_ = 	snop  }
0x575: {  	[hbm4b:s3+s2] =	stream.indirect_vreg.scatter [tilespmem:s14], [sflag:$0x2], $0x80, v4, vm0, $0xb8;
	[tilespmem:$0x11080] =	vst v63  }
0x576: {  	v4 =	vld [tilespmem:$0xBE0];
	_ =	sdelay $0x4  }
0x577: {  	v5 =	vshll.u32 v4, $0x1  }
0x578: {  	v4 =	vand.u32 $0x7, v4;
	v5 =	vand.u32 $0xFFFFFFF0, v5  }
0x579: {  	v4 =	vor.u32 v4, v5  }
0x57a: {  	v5 =	vperm.xlane v4, v1;
	_ =	sdelay $0x1  }
0x57b: {  	v4 =	vperm.xlane v4, v3;
	v5 =	vadd.s32 v2, v5;
	_ =	sdelay $0x1  }
0x57c: {  	v4 =	vadd.s32 v2, v4;
	_ =	sdelay $0x2  }
0x57d: {  	[hbm4b:s3+s2] =	stream.indirect_vreg.scatter [tilespmem:s8], [sflag:$0x2], $0x80, v5, vm0, $0xb8;
	[tilespmem:$0x11080] =	vst v63  }
0x57e: {  	_ = 	snop  }
0x57f: {  	[hbm4b:s3+s2] =	stream.indirect_vreg.scatter [tilespmem:s7], [sflag:$0x2], $0x80, v4, vm0, $0xb8;
	[tilespmem:$0x11080] =	vst v63  }
0x580: {  	v4 =	vld [tilespmem:$0xBF0];
	_ =	sdelay $0x4  }
0x581: {  	v5 =	vshll.u32 v4, $0x1  }
0x582: {  	v4 =	vand.u32 $0x7, v4;
	v5 =	vand.u32 $0xFFFFFFF0, v5  }
0x583: {  	v4 =	vor.u32 v4, v5  }
0x584: {  	v5 =	vperm.xlane v4, v1;
	_ =	sdelay $0x1  }
0x585: {  	v4 =	vperm.xlane v4, v3;
	v5 =	vadd.s32 v2, v5;
	_ =	sdelay $0x1  }
0x586: {  	v4 =	vadd.s32 v2, v4;
	_ =	sdelay $0x2  }
0x587: {  	[hbm4b:s3+s2] =	stream.indirect_vreg.scatter [tilespmem:s22], [sflag:$0x2], $0x80, v5, vm0, $0xb8;
	[tilespmem:$0x11080] =	vst v63  }
0x588: {  	_ = 	snop  }
0x589: {  	[hbm4b:s3+s2] =	stream.indirect_vreg.scatter [tilespmem:s24], [sflag:$0x2], $0x80, v4, vm0, $0xb8;
	[tilespmem:$0x11080] =	vst v63  }
0x58a: {  	_ =	swait.ge [sflag:s13], $0x8000  }
0x58b: {  	[sflag:s13] =	ssyncset.done $0x0  }
0x58c: {  	[sflag:s13] =	ssyncadd.s32 $0xFFFF8000  }
0x58d: {  	v4 =	vld [tilespmem:$0x400];
	_ =	sdelay $0x4  }
0x58e: {  	v5 =	vshll.u32 v4, $0x1  }
0x58f: {  	v4 =	vand.u32 $0x7, v4;
	v5 =	vand.u32 $0xFFFFFFF0, v5  }
0x590: {  	v4 =	vor.u32 v4, v5  }
0x591: {  	v5 =	vperm.xlane v4, v1;
	_ =	sdelay $0x1  }
0x592: {  	v4 =	vperm.xlane v4, v3;
	v5 =	vadd.s32 v2, v5;
	_ =	sdelay $0x1  }
0x593: {  	v4 =	vadd.s32 v2, v4;
	_ =	sdelay $0x1  }
0x594: {  	s16 =	simm.s32 $0x1000  }
0x595: {  	[tilespmem:s16], [sflag:$0x1] =	stream.indirect_vreg.gather [hbm4b:s4+s2], $0x80, v5, vm0, $0xb8;
	[tilespmem:$0x11080] =	vst v63  }
0x596: {  	s15 =	simm.s32 $0x1800  }
0x597: {  	[tilespmem:s15], [sflag:$0x1] =	stream.indirect_vreg.gather [hbm4b:s4+s2], $0x80, v4, vm0, $0xb8;
	[tilespmem:$0x11080] =	vst v63  }
0x598: {  	v4 =	vld [tilespmem:$0x410];
	_ =	sdelay $0x4  }
0x599: {  	v5 =	vshll.u32 v4, $0x1  }
0x59a: {  	v4 =	vand.u32 $0x7, v4;
	v5 =	vand.u32 $0xFFFFFFF0, v5  }
0x59b: {  	v4 =	vor.u32 v4, v5  }
0x59c: {  	v5 =	vperm.xlane v4, v1;
	_ =	sdelay $0x1  }
0x59d: {  	v4 =	vperm.xlane v4, v3;
	v5 =	vadd.s32 v2, v5;
	_ =	sdelay $0x1  }
0x59e: {  	v4 =	vadd.s32 v2, v4;
	_ =	sdelay $0x1  }
0x59f: {  	s5 =	simm.s32 $0x2000  }
0x5a0: {  	[tilespmem:s5], [sflag:$0x1] =	stream.indirect_vreg.gather [hbm4b:s4+s2], $0x80, v5, vm0, $0xb8;
	[tilespmem:$0x11080] =	vst v63  }
0x5a1: {  	s7 =	simm.s32 $0x2800  }
0x5a2: {  	[tilespmem:s7], [sflag:$0x1] =	stream.indirect_vreg.gather [hbm4b:s4+s2], $0x80, v4, vm0, $0xb8;
	[tilespmem:$0x11080] =	vst v63  }
0x5a3: {  	v4 =	vld [tilespmem:$0x420];
	_ =	sdelay $0x4  }
0x5a4: {  	v5 =	vshll.u32 v4, $0x1  }
0x5a5: {  	v4 =	vand.u32 $0x7, v4;
	v5 =	vand.u32 $0xFFFFFFF0, v5  }
0x5a6: {  	v4 =	vor.u32 v4, v5  }
0x5a7: {  	v5 =	vperm.xlane v4, v1;
	_ =	sdelay $0x1  }
0x5a8: {  	v4 =	vperm.xlane v4, v3;
	v5 =	vadd.s32 v2, v5;
	_ =	sdelay $0x1  }
0x5a9: {  	v4 =	vadd.s32 v2, v4;
	_ =	sdelay $0x1  }
0x5aa: {  	s23 =	simm.s32 $0x3000  }
0x5ab: {  	[tilespmem:s23], [sflag:$0x1] =	stream.indirect_vreg.gather [hbm4b:s4+s2], $0x80, v5, vm0, $0xb8;
	[tilespmem:$0x11080] =	vst v63  }
0x5ac: {  	s24 =	simm.s32 $0x3800  }
0x5ad: {  	[tilespmem:s24], [sflag:$0x1] =	stream.indirect_vreg.gather [hbm4b:s4+s2], $0x80, v4, vm0, $0xb8;
	[tilespmem:$0x11080] =	vst v63  }
0x5ae: {  	v4 =	vld [tilespmem:$0x430];
	_ =	sdelay $0x4  }
0x5af: {  	v5 =	vshll.u32 v4, $0x1  }
0x5b0: {  	v4 =	vand.u32 $0x7, v4;
	v5 =	vand.u32 $0xFFFFFFF0, v5  }
0x5b1: {  	v4 =	vor.u32 v4, v5  }
0x5b2: {  	v5 =	vperm.xlane v4, v1;
	_ =	sdelay $0x1  }
0x5b3: {  	v4 =	vperm.xlane v4, v3;
	v5 =	vadd.s32 v2, v5;
	_ =	sdelay $0x1  }
0x5b4: {  	v4 =	vadd.s32 v2, v4;
	_ =	sdelay $0x1  }
0x5b5: {  	s21 =	simm.s32 $0x4000  }
0x5b6: {  	[tilespmem:s21], [sflag:$0x1] =	stream.indirect_vreg.gather [hbm4b:s4+s2], $0x80, v5, vm0, $0xb8;
	[tilespmem:$0x11080] =	vst v63  }
0x5b7: {  	s1 =	simm.s32 $0x4800  }
0x5b8: {  	[tilespmem:s1], [sflag:$0x1] =	stream.indirect_vreg.gather [hbm4b:s4+s2], $0x80, v4, vm0, $0xb8;
	[tilespmem:$0x11080] =	vst v63  }
0x5b9: {  	v4 =	vld [tilespmem:$0x440];
	_ =	sdelay $0x4  }
0x5ba: {  	v5 =	vshll.u32 v4, $0x1  }
0x5bb: {  	v4 =	vand.u32 $0x7, v4;
	v5 =	vand.u32 $0xFFFFFFF0, v5  }
0x5bc: {  	v4 =	vor.u32 v4, v5  }
0x5bd: {  	v5 =	vperm.xlane v4, v1;
	_ =	sdelay $0x1  }
0x5be: {  	v4 =	vperm.xlane v4, v3;
	v5 =	vadd.s32 v2, v5;
	_ =	sdelay $0x1  }
0x5bf: {  	v4 =	vadd.s32 v2, v4;
	_ =	sdelay $0x1  }
0x5c0: {  	s0 =	simm.s32 $0x5000  }
0x5c1: {  	[tilespmem:s0], [sflag:$0x1] =	stream.indirect_vreg.gather [hbm4b:s4+s2], $0x80, v5, vm0, $0xb8;
	[tilespmem:$0x11080] =	vst v63  }
0x5c2: {  	s25 =	simm.s32 $0x5800  }
0x5c3: {  	[tilespmem:s25], [sflag:$0x1] =	stream.indirect_vreg.gather [hbm4b:s4+s2], $0x80, v4, vm0, $0xb8;
	[tilespmem:$0x11080] =	vst v63  }
0x5c4: {  	v4 =	vld [tilespmem:$0x450];
	_ =	sdelay $0x4  }
0x5c5: {  	v5 =	vshll.u32 v4, $0x1  }
0x5c6: {  	v4 =	vand.u32 $0x7, v4;
	v5 =	vand.u32 $0xFFFFFFF0, v5  }
0x5c7: {  	v4 =	vor.u32 v4, v5  }
0x5c8: {  	v5 =	vperm.xlane v4, v1;
	_ =	sdelay $0x1  }
0x5c9: {  	v4 =	vperm.xlane v4, v3;
	v5 =	vadd.s32 v2, v5;
	_ =	sdelay $0x1  }
0x5ca: {  	v4 =	vadd.s32 v2, v4;
	_ =	sdelay $0x1  }
0x5cb: {  	s6 =	simm.s32 $0x6000  }
0x5cc: {  	[tilespmem:s6], [sflag:$0x1] =	stream.indirect_vreg.gather [hbm4b:s4+s2], $0x80, v5, vm0, $0xb8;
	[tilespmem:$0x11080] =	vst v63  }
0x5cd: {  	s28 =	simm.s32 $0x6800  }
0x5ce: {  	[tilespmem:s28], [sflag:$0x1] =	stream.indirect_vreg.gather [hbm4b:s4+s2], $0x80, v4, vm0, $0xb8;
	[tilespmem:$0x11080] =	vst v63  }
0x5cf: {  	v4 =	vld [tilespmem:$0x460];
	_ =	sdelay $0x4  }
0x5d0: {  	v5 =	vshll.u32 v4, $0x1  }
0x5d1: {  	v4 =	vand.u32 $0x7, v4;
	v5 =	vand.u32 $0xFFFFFFF0, v5  }
0x5d2: {  	v4 =	vor.u32 v4, v5  }
0x5d3: {  	v5 =	vperm.xlane v4, v1;
	_ =	sdelay $0x1  }
0x5d4: {  	v4 =	vperm.xlane v4, v3;
	v5 =	vadd.s32 v2, v5;
	_ =	sdelay $0x1  }
0x5d5: {  	v4 =	vadd.s32 v2, v4;
	_ =	sdelay $0x1  }
0x5d6: {  	s29 =	simm.s32 $0x7000  }
0x5d7: {  	[tilespmem:s29], [sflag:$0x1] =	stream.indirect_vreg.gather [hbm4b:s4+s2], $0x80, v5, vm0, $0xb8;
	[tilespmem:$0x11080] =	vst v63  }
0x5d8: {  	s30 =	simm.s32 $0x7800  }
0x5d9: {  	[tilespmem:s30], [sflag:$0x1] =	stream.indirect_vreg.gather [hbm4b:s4+s2], $0x80, v4, vm0, $0xb8;
	[tilespmem:$0x11080] =	vst v63  }
0x5da: {  	v4 =	vld [tilespmem:$0x470];
	_ =	sdelay $0x4  }
0x5db: {  	v5 =	vshll.u32 v4, $0x1  }
0x5dc: {  	v4 =	vand.u32 $0x7, v4;
	v5 =	vand.u32 $0xFFFFFFF0, v5  }
0x5dd: {  	v4 =	vor.u32 v4, v5  }
0x5de: {  	v5 =	vperm.xlane v4, v1;
	_ =	sdelay $0x1  }
0x5df: {  	v4 =	vperm.xlane v4, v3;
	v5 =	vadd.s32 v2, v5;
	_ =	sdelay $0x1  }
0x5e0: {  	v4 =	vadd.s32 v2, v4;
	_ =	sdelay $0x1  }
0x5e1: {  	s31 =	simm.s32 $0x8000  }
0x5e2: {  	[tilespmem:s31], [sflag:$0x1] =	stream.indirect_vreg.gather [hbm4b:s4+s2], $0x80, v5, vm0, $0xb8;
	[tilespmem:$0x11080] =	vst v63  }
0x5e3: {  	s17 =	simm.s32 $0x8800  }
0x5e4: {  	[tilespmem:s17], [sflag:$0x1] =	stream.indirect_vreg.gather [hbm4b:s4+s2], $0x80, v4, vm0, $0xb8;
	[tilespmem:$0x11080] =	vst v63  }
0x5e5: {  	_ =	swait.ge [sflag:s26], $0x8000  }
0x5e6: {  	[sflag:s26] =	ssyncset.done $0x0  }
0x5e7: {  	[sflag:s26] =	ssyncadd.s32 $0xFFFF8000  }
0x5e8: {  	v4 =	vld [tilespmem:$0xC00];
	_ =	sdelay $0x4  }
0x5e9: {  	v5 =	vshll.u32 v4, $0x1  }
0x5ea: {  	v4 =	vand.u32 $0x7, v4;
	v5 =	vand.u32 $0xFFFFFFF0, v5  }
0x5eb: {  	v4 =	vor.u32 v4, v5  }
0x5ec: {  	v5 =	vperm.xlane v4, v1;
	_ =	sdelay $0x1  }
0x5ed: {  	v4 =	vperm.xlane v4, v3;
	v5 =	vadd.s32 v2, v5;
	_ =	sdelay $0x1  }
0x5ee: {  	v4 =	vadd.s32 v2, v4;
	_ =	sdelay $0x2  }
0x5ef: {  	[hbm4b:s3+s2] =	stream.indirect_vreg.scatter [tilespmem:s16], [sflag:$0x2], $0x80, v5, vm0, $0xb8;
	[tilespmem:$0x11080] =	vst v63  }
0x5f0: {  	_ = 	snop  }
0x5f1: {  	[hbm4b:s3+s2] =	stream.indirect_vreg.scatter [tilespmem:s15], [sflag:$0x2], $0x80, v4, vm0, $0xb8;
	[tilespmem:$0x11080] =	vst v63  }
0x5f2: {  	v4 =	vld [tilespmem:$0xC10];
	_ =	sdelay $0x4  }
0x5f3: {  	v5 =	vshll.u32 v4, $0x1  }
0x5f4: {  	v4 =	vand.u32 $0x7, v4;
	v5 =	vand.u32 $0xFFFFFFF0, v5  }
0x5f5: {  	v4 =	vor.u32 v4, v5  }
0x5f6: {  	v5 =	vperm.xlane v4, v1;
	_ =	sdelay $0x1  }
0x5f7: {  	v4 =	vperm.xlane v4, v3;
	v5 =	vadd.s32 v2, v5;
	_ =	sdelay $0x1  }
0x5f8: {  	v4 =	vadd.s32 v2, v4;
	_ =	sdelay $0x2  }
0x5f9: {  	[hbm4b:s3+s2] =	stream.indirect_vreg.scatter [tilespmem:s5], [sflag:$0x2], $0x80, v5, vm0, $0xb8;
	[tilespmem:$0x11080] =	vst v63  }
0x5fa: {  	_ = 	snop  }
0x5fb: {  	[hbm4b:s3+s2] =	stream.indirect_vreg.scatter [tilespmem:s7], [sflag:$0x2], $0x80, v4, vm0, $0xb8;
	[tilespmem:$0x11080] =	vst v63  }
0x5fc: {  	v4 =	vld [tilespmem:$0xC20];
	_ =	sdelay $0x4  }
0x5fd: {  	v5 =	vshll.u32 v4, $0x1  }
0x5fe: {  	v4 =	vand.u32 $0x7, v4;
	v5 =	vand.u32 $0xFFFFFFF0, v5  }
0x5ff: {  	v4 =	vor.u32 v4, v5  }
0x600: {  	v5 =	vperm.xlane v4, v1;
	_ =	sdelay $0x1  }
0x601: {  	v4 =	vperm.xlane v4, v3;
	v5 =	vadd.s32 v2, v5;
	_ =	sdelay $0x1  }
0x602: {  	v4 =	vadd.s32 v2, v4;
	_ =	sdelay $0x2  }
0x603: {  	[hbm4b:s3+s2] =	stream.indirect_vreg.scatter [tilespmem:s23], [sflag:$0x2], $0x80, v5, vm0, $0xb8;
	[tilespmem:$0x11080] =	vst v63  }
0x604: {  	_ = 	snop  }
0x605: {  	[hbm4b:s3+s2] =	stream.indirect_vreg.scatter [tilespmem:s24], [sflag:$0x2], $0x80, v4, vm0, $0xb8;
	[tilespmem:$0x11080] =	vst v63  }
0x606: {  	v4 =	vld [tilespmem:$0xC30];
	_ =	sdelay $0x4  }
0x607: {  	v5 =	vshll.u32 v4, $0x1  }
0x608: {  	v4 =	vand.u32 $0x7, v4;
	v5 =	vand.u32 $0xFFFFFFF0, v5  }
0x609: {  	v4 =	vor.u32 v4, v5  }
0x60a: {  	v5 =	vperm.xlane v4, v1;
	_ =	sdelay $0x1  }
0x60b: {  	v4 =	vperm.xlane v4, v3;
	v5 =	vadd.s32 v2, v5;
	_ =	sdelay $0x1  }
0x60c: {  	v4 =	vadd.s32 v2, v4;
	_ =	sdelay $0x2  }
0x60d: {  	[hbm4b:s3+s2] =	stream.indirect_vreg.scatter [tilespmem:s21], [sflag:$0x2], $0x80, v5, vm0, $0xb8;
	[tilespmem:$0x11080] =	vst v63  }
0x60e: {  	_ = 	snop  }
0x60f: {  	[hbm4b:s3+s2] =	stream.indirect_vreg.scatter [tilespmem:s1], [sflag:$0x2], $0x80, v4, vm0, $0xb8;
	[tilespmem:$0x11080] =	vst v63  }
0x610: {  	v4 =	vld [tilespmem:$0xC40];
	_ =	sdelay $0x4  }
0x611: {  	v5 =	vshll.u32 v4, $0x1  }
0x612: {  	v4 =	vand.u32 $0x7, v4;
	v5 =	vand.u32 $0xFFFFFFF0, v5  }
0x613: {  	v4 =	vor.u32 v4, v5  }
0x614: {  	v5 =	vperm.xlane v4, v1;
	_ =	sdelay $0x1  }
0x615: {  	v4 =	vperm.xlane v4, v3;
	v5 =	vadd.s32 v2, v5;
	_ =	sdelay $0x1  }
0x616: {  	v4 =	vadd.s32 v2, v4;
	_ =	sdelay $0x2  }
0x617: {  	[hbm4b:s3+s2] =	stream.indirect_vreg.scatter [tilespmem:s0], [sflag:$0x2], $0x80, v5, vm0, $0xb8;
	[tilespmem:$0x11080] =	vst v63  }
0x618: {  	_ = 	snop  }
0x619: {  	[hbm4b:s3+s2] =	stream.indirect_vreg.scatter [tilespmem:s25], [sflag:$0x2], $0x80, v4, vm0, $0xb8;
	[tilespmem:$0x11080] =	vst v63  }
0x61a: {  	v4 =	vld [tilespmem:$0xC50];
	_ =	sdelay $0x4  }
0x61b: {  	v5 =	vshll.u32 v4, $0x1  }
0x61c: {  	v4 =	vand.u32 $0x7, v4;
	v5 =	vand.u32 $0xFFFFFFF0, v5  }
0x61d: {  	v4 =	vor.u32 v4, v5  }
0x61e: {  	v5 =	vperm.xlane v4, v1;
	_ =	sdelay $0x1  }
0x61f: {  	v4 =	vperm.xlane v4, v3;
	v5 =	vadd.s32 v2, v5;
	_ =	sdelay $0x1  }
0x620: {  	v4 =	vadd.s32 v2, v4;
	_ =	sdelay $0x2  }
0x621: {  	[hbm4b:s3+s2] =	stream.indirect_vreg.scatter [tilespmem:s6], [sflag:$0x2], $0x80, v5, vm0, $0xb8;
	[tilespmem:$0x11080] =	vst v63  }
0x622: {  	_ = 	snop  }
0x623: {  	[hbm4b:s3+s2] =	stream.indirect_vreg.scatter [tilespmem:s28], [sflag:$0x2], $0x80, v4, vm0, $0xb8;
	[tilespmem:$0x11080] =	vst v63  }
0x624: {  	v4 =	vld [tilespmem:$0xC60];
	_ =	sdelay $0x4  }
0x625: {  	v5 =	vshll.u32 v4, $0x1  }
0x626: {  	v4 =	vand.u32 $0x7, v4;
	v5 =	vand.u32 $0xFFFFFFF0, v5  }
0x627: {  	v4 =	vor.u32 v4, v5  }
0x628: {  	v5 =	vperm.xlane v4, v1;
	_ =	sdelay $0x1  }
0x629: {  	v4 =	vperm.xlane v4, v3;
	v5 =	vadd.s32 v2, v5;
	_ =	sdelay $0x1  }
0x62a: {  	v4 =	vadd.s32 v2, v4;
	_ =	sdelay $0x2  }
0x62b: {  	[hbm4b:s3+s2] =	stream.indirect_vreg.scatter [tilespmem:s29], [sflag:$0x2], $0x80, v5, vm0, $0xb8;
	[tilespmem:$0x11080] =	vst v63  }
0x62c: {  	_ = 	snop  }
0x62d: {  	[hbm4b:s3+s2] =	stream.indirect_vreg.scatter [tilespmem:s30], [sflag:$0x2], $0x80, v4, vm0, $0xb8;
	[tilespmem:$0x11080] =	vst v63  }
0x62e: {  	v4 =	vld [tilespmem:$0xC70];
	_ =	sdelay $0x4  }
0x62f: {  	v5 =	vshll.u32 v4, $0x1  }
0x630: {  	v4 =	vand.u32 $0x7, v4;
	v5 =	vand.u32 $0xFFFFFFF0, v5  }
0x631: {  	v4 =	vor.u32 v4, v5  }
0x632: {  	v5 =	vperm.xlane v4, v1;
	_ =	sdelay $0x1  }
0x633: {  	v4 =	vperm.xlane v4, v3;
	v5 =	vadd.s32 v2, v5;
	_ =	sdelay $0x1  }
0x634: {  	v4 =	vadd.s32 v2, v4;
	_ =	sdelay $0x2  }
0x635: {  	[hbm4b:s3+s2] =	stream.indirect_vreg.scatter [tilespmem:s31], [sflag:$0x2], $0x80, v5, vm0, $0xb8;
	[tilespmem:$0x11080] =	vst v63  }
0x636: {  	_ = 	snop  }
0x637: {  	[hbm4b:s3+s2] =	stream.indirect_vreg.scatter [tilespmem:s17], [sflag:$0x2], $0x80, v4, vm0, $0xb8;
	[tilespmem:$0x11080] =	vst v63  }
0x638: {  	_ =	swait.ge [sflag:s13], $0x8000  }
0x639: {  	[sflag:s13] =	ssyncset.done $0x0  }
0x63a: {  	[sflag:s13] =	ssyncadd.s32 $0xFFFF8000  }
0x63b: {  	v4 =	vld [tilespmem:$0x480];
	_ =	sdelay $0x4  }
0x63c: {  	v5 =	vshll.u32 v4, $0x1  }
0x63d: {  	v4 =	vand.u32 $0x7, v4;
	v5 =	vand.u32 $0xFFFFFFF0, v5  }
0x63e: {  	v4 =	vor.u32 v4, v5  }
0x63f: {  	v5 =	vperm.xlane v4, v1;
	_ =	sdelay $0x1  }
0x640: {  	v4 =	vperm.xlane v4, v3;
	v5 =	vadd.s32 v2, v5;
	_ =	sdelay $0x1  }
0x641: {  	v4 =	vadd.s32 v2, v4;
	_ =	sdelay $0x1  }
0x642: {  	s10 =	simm.s32 $0x9000  }
0x643: {  	[tilespmem:s10], [sflag:$0x1] =	stream.indirect_vreg.gather [hbm4b:s4+s2], $0x80, v5, vm0, $0xb8;
	[tilespmem:$0x11080] =	vst v63  }
0x644: {  	s9 =	simm.s32 $0x9800  }
0x645: {  	[tilespmem:s9], [sflag:$0x1] =	stream.indirect_vreg.gather [hbm4b:s4+s2], $0x80, v4, vm0, $0xb8;
	[tilespmem:$0x11080] =	vst v63  }
0x646: {  	v4 =	vld [tilespmem:$0x490];
	_ =	sdelay $0x4  }
0x647: {  	v5 =	vshll.u32 v4, $0x1  }
0x648: {  	v4 =	vand.u32 $0x7, v4;
	v5 =	vand.u32 $0xFFFFFFF0, v5  }
0x649: {  	v4 =	vor.u32 v4, v5  }
0x64a: {  	v5 =	vperm.xlane v4, v1;
	_ =	sdelay $0x1  }
0x64b: {  	v4 =	vperm.xlane v4, v3;
	v5 =	vadd.s32 v2, v5;
	_ =	sdelay $0x1  }
0x64c: {  	v4 =	vadd.s32 v2, v4;
	_ =	sdelay $0x1  }
0x64d: {  	s15 =	simm.s32 $0xA000  }
0x64e: {  	[tilespmem:s15], [sflag:$0x1] =	stream.indirect_vreg.gather [hbm4b:s4+s2], $0x80, v5, vm0, $0xb8;
	[tilespmem:$0x11080] =	vst v63  }
0x64f: {  	s12 =	simm.s32 $0xA800  }
0x650: {  	[tilespmem:s12], [sflag:$0x1] =	stream.indirect_vreg.gather [hbm4b:s4+s2], $0x80, v4, vm0, $0xb8;
	[tilespmem:$0x11080] =	vst v63  }
0x651: {  	v4 =	vld [tilespmem:$0x4A0];
	_ =	sdelay $0x4  }
0x652: {  	v5 =	vshll.u32 v4, $0x1  }
0x653: {  	v4 =	vand.u32 $0x7, v4;
	v5 =	vand.u32 $0xFFFFFFF0, v5  }
0x654: {  	v4 =	vor.u32 v4, v5  }
0x655: {  	v5 =	vperm.xlane v4, v1;
	_ =	sdelay $0x1  }
0x656: {  	v4 =	vperm.xlane v4, v3;
	v5 =	vadd.s32 v2, v5;
	_ =	sdelay $0x1  }
0x657: {  	v4 =	vadd.s32 v2, v4;
	_ =	sdelay $0x1  }
0x658: {  	s16 =	simm.s32 $0xB000  }
0x659: {  	[tilespmem:s16], [sflag:$0x1] =	stream.indirect_vreg.gather [hbm4b:s4+s2], $0x80, v5, vm0, $0xb8;
	[tilespmem:$0x11080] =	vst v63  }
0x65a: {  	s18 =	simm.s32 $0xB800  }
0x65b: {  	[tilespmem:s18], [sflag:$0x1] =	stream.indirect_vreg.gather [hbm4b:s4+s2], $0x80, v4, vm0, $0xb8;
	[tilespmem:$0x11080] =	vst v63  }
0x65c: {  	v4 =	vld [tilespmem:$0x4B0];
	_ =	sdelay $0x4  }
0x65d: {  	v5 =	vshll.u32 v4, $0x1  }
0x65e: {  	v4 =	vand.u32 $0x7, v4;
	v5 =	vand.u32 $0xFFFFFFF0, v5  }
0x65f: {  	v4 =	vor.u32 v4, v5  }
0x660: {  	v5 =	vperm.xlane v4, v1;
	_ =	sdelay $0x1  }
0x661: {  	v4 =	vperm.xlane v4, v3;
	v5 =	vadd.s32 v2, v5;
	_ =	sdelay $0x1  }
0x662: {  	v4 =	vadd.s32 v2, v4;
	_ =	sdelay $0x1  }
0x663: {  	s17 =	simm.s32 $0xC000  }
0x664: {  	[tilespmem:s17], [sflag:$0x1] =	stream.indirect_vreg.gather [hbm4b:s4+s2], $0x80, v5, vm0, $0xb8;
	[tilespmem:$0x11080] =	vst v63  }
0x665: {  	s20 =	simm.s32 $0xC800  }
0x666: {  	[tilespmem:s20], [sflag:$0x1] =	stream.indirect_vreg.gather [hbm4b:s4+s2], $0x80, v4, vm0, $0xb8;
	[tilespmem:$0x11080] =	vst v63  }
0x667: {  	v4 =	vld [tilespmem:$0x4C0];
	_ =	sdelay $0x4  }
0x668: {  	v5 =	vshll.u32 v4, $0x1  }
0x669: {  	v4 =	vand.u32 $0x7, v4;
	v5 =	vand.u32 $0xFFFFFFF0, v5  }
0x66a: {  	v4 =	vor.u32 v4, v5  }
0x66b: {  	v5 =	vperm.xlane v4, v1;
	_ =	sdelay $0x1  }
0x66c: {  	v4 =	vperm.xlane v4, v3;
	v5 =	vadd.s32 v2, v5;
	_ =	sdelay $0x1  }
0x66d: {  	v4 =	vadd.s32 v2, v4;
	_ =	sdelay $0x1  }
0x66e: {  	s19 =	simm.s32 $0xD000  }
0x66f: {  	[tilespmem:s19], [sflag:$0x1] =	stream.indirect_vreg.gather [hbm4b:s4+s2], $0x80, v5, vm0, $0xb8;
	[tilespmem:$0x11080] =	vst v63  }
0x670: {  	s11 =	simm.s32 $0xD800  }
0x671: {  	[tilespmem:s11], [sflag:$0x1] =	stream.indirect_vreg.gather [hbm4b:s4+s2], $0x80, v4, vm0, $0xb8;
	[tilespmem:$0x11080] =	vst v63  }
0x672: {  	v4 =	vld [tilespmem:$0x4D0];
	_ =	sdelay $0x4  }
0x673: {  	v5 =	vshll.u32 v4, $0x1  }
0x674: {  	v4 =	vand.u32 $0x7, v4;
	v5 =	vand.u32 $0xFFFFFFF0, v5  }
0x675: {  	v4 =	vor.u32 v4, v5  }
0x676: {  	v5 =	vperm.xlane v4, v1;
	_ =	sdelay $0x1  }
0x677: {  	v4 =	vperm.xlane v4, v3;
	v5 =	vadd.s32 v2, v5;
	_ =	sdelay $0x1  }
0x678: {  	v4 =	vadd.s32 v2, v4;
	_ =	sdelay $0x1  }
0x679: {  	s21 =	simm.s32 $0xE000  }
0x67a: {  	[tilespmem:s21], [sflag:$0x1] =	stream.indirect_vreg.gather [hbm4b:s4+s2], $0x80, v5, vm0, $0xb8;
	[tilespmem:$0x11080] =	vst v63  }
0x67b: {  	s14 =	simm.s32 $0xE800  }
0x67c: {  	[tilespmem:s14], [sflag:$0x1] =	stream.indirect_vreg.gather [hbm4b:s4+s2], $0x80, v4, vm0, $0xb8;
	[tilespmem:$0x11080] =	vst v63  }
0x67d: {  	v4 =	vld [tilespmem:$0x4E0];
	_ =	sdelay $0x4  }
0x67e: {  	v5 =	vshll.u32 v4, $0x1  }
0x67f: {  	v4 =	vand.u32 $0x7, v4;
	v5 =	vand.u32 $0xFFFFFFF0, v5  }
0x680: {  	v4 =	vor.u32 v4, v5  }
0x681: {  	v5 =	vperm.xlane v4, v1;
	_ =	sdelay $0x1  }
0x682: {  	v4 =	vperm.xlane v4, v3;
	v5 =	vadd.s32 v2, v5;
	_ =	sdelay $0x1  }
0x683: {  	v4 =	vadd.s32 v2, v4;
	_ =	sdelay $0x1  }
0x684: {  	s23 =	simm.s32 $0xF000  }
0x685: {  	[tilespmem:s23], [sflag:$0x1] =	stream.indirect_vreg.gather [hbm4b:s4+s2], $0x80, v5, vm0, $0xb8;
	[tilespmem:$0x11080] =	vst v63  }
0x686: {  	s24 =	simm.s32 $0xF800  }
0x687: {  	[tilespmem:s24], [sflag:$0x1] =	stream.indirect_vreg.gather [hbm4b:s4+s2], $0x80, v4, vm0, $0xb8;
	[tilespmem:$0x11080] =	vst v63  }
0x688: {  	v4 =	vld [tilespmem:$0x4F0];
	_ =	sdelay $0x4  }
0x689: {  	v5 =	vshll.u32 v4, $0x1  }
0x68a: {  	v4 =	vand.u32 $0x7, v4;
	v5 =	vand.u32 $0xFFFFFFF0, v5  }
0x68b: {  	v4 =	vor.u32 v4, v5  }
0x68c: {  	v5 =	vperm.xlane v4, v1;
	_ =	sdelay $0x1  }
0x68d: {  	v4 =	vperm.xlane v4, v3;
	v5 =	vadd.s32 v2, v5;
	_ =	sdelay $0x1  }
0x68e: {  	v4 =	vadd.s32 v2, v4;
	_ =	sdelay $0x1  }
0x68f: {  	s8 =	simm.s32 $0x10000  }
0x690: {  	[tilespmem:s8], [sflag:$0x1] =	stream.indirect_vreg.gather [hbm4b:s4+s2], $0x80, v5, vm0, $0xb8;
	[tilespmem:$0x11080] =	vst v63  }
0x691: {  	s22 =	simm.s32 $0x10800  }
0x692: {  	[tilespmem:s22], [sflag:$0x1] =	stream.indirect_vreg.gather [hbm4b:s4+s2], $0x80, v4, vm0, $0xb8;
	[tilespmem:$0x11080] =	vst v63  }
0x693: {  	_ =	swait.ge [sflag:s26], $0x8000  }
0x694: {  	[sflag:s26] =	ssyncset.done $0x0  }
0x695: {  	[sflag:s26] =	ssyncadd.s32 $0xFFFF8000  }
0x696: {  	v4 =	vld [tilespmem:$0xC80];
	_ =	sdelay $0x4  }
0x697: {  	v5 =	vshll.u32 v4, $0x1  }
0x698: {  	v4 =	vand.u32 $0x7, v4;
	v5 =	vand.u32 $0xFFFFFFF0, v5  }
0x699: {  	v4 =	vor.u32 v4, v5  }
0x69a: {  	v5 =	vperm.xlane v4, v1;
	_ =	sdelay $0x1  }
0x69b: {  	v4 =	vperm.xlane v4, v3;
	v5 =	vadd.s32 v2, v5;
	_ =	sdelay $0x1  }
0x69c: {  	v4 =	vadd.s32 v2, v4;
	_ =	sdelay $0x2  }
0x69d: {  	[hbm4b:s3+s2] =	stream.indirect_vreg.scatter [tilespmem:s10], [sflag:$0x2], $0x80, v5, vm0, $0xb8;
	[tilespmem:$0x11080] =	vst v63  }
0x69e: {  	_ = 	snop  }
0x69f: {  	[hbm4b:s3+s2] =	stream.indirect_vreg.scatter [tilespmem:s9], [sflag:$0x2], $0x80, v4, vm0, $0xb8;
	[tilespmem:$0x11080] =	vst v63  }
0x6a0: {  	v4 =	vld [tilespmem:$0xC90];
	_ =	sdelay $0x4  }
0x6a1: {  	v5 =	vshll.u32 v4, $0x1  }
0x6a2: {  	v4 =	vand.u32 $0x7, v4;
	v5 =	vand.u32 $0xFFFFFFF0, v5  }
0x6a3: {  	v4 =	vor.u32 v4, v5  }
0x6a4: {  	v5 =	vperm.xlane v4, v1;
	_ =	sdelay $0x1  }
0x6a5: {  	v4 =	vperm.xlane v4, v3;
	v5 =	vadd.s32 v2, v5;
	_ =	sdelay $0x1  }
0x6a6: {  	v4 =	vadd.s32 v2, v4;
	_ =	sdelay $0x2  }
0x6a7: {  	[hbm4b:s3+s2] =	stream.indirect_vreg.scatter [tilespmem:s15], [sflag:$0x2], $0x80, v5, vm0, $0xb8;
	[tilespmem:$0x11080] =	vst v63  }
0x6a8: {  	_ = 	snop  }
0x6a9: {  	[hbm4b:s3+s2] =	stream.indirect_vreg.scatter [tilespmem:s12], [sflag:$0x2], $0x80, v4, vm0, $0xb8;
	[tilespmem:$0x11080] =	vst v63  }
0x6aa: {  	v4 =	vld [tilespmem:$0xCA0];
	_ =	sdelay $0x4  }
0x6ab: {  	v5 =	vshll.u32 v4, $0x1  }
0x6ac: {  	v4 =	vand.u32 $0x7, v4;
	v5 =	vand.u32 $0xFFFFFFF0, v5  }
0x6ad: {  	v4 =	vor.u32 v4, v5  }
0x6ae: {  	v5 =	vperm.xlane v4, v1;
	_ =	sdelay $0x1  }
0x6af: {  	v4 =	vperm.xlane v4, v3;
	v5 =	vadd.s32 v2, v5;
	_ =	sdelay $0x1  }
0x6b0: {  	v4 =	vadd.s32 v2, v4;
	_ =	sdelay $0x2  }
0x6b1: {  	[hbm4b:s3+s2] =	stream.indirect_vreg.scatter [tilespmem:s16], [sflag:$0x2], $0x80, v5, vm0, $0xb8;
	[tilespmem:$0x11080] =	vst v63  }
0x6b2: {  	_ = 	snop  }
0x6b3: {  	[hbm4b:s3+s2] =	stream.indirect_vreg.scatter [tilespmem:s18], [sflag:$0x2], $0x80, v4, vm0, $0xb8;
	[tilespmem:$0x11080] =	vst v63  }
0x6b4: {  	v4 =	vld [tilespmem:$0xCB0];
	_ =	sdelay $0x4  }
0x6b5: {  	v5 =	vshll.u32 v4, $0x1  }
0x6b6: {  	v4 =	vand.u32 $0x7, v4;
	v5 =	vand.u32 $0xFFFFFFF0, v5  }
0x6b7: {  	v4 =	vor.u32 v4, v5  }
0x6b8: {  	v5 =	vperm.xlane v4, v1;
	_ =	sdelay $0x1  }
0x6b9: {  	v4 =	vperm.xlane v4, v3;
	v5 =	vadd.s32 v2, v5;
	_ =	sdelay $0x1  }
0x6ba: {  	v4 =	vadd.s32 v2, v4;
	_ =	sdelay $0x2  }
0x6bb: {  	[hbm4b:s3+s2] =	stream.indirect_vreg.scatter [tilespmem:s17], [sflag:$0x2], $0x80, v5, vm0, $0xb8;
	[tilespmem:$0x11080] =	vst v63  }
0x6bc: {  	_ = 	snop  }
0x6bd: {  	[hbm4b:s3+s2] =	stream.indirect_vreg.scatter [tilespmem:s20], [sflag:$0x2], $0x80, v4, vm0, $0xb8;
	[tilespmem:$0x11080] =	vst v63  }
0x6be: {  	v4 =	vld [tilespmem:$0xCC0];
	_ =	sdelay $0x4  }
0x6bf: {  	v5 =	vshll.u32 v4, $0x1  }
0x6c0: {  	v4 =	vand.u32 $0x7, v4;
	v5 =	vand.u32 $0xFFFFFFF0, v5  }
0x6c1: {  	v4 =	vor.u32 v4, v5  }
0x6c2: {  	v5 =	vperm.xlane v4, v1;
	_ =	sdelay $0x1  }
0x6c3: {  	v4 =	vperm.xlane v4, v3;
	v5 =	vadd.s32 v2, v5;
	_ =	sdelay $0x1  }
0x6c4: {  	v4 =	vadd.s32 v2, v4;
	_ =	sdelay $0x2  }
0x6c5: {  	[hbm4b:s3+s2] =	stream.indirect_vreg.scatter [tilespmem:s19], [sflag:$0x2], $0x80, v5, vm0, $0xb8;
	[tilespmem:$0x11080] =	vst v63  }
0x6c6: {  	_ = 	snop  }
0x6c7: {  	[hbm4b:s3+s2] =	stream.indirect_vreg.scatter [tilespmem:s11], [sflag:$0x2], $0x80, v4, vm0, $0xb8;
	[tilespmem:$0x11080] =	vst v63  }
0x6c8: {  	v4 =	vld [tilespmem:$0xCD0];
	_ =	sdelay $0x4  }
0x6c9: {  	v5 =	vshll.u32 v4, $0x1  }
0x6ca: {  	v4 =	vand.u32 $0x7, v4;
	v5 =	vand.u32 $0xFFFFFFF0, v5  }
0x6cb: {  	v4 =	vor.u32 v4, v5  }
0x6cc: {  	v5 =	vperm.xlane v4, v1;
	_ =	sdelay $0x1  }
0x6cd: {  	v4 =	vperm.xlane v4, v3;
	v5 =	vadd.s32 v2, v5;
	_ =	sdelay $0x1  }
0x6ce: {  	v4 =	vadd.s32 v2, v4;
	_ =	sdelay $0x2  }
0x6cf: {  	[hbm4b:s3+s2] =	stream.indirect_vreg.scatter [tilespmem:s21], [sflag:$0x2], $0x80, v5, vm0, $0xb8;
	[tilespmem:$0x11080] =	vst v63  }
0x6d0: {  	_ = 	snop  }
0x6d1: {  	[hbm4b:s3+s2] =	stream.indirect_vreg.scatter [tilespmem:s14], [sflag:$0x2], $0x80, v4, vm0, $0xb8;
	[tilespmem:$0x11080] =	vst v63  }
0x6d2: {  	v4 =	vld [tilespmem:$0xCE0];
	_ =	sdelay $0x4  }
0x6d3: {  	v5 =	vshll.u32 v4, $0x1  }
0x6d4: {  	v4 =	vand.u32 $0x7, v4;
	v5 =	vand.u32 $0xFFFFFFF0, v5  }
0x6d5: {  	v4 =	vor.u32 v4, v5  }
0x6d6: {  	v5 =	vperm.xlane v4, v1;
	_ =	sdelay $0x1  }
0x6d7: {  	v4 =	vperm.xlane v4, v3;
	v5 =	vadd.s32 v2, v5;
	_ =	sdelay $0x1  }
0x6d8: {  	v4 =	vadd.s32 v2, v4;
	_ =	sdelay $0x2  }
0x6d9: {  	[hbm4b:s3+s2] =	stream.indirect_vreg.scatter [tilespmem:s23], [sflag:$0x2], $0x80, v5, vm0, $0xb8;
	[tilespmem:$0x11080] =	vst v63  }
0x6da: {  	_ = 	snop  }
0x6db: {  	[hbm4b:s3+s2] =	stream.indirect_vreg.scatter [tilespmem:s24], [sflag:$0x2], $0x80, v4, vm0, $0xb8;
	[tilespmem:$0x11080] =	vst v63  }
0x6dc: {  	v4 =	vld [tilespmem:$0xCF0];
	_ =	sdelay $0x4  }
0x6dd: {  	v5 =	vshll.u32 v4, $0x1  }
0x6de: {  	v4 =	vand.u32 $0x7, v4;
	v5 =	vand.u32 $0xFFFFFFF0, v5  }
0x6df: {  	v4 =	vor.u32 v4, v5  }
0x6e0: {  	v5 =	vperm.xlane v4, v1;
	_ =	sdelay $0x1  }
0x6e1: {  	v4 =	vperm.xlane v4, v3;
	v5 =	vadd.s32 v2, v5;
	_ =	sdelay $0x1  }
0x6e2: {  	v4 =	vadd.s32 v2, v4;
	_ =	sdelay $0x2  }
0x6e3: {  	[hbm4b:s3+s2] =	stream.indirect_vreg.scatter [tilespmem:s8], [sflag:$0x2], $0x80, v5, vm0, $0xb8;
	[tilespmem:$0x11080] =	vst v63  }
0x6e4: {  	_ = 	snop  }
0x6e5: {  	[hbm4b:s3+s2] =	stream.indirect_vreg.scatter [tilespmem:s22], [sflag:$0x2], $0x80, v4, vm0, $0xb8;
	[tilespmem:$0x11080] =	vst v63  }
0x6e6: {  	s25 =	rddreg [dreg:$0x8];
	_ =	swait.ge [sflag:s13], $0x8000  }
0x6e7: {  	[sflag:s13] =	ssyncset.done $0x0  }
0x6e8: {  	[sflag:s13] =	ssyncadd.s32 $0xFFFF8000  }
0x6e9: {  	_ =	swait.ge [sflag:s13], $0x8000  }
0x6ea: {  	[sflag:s13] =	ssyncset.done $0x0  }
0x6eb: {  	p0 =	sne.s32 s25, $0x1;
	s28 =	rddreg [dreg:$0x5];
	[sflag:s13] =	ssyncadd.s32 $0xFFFF8000  }
.Ltmp0:
0x6ec: {  	s30 =	simm.s32 $0x3;
	s29 =	rddreg [dreg:$0x7];
	[tilespmem:$0x11000] =	vst v0;
	(pc) =	sbr.rel @p0 .LBB2_1-.Ltmp0, $4  }
0x6ed: {  	[hbm4b:s28+s2] =	stream.linear.scatter [tilespmem:s29], [sflag:$0x3], $0x80, $0x38;
	[tilespmem:$0x11080] =	vst v63  }
0x6ee: {  	_ =	swait.ge [sflag:s30], $0x80  }
0x6ef: {  	s31 =	simm.s32 $0x3;
	[sflag:s30] =	ssyncset.done $0x0  }
0x6f0: {  	s5 =	sadd.s32 $0xFFFFFFFF, s25;
	[sflag:s31] =	ssyncadd.s32 $0xFFFFFF80  }
0x6f1: {  	_ =	sfence.sel $0x180000  }
0x6f2: {  	[bflag:$0x0] =	sbarrier.arrive $0xFFFF  }
0x6f3: {  	_ =	strace $0x90000047  }
0x6f4: {  	s0 =	stileid.u32;
	[bflag:$0x2] =	sbarrier.arrive $0xFFFF  }
0x6f5: {  	p0 =	sne.s32 s0, $0x0;
	s0 =	rddreg [dreg:$0x2]  }
0x6f6: {  	s0 =	sadd.s32 @!p0 $0x100000, s0  }
0x6f7: {  	[sflag:s0] =	ssyncadd.tile.s32 @!p0 $0x1;
	_ =	shalt  }
.Lfunc_end2:
_tile_overlayer_lowered:
.L_overlay_start_2:
0x6f8: {  	(tag) =	ssettag $0x2  }
0x6f9: {  	s0 =	rddreg [dreg:$0x0];
	s2 =	stileid.u32  }
0x6fa: {  	s1 =	rddreg [dreg:$0x1];
	p0 =	sne.s32 s2, $0x0  }
0x6fb: {  	s3 =	rddreg [dreg:$0x2];
	[bflag:$0x3] =	sbarrier.arrive $0xFFFF;
	s2 =	simm.s32 @!p0 $0x1C03  }
0x6fc: {  	[timem:s3], [sflag:s2] =	dma.local @!p0 [hbm:s0], s1  }
0x6fd: {  	s0 =	simm.s32 @!p0 $0x3  }
0x6fe: {  	_ =	swait.ge @!p0 [sflag:s0], s1  }
0x6ff: {  	s1 =	ssub.s32 @!p0 $0x0, s1;
	[sflag:s0] =	ssyncset.done @!p0 $0x0  }
0x700: {  	[sflag:s0] =	ssyncadd.s32 @!p0 s1  }
0x701: {  	[bflag:$0x3] =	sbarrier.arrive $0xFFFF  }
0x702: {  	_ =	shalt  }

// kernel: sparse-core-data-format-call.cloned.1.call-start
scs
called_computation_lowered:
.L_overlay_start_0:
0x0: {  	s2 =	sld [smem:$0x3FD9]  }
0x1: {  	s3 =	sld [smem:$0x3FFE];
	_ =	sdelay $0x1  }
0x2: {  	s1 =	srdreg.scid  }
0x3: {  	s0 =	sand.u32 $0x1, s1  }
0x4: {  	s18 =	sshll.u32 s0, $0xA;
	s2 =	sadd.s32 s3, s2  }
0x5: {  	s2 =	sadd.s32 s2, s18  }
0x6: {  	[smem:$0x3FBC] =	sst s2  }
0x7: {  	_ = 	snop  }
0x8: {  	s2 =	sld [smem:$0x3FD0];
	(tm) =	ssettm $0x1  }
0x9: {  	s19 =	sld [smem:$0x3FFB];
	_ =	sdelay $0x3  }
0xa: {  	_ =	strace s19  }
0xb: {  	s3 =	sld [smem:$0x3FFC];
	_ =	sdelay $0x3  }
0xc: {  	_ =	strace s3  }
0xd: {  	s3 =	sld [smem:$0x3FFD];
	_ =	sdelay $0x3  }
0xe: {  	_ =	strace s3  }
0xf: {  	_ =	strace $0x8FFFFFFF  }
0x10: {  	s20 =	sld [smem:$0x3FDB];
	_ =	sdelay $0x1  }
0x11: {  	s4 =	simm.s32 $_scs_section_size  }
0x12: {  	s5 =	simm.s32 $_size__tile_overlayer_lowered;
	s6 =	simm.s32 $_tile_overlayer_lowered  }
0x13: {  	s23 =	simm.s32 $0x1BFF;
	s22 =	sshll.u32 s6, $0x1;
	s3 =	sadd.s32 s4, s20  }
0x14: {  	s7 =	simm.s32 $0x0;
	s21 =	sshll.u32 s5, $0x1;
	s5 =	sadd.s32 s22, s3  }
0x15: {  	[timem:s7], [sflag:s23] =	dma.local [hbm:s5], s21  }
0x16: {  	_ =	swait.ge [sflag:s23], s21  }
0x17: {  	s4 =	ssub.s32 $0x0, s21;
	[sflag:s23] =	ssyncset.done $0x0  }
0x18: {  	[sflag:s23] =	ssyncadd.s32 s4;
	_ =	sdelay $0x1  }
0x19: {  	s24 =	simm.s32 $0x1B8B  }
0x1a: {  	_ =	swait.ge [sflag:s24], $0x1  }
0x1b: {  	[sflag:s24] =	ssyncset.done $0x0  }
0x1c: {  	s26 =	simm.s32 $0x1B8E;
	s25 =	sld [smem:$0x3FFE];
	[sflag:s24] =	ssyncadd.s32 $0xFFFFFFFF  }
0x1d: {  	s27 =	simm.s32 $execute0_lowered;
	[smem:$0x3FD2] =	sst s26  }
0x1e: {  	s5 =	sshll.u32 s27, $0x1;
	_ =	strace $0x80000049;
	[dreg:$0x1] =	wrdreg $0xFFFFFFFF  }
0x1f: {  	s28 =	simm.s32 $_size_execute0_lowered;
	s3 =	sadd.s32 s3, s5;
	[dreg:$0x0] =	wrdreg $0x0  }
0x20: {  	s5 =	sshll.u32 s28, $0x1;
	[dreg:$0x2] =	wrdreg s3  }
0x21: {  	[dreg:$0x3] =	wrdreg s5  }
0x22: {  	[dreg:$0x4] =	wrdreg $0xC0  }
0x23: {  	_ =	task [dreg:s7], $0x5FFFF  }
0x24: {  	[dreg:$0x1] =	wrdreg $0xFFFFFFFF  }
0x25: {  	[dreg:$0x0] =	wrdreg $0x60  }
0x26: {  	[dreg:$0x2] =	wrdreg s25  }
0x27: {  	[dreg:$0x3] =	wrdreg s2  }
0x28: {  	[dreg:$0x4] =	wrdreg $0x9  }
0x29: {  	_ =	task.clear_ibuf [dreg:s7], $0x5FFFF;
	_ =	strace $0x90000049  }
0x2a: {  	s29 =	simm.s32 $0x9;
	_ =	strace $0x8000004B  }
0x2b: {  	_ =	swait.ge [sflag:s29], $0x1  }
0x2c: {  	[sflag:s29] =	ssyncadd.s32 $0xFFFFFFFF  }
0x2d: {  	_ =	strace $0x9000004B  }
0x2e: {  	_ =	sfence  }
0x2f: {  	s30 =	sld [smem:$0x0];
	_ =	sdelay $0x2  }
0x30: {  	s31 =	sshll.u32 s1, $0xD;
	s1 =	sshrl.u32 s1, $0x2  }
0x31: {  	s3 =	sand.u32 $0x4000, s31;
	s1 =	sadd.s32 s1, s30  }
0x32: {  	s0 =	sor.u32 s3, s0;
	s1 =	sshll.u32 s1, $0x11  }
0x33: {  	s0 =	sor.u32 s1, s0  }
0x34: {  	s0 =	sadd.s32 $0x8F2B, s0  }
0x35: {  	[sflag:s0] =	ssyncadd.remote.s32 $0x1  }
0x36: {  	_ =	sfence.sel $0xFFFF  }
0x37: {  	[dreg:$0x0] =	wrdreg $0xFFFFFFFF;
	(pc) =	sbr.abs _section_cstart, $3  }
0x38: {  	[dreg:$0x1] =	wrdreg $0xFFFFFFFF  }
0x39: {  	_ =	task.clear_ibuf [dreg:s7], $0x2FFFF;
	_ =	strace $0x9FFFFFFF  }
0x3a: {  	(tm) =	ssettm $0x7FFFFFFF  }
0x3b: {  	_ =	shalt  }
tec
execute0_lowered:
.L_overlay_start_1:
0x0: {  	(tag) =	ssettag $0x1  }
0x1: {  	s0 =	srdreg.scid;
	s6 =	rddreg [dreg:$0x0]  }
0x2: {  	s3 =	rddreg [dreg:$0x1];
	s1 =	sshll.u32 s0, $0x4  }
0x3: {  	s5 =	simm.s32 $0x1;
	s0 =	stileid.u32;
	s1 =	sand.u32 $0x10, s1  }
0x4: {  	s31 =	simm.s32 $0x2;
	s16 =	simm.s32 $0x0;
	s1 =	sor.u32 s0, s1  }
0x5: {  	s8 =	simm.s32 $0x8000;
	s18 =	simm.s32 $0x0;
	s2 =	sshll.u32 s1, $0x7  }
0x6: {  	s17 =	simm.s32 $0x0;
	s9 =	simm.s32 $0x0;
	s4 =	ssub.s32 $0x1000, s2  }
0x7: {  	s10 =	simm.s32 $0x0;
	s11 =	simm.s32 $0x0;
	s30 =	sand.u32 $0xF80, s4  }
0x8: {  	s12 =	simm.s32 $0x0;
	s13 =	simm.s32 $0x0;
	p0 =	sne.s32 s30, $0x0  }
.Ltmp0:
0x9: {  	s7 =	sshrl.u32 s4, $0xC;
	s5 =	simm.s32 @!p0 $0x0;
	(pc) =	sbr.rel .LBB1_1-.Ltmp0, $4  }
0xa: {  	s15 =	simm.s32 $0x0;
	s1 =	rddreg [dreg:$0x2];
	s5 =	sadd.s32 s5, s7  }
0xb: {  	_ =	strace $0x8000004A;
	s4 =	simm.s32 $0x1;
	s5 =	smul.u32 $0x66, s5  }
0xc: {  	s6 =	sadd.s32 $0x286000, s6;
	s14 =	smov.u32 s2;
	[sflag:s4] =	ssyncpa.u1 $0x0  }
0xd: {  	[sflag:s31] =	ssyncpa.u1 $0x0;
	p0 =	por $0x0, $0x0;
	s7 =	sor.u32 $0x1, s5  }
.LBB1_4:
0xe: {  	s23 =	sshra.s32 s23, $0x2;
	s30 =	sshll.u32 s9, $0xC  }
0xf: {  	p1 =	sgt.s32 s10, $0x32;
	s24 =	smov.u32 s10;
	s25 =	sshra.s32 s10, $0x1F  }
0x10: {  	s26 =	sshll.u32 s11, $0x3;
	s28 =	smov.u32 s11;
	s29 =	sshra.s32 s11, $0x1F  }
0x11: {  	s22 =	sadd.s32 s23, s22;
	s24 =	simm.s32 @!p1 $0x32;
	s25 =	sand.u32 s25, s10  }
0x12: {  	s23 =	sand.u32 $0xFFFF8000, s30;
	s27 =	sand.u32 $0xFFFFFC00, s26;
	p1 =	sgt.s32 s9, $0x10  }
0x13: {  	s31 =	sand.u32 s29, s11;
	s29 =	sshll.u32 s9, $0x7;
	s30 =	sshra.s32 s9, $0x1F  }
0x14: {  	[tilespmem:s21+$0x2040 ss:$0x81] =	vst.msk $0xffff, v4;
	s24 =	ssub.s32 s24, s25;
	s23 =	sadd.s32 s27, s23;
	s27 =	smov.u32 s9  }
0x15: {  	[tilespmem:s21+$0x2850 ss:$0x81] =	vst.msk $0xffff, v3;
	s29 =	sand.u32 $0x380, s29;
	s25 =	sadd.s32 $0xFFFFFFCE, s24;
	s27 =	simm.s32 @!p1 $0x10  }
0x16: {  	v5 =	vld [tilespmem:s20+$0xFFFFFFD0];
	[tilespmem:s21+$0x3060 ss:$0x81] =	vst.msk $0xffff, v2;
	p1 =	sgt.s32 s11, $0xF80;
	s23 =	sshrl.u32 s23, $0xC;
	s24 =	ssub.s32 $0x33, s24  }
0x17: {  	v58 =	vld [tilespmem:s20+$0xFFFFFFE0];
	[tilespmem:s21+$0x0 ss:$0x81] =	vst.msk $0xffff, v1;
	s28 =	simm.s32 @!p1 $0xF80;
	p1 =	sgt.s32 s25, $0x0;
	s21 =	smulhi.u32 $0x1C71C72, s23  }
0x18: {  	v59 =	vld [tilespmem:s20+$0xFFFFFFF0];
	s25 =	ssub.s32 s28, s31;
	s28 =	sand.u32 s30, s9;
	s24 =	simm.s32 @p1 $0x0  }
0x19: {  	v60 =	vld [tilespmem:s20+$0x0];
	s27 =	ssub.s32 s27, s28;
	s31 =	sadd.s32 $0xFFFFF080, s25;
	s25 =	ssub.s32 $0x1000, s25  }
0x1a: {  	v61 =	vld [tilespmem:s20+$0x10];
	[tilespmem:s22+$0x3870 ss:$0x81] =	vst.msk $0xffff, v0;
	s21 =	smul.u32 $0x90, s21;
	s28 =	sand.u32 $0x7, s11;
	p1 =	sgt.s32 s31, $0x7F  }
0x1b: {  	v62 =	vld [tilespmem:s20+$0x20];
	[tilespmem:s22+$0x810 ss:$0x81] =	vst.msk $0xffff, v5;
	s30 =	sadd.s32 $0xFFFFFFF0, s27;
	s31 =	sand.u32 $0x78, s11;
	s25 =	simm.s32 @p1 $0x0  }
0x1c: {  	v63 =	vld [tilespmem:s20+$0xFFFFFFC0];
	[tilespmem:s22+$0x1020 ss:$0x81] =	vst.msk $0xffff, v58;
	p1 =	sgt.s32 s30, $0x7F;
	s30 =	sand.u32 $0xC00, s26;
	s24 =	smul.u32 s25, s24  }
0x1d: {  	[tilespmem:s22+$0x1830 ss:$0x81] =	vst.msk $0xffff, v59;
	s26 =	ssub.s32 $0x90, s27;
	s20 =	sor.u32 s31, s30;
	s31 =	smul.u32 $0x12000, s10  }
0x1e: {  	[tilespmem:s22+$0x2040 ss:$0x81] =	vst.msk $0xffff, v60;
	s21 =	ssub.s32 s23, s21;
	s26 =	simm.s32 @p1 $0x0;
	s20 =	sor.u32 s29, s20  }
0x1f: {  	[tilespmem:s22+$0x2850 ss:$0x81] =	vst.msk $0xffff, v61;
	s26 =	smul.u32 s26, s24;
	s20 =	sshrl.u32 s20, $0x3;
	s27 =	sadd.s32 s3, s31  }
0x20: {  	[tilespmem:s22+$0x3060 ss:$0x81] =	vst.msk $0xffff, v62;
	s21 =	sshll.u32 s21, $0x9;
	s29 =	sshll.u32 s28, $0x12;
	s20 =	sadd.s32 s20, s27  }
0x21: {  	[tilespmem:s22+$0x0 ss:$0x81] =	vst.msk $0xffff, v63;
	s31 =	sor.u32 $0x400, s29;
	s30 =	sand.u32 $0x3FFFFFFF, s26;
	s20 =	sadd.s32 s21, s20  }
0x22: {  	[hbm4b:s20+s31] =	stream.strided.scatter [tilespmem:s19], [sflag:$0x2], s30, s8, s31, $0x20;
	[tilespmem:$0x10100] =	vst v63  }
.LBB1_5:
0x23: {  	p1 =	slt.u32 s15, $0x2  }
0x24: {  	p2 =	sgt.s32 @!p1 s18, $0x32  }
0x25: {  	s19 =	smov.u32 s18;
	s20 =	sshra.s32 @!p1 s18, $0x1F;
	p2 =	por !p2, p1  }
0x26: {  	s18 =	sand.u32 @!p1 s20, s18;
	s19 =	simm.s32 @p2 $0x32  }
0x27: {  	p3 =	sgt.s32 @!p1 s16, $0x10;
	s18 =	ssub.s32 @!p1 s19, s18  }
0x28: {  	p4 =	sgt.s32 @!p1 s17, $0xF80;
	s21 =	sshra.s32 @!p1 s17, $0x1F;
	s19 =	sadd.s32 @!p1 $0xFFFFFFCE, s18  }
0x29: {  	s20 =	smov.u32 s16;
	p2 =	sgt.s32 @!p1 s19, $0x0;
	s19 =	sshra.s32 @!p1 s16, $0x1F  }
0x2a: {  	p4 =	por !p4, p1;
	s16 =	sand.u32 @!p1 s19, s16;
	s19 =	smov.u32 s17  }
0x2b: {  	p3 =	por !p3, p1;
	s17 =	sand.u32 @!p1 s21, s17;
	s19 =	simm.s32 @p4 $0xF80  }
0x2c: {  	s20 =	simm.s32 @p3 $0x10;
	s18 =	ssub.s32 @!p1 $0x33, s18;
	s17 =	ssub.s32 @!p1 s19, s17  }
0x2d: {  	p2 =	por !p2, p1;
	s16 =	ssub.s32 @!p1 s20, s16;
	s20 =	sadd.s32 @!p1 $0xFFFFF080, s17  }
0x2e: {  	s18 =	simm.s32 @!p2 $0x0;
	p3 =	sgt.s32 @!p1 s20, $0x7F  }
0x2f: {  	s19 =	sadd.s32 @!p1 $0xFFFFFFF0, s16;
	s17 =	ssub.s32 @!p1 $0x1000, s17;
	p3 =	por !p3, p1  }
0x30: {  	p2 =	sgt.s32 @!p1 s19, $0x7F;
	s19 =	sadd.s32 $0x80, s12;
	s17 =	simm.s32 @!p3 $0x0  }
0x31: {  	p3 =	sgt.s32 s19, $0x8D;
	s17 =	smul.u32 @!p1 s17, s18;
	s18 =	simm.s32 $0x1  }
0x32: {  	s16 =	ssub.s32 @!p1 $0x90, s16;
	p2 =	por !p2, p1;
	s18 =	simm.s32 @!p3 $0x0  }
0x33: {  	s21 =	smov.u32 s14;
	s16 =	simm.s32 @!p2 $0x0;
	s20 =	sadd.s32 s18, s13  }
0x34: {  	s16 =	smul.u32 @!p1 s16, s17;
	s17 =	sadd.s32 $0x1000, s14;
	p2 =	sgt.s32 s20, $0x32  }
0x35: {  	p0 =	por !p0, !p0;
	s22 =	simm.s32 @!p1 $0x2;
	s21 =	smov.u32 @p2 s17  }
0x36: {  	s19 =	simm.s32 @p3 $0x0;
	s20 =	simm.s32 @p2 $0x0;
	p2 =	sgt.s32 s21, $0xFFF  }
0x37: {  	s18 =	smov.u32 s10;
	s21 =	smov.u32 @p2 s2;
	p2 =	sne.s32 s15, s7  }
.Ltmp1:
0x38: {  	s10 =	smov.u32 s13;
	s16 =	sand.u32 @!p1 $0x3FFFFFFF, s16;
	(pc) =	sbr.rel @!p2 .LBB1_6-.Ltmp1, $4  }
0x39: {  	s17 =	smov.u32 s11;
	s11 =	smov.u32 s14;
	_ =	swait.ge @!p1 [sflag:s22], s16  }
0x3a: {  	s23 =	ssub.s32 @!p1 $0x0, s16;
	s16 =	smov.u32 s9;
	s9 =	smov.u32 s12  }
0x3b: {  	s12 =	smov.u32 s19;
	s13 =	smov.u32 s20;
	[sflag:s22] =	ssyncset.done @!p1 $0x0  }
0x3c: {  	s15 =	sadd.s32 $0x1, s15;
	[sflag:s22] =	ssyncadd.s32 @!p1 s23;
	s14 =	smov.u32 s21  }
.LBB1_1:
0x3d: {  	p1 =	sge.u32 s15, s5  }
0x3e: {  	s19 =	sshll.u32 @!p1 s13, $0x8;
	s20 =	sshll.u32 @!p1 s12, $0x3  }
0x3f: {  	s21 =	sshll.u32 @!p1 s13, $0x7;
	s19 =	sand.u32 @!p1 $0xFFFFF800, s19;
	s20 =	sand.u32 @!p1 $0xFFFFFC00, s20  }
0x40: {  	s19 =	sadd.s32 @!p1 s19, s20;
	s20 =	sand.u32 @!p1 $0x300, s21  }
0x41: {  	s19 =	sor.u32 @!p1 s20, s19  }
0x42: {  	s19 =	sshrl.u32 @!p1 s19, $0x8  }
0x43: {  	s31 =	sadd.s32 $0xFFFFFFFF, s15;
	s20 =	smulhi.u32 @!p1 $0x4924925, s19  }
0x44: {  	s22 =	sxor.u32 @!p1 $0xFFFFFFFF, s15;
	s23 =	sand.u32 @!p1 $0x78, s12;
	s24 =	smul.u32 @!p1 $0x700, s14  }
0x45: {  	s22 =	sshll.u32 @!p1 s22, $0xE;
	s21 =	sand.u32 @!p1 $0x80, s21;
	s20 =	smul.u32 @!p1 $0x38, s20  }
0x46: {  	s22 =	sand.u32 @!p1 $0x4000, s22;
	s21 =	sor.u32 @!p1 s23, s21;
	s23 =	sand.u32 @!p1 $0x7, s12  }
0x47: {  	s19 =	ssub.s32 @!p1 s19, s20;
	s20 =	sshrl.u32 @!p1 s21, $0x3;
	s21 =	sadd.s32 @!p1 s6, s24  }
0x48: {  	s19 =	sshll.u32 @!p1 s19, $0x5;
	s20 =	sadd.s32 @!p1 s20, s21;
	s21 =	sshll.u32 @!p1 s23, $0x12  }
0x49: {  	s19 =	sadd.s32 @!p1 s19, s20;
	s20 =	sor.u32 @!p1 $0x80, s21;
	s21 =	simm.s32 @!p1 $0x3800  }
0x4a: {  	[tilespmem:s22], [sflag:$0x1] =	stream.strided.gather @!p1 [hbm4b:s19+s20], $0x4000, s21, s20, $0x38;
	[tilespmem:$0x10100] =	vst v63  }
0x4b: {  	p1 =	sge.u32 s31, s5  }
.Ltmp2:
0x4c: {  	_ = 	snop;
	(pc) =	sbr.rel @p1 .LBB1_5-.Ltmp2, $1  }
0x4d: {  	_ =	sdelay $0x3  }
0x4e: {  	s19 =	simm.s32 $0x1  }
0x4f: {  	_ =	swait.ge [sflag:s4], $0x4000;
	s19 =	simm.s32 @!p0 $0x0  }
0x50: {  	[sflag:s4] =	ssyncset.done $0x0;
	s20 =	sshll.u32 s19, $0xE  }
0x51: {  	[sflag:s4] =	ssyncadd.s32 $0xFFFFC000;
	s20 =	sor.u32 $0x40, s20  }
0x52: {  	s19 =	smul.u32 $0x10200, s19;
	v0 =	vld [tilespmem:s20+$0x30]  }
0x53: {  	v1 =	vld [tilespmem:s20+$0xFFFFFFD0]  }
0x54: {  	s19 =	sshrl.u32 s19, $0x2;
	v5 =	vld [tilespmem:s20+$0xFFFFFFE0]  }
0x55: {  	v6 =	vld [tilespmem:s20+$0xFFFFFFF0];
	s22 =	sor.u32 $0x8000, s19  }
0x56: {  	s31 =	sand.u32 $0x1, s15;
	v4 =	vld [tilespmem:s20+$0x0];
	s21 =	sadd.s32 $0x0, s22  }
0x57: {  	v3 =	vld [tilespmem:s20+$0x10];
	s19 =	smul.u32 $0x10200, s31;
	[tilespmem:s21+$0x3870 ss:$0x81] =	vst.msk $0xffff, v0  }
0x58: {  	v2 =	vld [tilespmem:s20+$0x20];
	[tilespmem:s21+$0x810 ss:$0x81] =	vst.msk $0xffff, v1  }
0x59: {  	s19 =	sshrl.u32 s19, $0x2;
	v1 =	vld [tilespmem:s20+$0xFFFFFFC0];
	[tilespmem:s21+$0x1020 ss:$0x81] =	vst.msk $0xffff, v5;
	s20 =	sadd.s32 $0x80, s20  }
0x5a: {  	s23 =	simm.s32 $0x4;
	s24 =	simm.s32 $0x8;
	s19 =	sor.u32 $0x8000, s19;
	[tilespmem:s21+$0x1830 ss:$0x81] =	vst.msk $0xffff, v6;
	v0 =	vld [tilespmem:s20+$0x30]  }
.LBB1_3:
0x5b: {  	p1 =	sne.s32 s24, $0x1FC;
	v5 =	vld [tilespmem:s20+$0xFFFFFFD0];
	[tilespmem:s21+$0x2040 ss:$0x81] =	vst.msk $0xffff, v4  }
0x5c: {  	v6 =	vld [tilespmem:s20+$0xFFFFFFE0];
	[tilespmem:s21+$0x2850 ss:$0x81] =	vst.msk $0xffff, v3  }
0x5d: {  	s25 =	sshra.s32 s23, $0x2;
	s23 =	smov.u32 s24;
	v7 =	vld [tilespmem:s20+$0xFFFFFFF0];
	[tilespmem:s21+$0x3060 ss:$0x81] =	vst.msk $0xffff, v2  }
.Ltmp3:
0x5e: {  	v4 =	vld [tilespmem:s20+$0x0];
	[tilespmem:s21+$0x0 ss:$0x81] =	vst.msk $0xffff, v1;
	s21 =	sadd.s32 s25, s22;
	(pc) =	sbr.rel @p1 .LBB1_3-.Ltmp3, $4  }
0x5f: {  	v3 =	vld [tilespmem:s20+$0x10];
	[tilespmem:s21+$0x3870 ss:$0x81] =	vst.msk $0xffff, v0  }
0x60: {  	[tilespmem:s21+$0x810 ss:$0x81] =	vst.msk $0xffff, v5;
	v2 =	vld [tilespmem:s20+$0x20]  }
0x61: {  	v1 =	vld [tilespmem:s20+$0xFFFFFFC0];
	[tilespmem:s21+$0x1020 ss:$0x81] =	vst.msk $0xffff, v6;
	s20 =	sadd.s32 $0x80, s20  }
0x62: {  	s24 =	sadd.s32 $0x4, s24;
	v0 =	vld [tilespmem:s20+$0x30];
	[tilespmem:s21+$0x1830 ss:$0x81] =	vst.msk $0xffff, v7  }
.Ltmp4:
0x63: {  	_ = 	snop;
	(pc) =	sbr.rel .LBB1_4-.Ltmp4, $1  }
0x64: {  	_ =	sdelay $0x3  }
.LBB1_6:
0x65: {  	_ =	sfence.sel $0x180000  }
0x66: {  	s2 =	simm.s32 $0x1;
	[bflag:$0x0] =	sbarrier.arrive $0xFFFF  }
0x67: {  	s31 =	simm.s32 $0x2;
	[sflag:s2] =	ssyncpa.u1 $0x1  }
0x68: {  	[sflag:s31] =	ssyncpa.u1 $0x1  }
0x69: {  	p0 =	sne.s32 s0, $0x0;
	_ =	strace $0x9000004A  }
0x6a: {  	s0 =	sadd.s32 @!p0 $0x100000, s1;
	[bflag:$0x2] =	sbarrier.arrive $0xFFFF  }
0x6b: {  	[sflag:s0] =	ssyncadd.tile.s32 @!p0 $0x1;
	_ =	shalt  }
.Lfunc_end1:
_tile_overlayer_lowered:
.L_overlay_start_2:
0x6c: {  	(tag) =	ssettag $0x2  }
0x6d: {  	s0 =	rddreg [dreg:$0x0];
	s2 =	stileid.u32  }
0x6e: {  	s1 =	rddreg [dreg:$0x1];
	p0 =	sne.s32 s2, $0x0  }
0x6f: {  	s3 =	rddreg [dreg:$0x2];
	[bflag:$0x3] =	sbarrier.arrive $0xFFFF;
	s2 =	simm.s32 @!p0 $0x1C01  }
0x70: {  	[timem:s3], [sflag:s2] =	dma.local @!p0 [hbm:s0], s1  }
0x71: {  	s0 =	simm.s32 @!p0 $0x1  }
0x72: {  	_ =	swait.ge @!p0 [sflag:s0], s1  }
0x73: {  	s1 =	ssub.s32 @!p0 $0x0, s1;
	[sflag:s0] =	ssyncset.done @!p0 $0x0  }
0x74: {  	[sflag:s0] =	ssyncadd.s32 @!p0 s1  }
0x75: {  	[bflag:$0x3] =	sbarrier.arrive $0xFFFF  }
0x76: {  	_ =	shalt  }

</sc_bundles>
